<compile_context>
chip_gen: v7x
topology: tpu7x:2x2x1
jax: 0.10.2.dev20260603
libtpu: 0.0.44.dev20260713+nightly
codegen_flags: <defaults>
</compile_context>

<pallas_src>
import functools

import jax
import jax.numpy as jnp
from jax import lax
from jax.experimental import pallas as pl
from jax.experimental.pallas import tpu as pltpu
from jax.experimental.pallas import tpu_sc as plsc

_NUM_FIELDS = 26
_VOCAB = 100000
_EMB_DIM = 16
_BATCH = 16384

try:
    _info = plsc.get_sparse_core_info()
    _NC, _NS, _L = _info.num_cores, _info.num_subcores, _info.num_lanes
except Exception:
    _NC, _NS, _L = 2, 16, 16

_NW = _NC * _NS
_BPW = _BATCH // _NW


def _make_sc_gather():
    mesh = plsc.VectorSubcoreMesh(core_axis_name="c", subcore_axis_name="s")

    @functools.partial(
        pl.kernel,
        out_type=jax.ShapeDtypeStruct(
            (_BATCH, _NUM_FIELDS * _EMB_DIM), jnp.float32),
        mesh=mesh,
        compiler_params=pltpu.CompilerParams(use_tc_tiling_on_sc=False),
        scratch_types=(
            [pltpu.VMEM((_BPW,), jnp.int32) for _ in range(_NUM_FIELDS)]
            + [
                pltpu.VMEM((_BPW, _EMB_DIM), jnp.float32),
                pltpu.VMEM((_BPW, _EMB_DIM), jnp.float32),
                pltpu.SemaphoreType.DMA,
                pltpu.SemaphoreType.DMA,
                pltpu.SemaphoreType.DMA,
            ]
        ),
    )
    def k(tab_hbm, idx_hbm, out_hbm, *scratch):
        idx_vs = scratch[:_NUM_FIELDS]
        buf0, buf1, sem_idx, sem0, sem1 = scratch[_NUM_FIELDS:]
        wid = lax.axis_index("s") * _NC + lax.axis_index("c")
        b0 = wid * _BPW

        idx_descs = [
            pltpu.async_copy(
                idx_hbm.at[f, pl.ds(b0, _BPW)], idx_vs[f], sem_idx)
            for f in range(_NUM_FIELDS)
        ]

        bufs = (buf0, buf1)
        sems = (sem0, sem1)

        def fire(f):
            idx_descs[f].wait()
            return pltpu.async_copy(
                tab_hbm.at[f].at[idx_vs[f]], bufs[f % 2], sems[f % 2])

        def store(f):
            pltpu.sync_copy(
                bufs[f % 2],
                out_hbm.at[pl.ds(b0, _BPW), pl.ds(f * _EMB_DIM, _EMB_DIM)])

        descs = [fire(0)]
        for f in range(1, _NUM_FIELDS):
            descs.append(fire(f))
            descs[f - 1].wait()
            store(f - 1)
        descs[_NUM_FIELDS - 1].wait()
        store(_NUM_FIELDS - 1)

    return k


_sc_gather = _make_sc_gather()


def kernel(fixed_tensor, tables):
    idx_t = fixed_tensor.astype(jnp.int32).T
    return _sc_gather(tables, idx_t)

# --- scband reference (transcript-rebuilt; emitter-appended) ---
"""Pipeline reference for scband-fixed-feat-embedding-89696097009848 (READ-ONLY COPY).

The authoritative reference and input builder live on the scoring server;
editing this copy changes nothing except your own understanding.
"""

import jax, jax.numpy as jnp
import numpy as np

NUM_FIELDS = 26
VOCAB = 100000
EMB_DIM = 16
BATCH = 16384


def setup_inputs(seed: int = 0) -> dict:
    key = jax.random.key(seed)
    k_idx, k_tab = jax.random.split(key)
    fixed_tensor = jax.random.randint(k_idx, (BATCH, NUM_FIELDS), 0, VOCAB, dtype=jnp.int64 if jax.config.jax_enable_x64 else jnp.int32)
    # All 26 embedding tables have identical shape, so stack them: [F, V, D]
    tables = jax.random.normal(k_tab, (NUM_FIELDS, VOCAB, EMB_DIM), dtype=jnp.float32)
    return {"fixed_tensor": fixed_tensor, "tables": tables}


def reference(fixed_tensor, tables):
    # Faithful translation: per-field embedding lookup, concatenated along dim 1.
    outs = []
    for i in range(NUM_FIELDS):
        emb_in = fixed_tensor[:, i]               # [B]
        emb_out = jnp.take(tables[i], emb_in, axis=0)  # [B, D]
        outs.append(emb_out)
    return jnp.concatenate(outs, axis=1)          # [B, F*D]

if __name__ == "__main__":
    import jax
    _d = setup_inputs()
    print(jax.jit(kernel)(*tuple(_d.values())))

</pallas_src>

<mosaic_0001>
#map = affine_map<(d0, d1) -> (0, 0, 0)>
#map1 = affine_map<(d0, d1) -> (0, 0)>
module attributes {stable_mosaic.version = 14 : i64} {
  func.func @k(%arg0: i32, %arg1: i32, %arg2: memref<26x100000x16xf32, #tpu.memory_space<hbm>>, %arg3: memref<26x16384xi32, #tpu.memory_space<hbm>>, %arg4: memref<16384x416xf32, #tpu.memory_space<hbm>>, %arg5: memref<512xi32, #tpu.memory_space<vmem>>, %arg6: memref<512xi32, #tpu.memory_space<vmem>>, %arg7: memref<512xi32, #tpu.memory_space<vmem>>, %arg8: memref<512xi32, #tpu.memory_space<vmem>>, %arg9: memref<512xi32, #tpu.memory_space<vmem>>, %arg10: memref<512xi32, #tpu.memory_space<vmem>>, %arg11: memref<512xi32, #tpu.memory_space<vmem>>, %arg12: memref<512xi32, #tpu.memory_space<vmem>>, %arg13: memref<512xi32, #tpu.memory_space<vmem>>, %arg14: memref<512xi32, #tpu.memory_space<vmem>>, %arg15: memref<512xi32, #tpu.memory_space<vmem>>, %arg16: memref<512xi32, #tpu.memory_space<vmem>>, %arg17: memref<512xi32, #tpu.memory_space<vmem>>, %arg18: memref<512xi32, #tpu.memory_space<vmem>>, %arg19: memref<512xi32, #tpu.memory_space<vmem>>, %arg20: memref<512xi32, #tpu.memory_space<vmem>>, %arg21: memref<512xi32, #tpu.memory_space<vmem>>, %arg22: memref<512xi32, #tpu.memory_space<vmem>>, %arg23: memref<512xi32, #tpu.memory_space<vmem>>, %arg24: memref<512xi32, #tpu.memory_space<vmem>>, %arg25: memref<512xi32, #tpu.memory_space<vmem>>, %arg26: memref<512xi32, #tpu.memory_space<vmem>>, %arg27: memref<512xi32, #tpu.memory_space<vmem>>, %arg28: memref<512xi32, #tpu.memory_space<vmem>>, %arg29: memref<512xi32, #tpu.memory_space<vmem>>, %arg30: memref<512xi32, #tpu.memory_space<vmem>>, %arg31: memref<512x16xf32, #tpu.memory_space<vmem>>, %arg32: memref<512x16xf32, #tpu.memory_space<vmem>>, %arg33: memref<!tpu.dma_semaphore, #tpu.memory_space<semaphore_mem>>, %arg34: memref<!tpu.dma_semaphore, #tpu.memory_space<semaphore_mem>>, %arg35: memref<!tpu.dma_semaphore, #tpu.memory_space<semaphore_mem>>) attributes {dimension_semantics = [#tpu.dimension_semantics<core_parallel>, #tpu.dimension_semantics<subcore_parallel>], iteration_bounds = array<i64: 2, 16>, scalar_prefetch = 0 : i64, scratch_operands = 31 : i64, tpu.core_type = #tpu.core_type<sc_vector_subcore>, window_params = [{transform_indices = #map}, {transform_indices = #map1}, {transform_indices = #map1}]} {
    %mul3A = arith.constant 2 : i32
    %mul3A_0 = arith.muli %arg1, %mul3A : i32
    %add3A = arith.addi %mul3A_0, %arg0 : i32
    %mul3A_1 = arith.constant 512 : i32
    %mul3A_2 = arith.muli %add3A, %mul3A_1 : i32
    %dma_start3A = arith.constant 0 : i32
    %dma_start3A_3 = tpu.memref_slice %arg3[%dma_start3A, %mul3A_2] : memref<26x16384xi32, #tpu.memory_space<hbm>> -> memref<1x512xi32, #tpu.memory_space<hbm>>
    %dma_start3A_4 = tpu.memref_squeeze %dma_start3A_3 : memref<1x512xi32, #tpu.memory_space<hbm>> -> memref<512xi32, #tpu.memory_space<hbm>>
    %dma_start3A_5 = tpu.memref_slice %arg3[%dma_start3A, %mul3A_2] : memref<26x16384xi32, #tpu.memory_space<hbm>> -> memref<1x512xi32, #tpu.memory_space<hbm>>
    %dma_start3A_6 = tpu.memref_squeeze %dma_start3A_5 : memref<1x512xi32, #tpu.memory_space<hbm>> -> memref<512xi32, #tpu.memory_space<hbm>>
    tpu.enqueue_dma source(%dma_start3A_6 : memref<512xi32, #tpu.memory_space<hbm>>) target(%arg5 : memref<512xi32, #tpu.memory_space<vmem>>) target_semaphore(%arg33 : memref<!tpu.dma_semaphore, #tpu.memory_space<semaphore_mem>>)
    %dma_start3A_7 = arith.constant 1 : i32
    %dma_start3A_8 = tpu.memref_slice %arg3[%dma_start3A_7, %mul3A_2] : memref<26x16384xi32, #tpu.memory_space<hbm>> -> memref<1x512xi32, #tpu.memory_space<hbm>>
    %dma_start3A_9 = tpu.memref_squeeze %dma_start3A_8 : memref<1x512xi32, #tpu.memory_space<hbm>> -> memref<512xi32, #tpu.memory_space<hbm>>
    %dma_start3A_10 = tpu.memref_slice %arg3[%dma_start3A_7, %mul3A_2] : memref<26x16384xi32, #tpu.memory_space<hbm>> -> memref<1x512xi32, #tpu.memory_space<hbm>>
    %dma_start3A_11 = tpu.memref_squeeze %dma_start3A_10 : memref<1x512xi32, #tpu.memory_space<hbm>> -> memref<512xi32, #tpu.memory_space<hbm>>
    tpu.enqueue_dma source(%dma_start3A_11 : memref<512xi32, #tpu.memory_space<hbm>>) target(%arg6 : memref<512xi32, #tpu.memory_space<vmem>>) target_semaphore(%arg33 : memref<!tpu.dma_semaphore, #tpu.memory_space<semaphore_mem>>)
    %dma_start3A_12 = arith.constant 2 : i32
    %dma_start3A_13 = tpu.memref_slice %arg3[%dma_start3A_12, %mul3A_2] : memref<26x16384xi32, #tpu.memory_space<hbm>> -> memref<1x512xi32, #tpu.memory_space<hbm>>
    %dma_start3A_14 = tpu.memref_squeeze %dma_start3A_13 : memref<1x512xi32, #tpu.memory_space<hbm>> -> memref<512xi32, #tpu.memory_space<hbm>>
    %dma_start3A_15 = tpu.memref_slice %arg3[%dma_start3A_12, %mul3A_2] : memref<26x16384xi32, #tpu.memory_space<hbm>> -> memref<1x512xi32, #tpu.memory_space<hbm>>
    %dma_start3A_16 = tpu.memref_squeeze %dma_start3A_15 : memref<1x512xi32, #tpu.memory_space<hbm>> -> memref<512xi32, #tpu.memory_space<hbm>>
    tpu.enqueue_dma source(%dma_start3A_16 : memref<512xi32, #tpu.memory_space<hbm>>) target(%arg7 : memref<512xi32, #tpu.memory_space<vmem>>) target_semaphore(%arg33 : memref<!tpu.dma_semaphore, #tpu.memory_space<semaphore_mem>>)
    %dma_start3A_17 = arith.constant 3 : i32
    %dma_start3A_18 = tpu.memref_slice %arg3[%dma_start3A_17, %mul3A_2] : memref<26x16384xi32, #tpu.memory_space<hbm>> -> memref<1x512xi32, #tpu.memory_space<hbm>>
    %dma_start3A_19 = tpu.memref_squeeze %dma_start3A_18 : memref<1x512xi32, #tpu.memory_space<hbm>> -> memref<512xi32, #tpu.memory_space<hbm>>
    %dma_start3A_20 = tpu.memref_slice %arg3[%dma_start3A_17, %mul3A_2] : memref<26x16384xi32, #tpu.memory_space<hbm>> -> memref<1x512xi32, #tpu.memory_space<hbm>>
    %dma_start3A_21 = tpu.memref_squeeze %dma_start3A_20 : memref<1x512xi32, #tpu.memory_space<hbm>> -> memref<512xi32, #tpu.memory_space<hbm>>
    tpu.enqueue_dma source(%dma_start3A_21 : memref<512xi32, #tpu.memory_space<hbm>>) target(%arg8 : memref<512xi32, #tpu.memory_space<vmem>>) target_semaphore(%arg33 : memref<!tpu.dma_semaphore, #tpu.memory_space<semaphore_mem>>)
    %dma_start3A_22 = arith.constant 4 : i32
    %dma_start3A_23 = tpu.memref_slice %arg3[%dma_start3A_22, %mul3A_2] : memref<26x16384xi32, #tpu.memory_space<hbm>> -> memref<1x512xi32, #tpu.memory_space<hbm>>
    %dma_start3A_24 = tpu.memref_squeeze %dma_start3A_23 : memref<1x512xi32, #tpu.memory_space<hbm>> -> memref<512xi32, #tpu.memory_space<hbm>>
    %dma_start3A_25 = tpu.memref_slice %arg3[%dma_start3A_22, %mul3A_2] : memref<26x16384xi32, #tpu.memory_space<hbm>> -> memref<1x512xi32, #tpu.memory_space<hbm>>
    %dma_start3A_26 = tpu.memref_squeeze %dma_start3A_25 : memref<1x512xi32, #tpu.memory_space<hbm>> -> memref<512xi32, #tpu.memory_space<hbm>>
    tpu.enqueue_dma source(%dma_start3A_26 : memref<512xi32, #tpu.memory_space<hbm>>) target(%arg9 : memref<512xi32, #tpu.memory_space<vmem>>) target_semaphore(%arg33 : memref<!tpu.dma_semaphore, #tpu.memory_space<semaphore_mem>>)
    %dma_start3A_27 = arith.constant 5 : i32
    %dma_start3A_28 = tpu.memref_slice %arg3[%dma_start3A_27, %mul3A_2] : memref<26x16384xi32, #tpu.memory_space<hbm>> -> memref<1x512xi32, #tpu.memory_space<hbm>>
    %dma_start3A_29 = tpu.memref_squeeze %dma_start3A_28 : memref<1x512xi32, #tpu.memory_space<hbm>> -> memref<512xi32, #tpu.memory_space<hbm>>
    %dma_start3A_30 = tpu.memref_slice %arg3[%dma_start3A_27, %mul3A_2] : memref<26x16384xi32, #tpu.memory_space<hbm>> -> memref<1x512xi32, #tpu.memory_space<hbm>>
    %dma_start3A_31 = tpu.memref_squeeze %dma_start3A_30 : memref<1x512xi32, #tpu.memory_space<hbm>> -> memref<512xi32, #tpu.memory_space<hbm>>
    tpu.enqueue_dma source(%dma_start3A_31 : memref<512xi32, #tpu.memory_space<hbm>>) target(%arg10 : memref<512xi32, #tpu.memory_space<vmem>>) target_semaphore(%arg33 : memref<!tpu.dma_semaphore, #tpu.memory_space<semaphore_mem>>)
    %dma_start3A_32 = arith.constant 6 : i32
    %dma_start3A_33 = tpu.memref_slice %arg3[%dma_start3A_32, %mul3A_2] : memref<26x16384xi32, #tpu.memory_space<hbm>> -> memref<1x512xi32, #tpu.memory_space<hbm>>
    %dma_start3A_34 = tpu.memref_squeeze %dma_start3A_33 : memref<1x512xi32, #tpu.memory_space<hbm>> -> memref<512xi32, #tpu.memory_space<hbm>>
    %dma_start3A_35 = tpu.memref_slice %arg3[%dma_start3A_32, %mul3A_2] : memref<26x16384xi32, #tpu.memory_space<hbm>> -> memref<1x512xi32, #tpu.memory_space<hbm>>
    %dma_start3A_36 = tpu.memref_squeeze %dma_start3A_35 : memref<1x512xi32, #tpu.memory_space<hbm>> -> memref<512xi32, #tpu.memory_space<hbm>>
    tpu.enqueue_dma source(%dma_start3A_36 : memref<512xi32, #tpu.memory_space<hbm>>) target(%arg11 : memref<512xi32, #tpu.memory_space<vmem>>) target_semaphore(%arg33 : memref<!tpu.dma_semaphore, #tpu.memory_space<semaphore_mem>>)
    %dma_start3A_37 = arith.constant 7 : i32
    %dma_start3A_38 = tpu.memref_slice %arg3[%dma_start3A_37, %mul3A_2] : memref<26x16384xi32, #tpu.memory_space<hbm>> -> memref<1x512xi32, #tpu.memory_space<hbm>>
    %dma_start3A_39 = tpu.memref_squeeze %dma_start3A_38 : memref<1x512xi32, #tpu.memory_space<hbm>> -> memref<512xi32, #tpu.memory_space<hbm>>
    %dma_start3A_40 = tpu.memref_slice %arg3[%dma_start3A_37, %mul3A_2] : memref<26x16384xi32, #tpu.memory_space<hbm>> -> memref<1x512xi32, #tpu.memory_space<hbm>>
    %dma_start3A_41 = tpu.memref_squeeze %dma_start3A_40 : memref<1x512xi32, #tpu.memory_space<hbm>> -> memref<512xi32, #tpu.memory_space<hbm>>
    tpu.enqueue_dma source(%dma_start3A_41 : memref<512xi32, #tpu.memory_space<hbm>>) target(%arg12 : memref<512xi32, #tpu.memory_space<vmem>>) target_semaphore(%arg33 : memref<!tpu.dma_semaphore, #tpu.memory_space<semaphore_mem>>)
    %dma_start3A_42 = arith.constant 8 : i32
    %dma_start3A_43 = tpu.memref_slice %arg3[%dma_start3A_42, %mul3A_2] : memref<26x16384xi32, #tpu.memory_space<hbm>> -> memref<1x512xi32, #tpu.memory_space<hbm>>
    %dma_start3A_44 = tpu.memref_squeeze %dma_start3A_43 : memref<1x512xi32, #tpu.memory_space<hbm>> -> memref<512xi32, #tpu.memory_space<hbm>>
    %dma_start3A_45 = tpu.memref_slice %arg3[%dma_start3A_42, %mul3A_2] : memref<26x16384xi32, #tpu.memory_space<hbm>> -> memref<1x512xi32, #tpu.memory_space<hbm>>
    %dma_start3A_46 = tpu.memref_squeeze %dma_start3A_45 : memref<1x512xi32, #tpu.memory_space<hbm>> -> memref<512xi32, #tpu.memory_space<hbm>>
    tpu.enqueue_dma source(%dma_start3A_46 : memref<512xi32, #tpu.memory_space<hbm>>) target(%arg13 : memref<512xi32, #tpu.memory_space<vmem>>) target_semaphore(%arg33 : memref<!tpu.dma_semaphore, #tpu.memory_space<semaphore_mem>>)
    %dma_start3A_47 = arith.constant 9 : i32
    %dma_start3A_48 = tpu.memref_slice %arg3[%dma_start3A_47, %mul3A_2] : memref<26x16384xi32, #tpu.memory_space<hbm>> -> memref<1x512xi32, #tpu.memory_space<hbm>>
    %dma_start3A_49 = tpu.memref_squeeze %dma_start3A_48 : memref<1x512xi32, #tpu.memory_space<hbm>> -> memref<512xi32, #tpu.memory_space<hbm>>
    %dma_start3A_50 = tpu.memref_slice %arg3[%dma_start3A_47, %mul3A_2] : memref<26x16384xi32, #tpu.memory_space<hbm>> -> memref<1x512xi32, #tpu.memory_space<hbm>>
    %dma_start3A_51 = tpu.memref_squeeze %dma_start3A_50 : memref<1x512xi32, #tpu.memory_space<hbm>> -> memref<512xi32, #tpu.memory_space<hbm>>
    tpu.enqueue_dma source(%dma_start3A_51 : memref<512xi32, #tpu.memory_space<hbm>>) target(%arg14 : memref<512xi32, #tpu.memory_space<vmem>>) target_semaphore(%arg33 : memref<!tpu.dma_semaphore, #tpu.memory_space<semaphore_mem>>)
    %dma_start3A_52 = arith.constant 10 : i32
    %dma_start3A_53 = tpu.memref_slice %arg3[%dma_start3A_52, %mul3A_2] : memref<26x16384xi32, #tpu.memory_space<hbm>> -> memref<1x512xi32, #tpu.memory_space<hbm>>
    %dma_start3A_54 = tpu.memref_squeeze %dma_start3A_53 : memref<1x512xi32, #tpu.memory_space<hbm>> -> memref<512xi32, #tpu.memory_space<hbm>>
    %dma_start3A_55 = tpu.memref_slice %arg3[%dma_start3A_52, %mul3A_2] : memref<26x16384xi32, #tpu.memory_space<hbm>> -> memref<1x512xi32, #tpu.memory_space<hbm>>
    %dma_start3A_56 = tpu.memref_squeeze %dma_start3A_55 : memref<1x512xi32, #tpu.memory_space<hbm>> -> memref<512xi32, #tpu.memory_space<hbm>>
    tpu.enqueue_dma source(%dma_start3A_56 : memref<512xi32, #tpu.memory_space<hbm>>) target(%arg15 : memref<512xi32, #tpu.memory_space<vmem>>) target_semaphore(%arg33 : memref<!tpu.dma_semaphore, #tpu.memory_space<semaphore_mem>>)
    %dma_start3A_57 = arith.constant 11 : i32
    %dma_start3A_58 = tpu.memref_slice %arg3[%dma_start3A_57, %mul3A_2] : memref<26x16384xi32, #tpu.memory_space<hbm>> -> memref<1x512xi32, #tpu.memory_space<hbm>>
    %dma_start3A_59 = tpu.memref_squeeze %dma_start3A_58 : memref<1x512xi32, #tpu.memory_space<hbm>> -> memref<512xi32, #tpu.memory_space<hbm>>
    %dma_start3A_60 = tpu.memref_slice %arg3[%dma_start3A_57, %mul3A_2] : memref<26x16384xi32, #tpu.memory_space<hbm>> -> memref<1x512xi32, #tpu.memory_space<hbm>>
    %dma_start3A_61 = tpu.memref_squeeze %dma_start3A_60 : memref<1x512xi32, #tpu.memory_space<hbm>> -> memref<512xi32, #tpu.memory_space<hbm>>
    tpu.enqueue_dma source(%dma_start3A_61 : memref<512xi32, #tpu.memory_space<hbm>>) target(%arg16 : memref<512xi32, #tpu.memory_space<vmem>>) target_semaphore(%arg33 : memref<!tpu.dma_semaphore, #tpu.memory_space<semaphore_mem>>)
    %dma_start3A_62 = arith.constant 12 : i32
    %dma_start3A_63 = tpu.memref_slice %arg3[%dma_start3A_62, %mul3A_2] : memref<26x16384xi32, #tpu.memory_space<hbm>> -> memref<1x512xi32, #tpu.memory_space<hbm>>
    %dma_start3A_64 = tpu.memref_squeeze %dma_start3A_63 : memref<1x512xi32, #tpu.memory_space<hbm>> -> memref<512xi32, #tpu.memory_space<hbm>>
    %dma_start3A_65 = tpu.memref_slice %arg3[%dma_start3A_62, %mul3A_2] : memref<26x16384xi32, #tpu.memory_space<hbm>> -> memref<1x512xi32, #tpu.memory_space<hbm>>
    %dma_start3A_66 = tpu.memref_squeeze %dma_start3A_65 : memref<1x512xi32, #tpu.memory_space<hbm>> -> memref<512xi32, #tpu.memory_space<hbm>>
    tpu.enqueue_dma source(%dma_start3A_66 : memref<512xi32, #tpu.memory_space<hbm>>) target(%arg17 : memref<512xi32, #tpu.memory_space<vmem>>) target_semaphore(%arg33 : memref<!tpu.dma_semaphore, #tpu.memory_space<semaphore_mem>>)
    %dma_start3A_67 = arith.constant 13 : i32
    %dma_start3A_68 = tpu.memref_slice %arg3[%dma_start3A_67, %mul3A_2] : memref<26x16384xi32, #tpu.memory_space<hbm>> -> memref<1x512xi32, #tpu.memory_space<hbm>>
    %dma_start3A_69 = tpu.memref_squeeze %dma_start3A_68 : memref<1x512xi32, #tpu.memory_space<hbm>> -> memref<512xi32, #tpu.memory_space<hbm>>
    %dma_start3A_70 = tpu.memref_slice %arg3[%dma_start3A_67, %mul3A_2] : memref<26x16384xi32, #tpu.memory_space<hbm>> -> memref<1x512xi32, #tpu.memory_space<hbm>>
    %dma_start3A_71 = tpu.memref_squeeze %dma_start3A_70 : memref<1x512xi32, #tpu.memory_space<hbm>> -> memref<512xi32, #tpu.memory_space<hbm>>
    tpu.enqueue_dma source(%dma_start3A_71 : memref<512xi32, #tpu.memory_space<hbm>>) target(%arg18 : memref<512xi32, #tpu.memory_space<vmem>>) target_semaphore(%arg33 : memref<!tpu.dma_semaphore, #tpu.memory_space<semaphore_mem>>)
    %dma_start3A_72 = arith.constant 14 : i32
    %dma_start3A_73 = tpu.memref_slice %arg3[%dma_start3A_72, %mul3A_2] : memref<26x16384xi32, #tpu.memory_space<hbm>> -> memref<1x512xi32, #tpu.memory_space<hbm>>
    %dma_start3A_74 = tpu.memref_squeeze %dma_start3A_73 : memref<1x512xi32, #tpu.memory_space<hbm>> -> memref<512xi32, #tpu.memory_space<hbm>>
    %dma_start3A_75 = tpu.memref_slice %arg3[%dma_start3A_72, %mul3A_2] : memref<26x16384xi32, #tpu.memory_space<hbm>> -> memref<1x512xi32, #tpu.memory_space<hbm>>
    %dma_start3A_76 = tpu.memref_squeeze %dma_start3A_75 : memref<1x512xi32, #tpu.memory_space<hbm>> -> memref<512xi32, #tpu.memory_space<hbm>>
    tpu.enqueue_dma source(%dma_start3A_76 : memref<512xi32, #tpu.memory_space<hbm>>) target(%arg19 : memref<512xi32, #tpu.memory_space<vmem>>) target_semaphore(%arg33 : memref<!tpu.dma_semaphore, #tpu.memory_space<semaphore_mem>>)
    %dma_start3A_77 = arith.constant 15 : i32
    %dma_start3A_78 = tpu.memref_slice %arg3[%dma_start3A_77, %mul3A_2] : memref<26x16384xi32, #tpu.memory_space<hbm>> -> memref<1x512xi32, #tpu.memory_space<hbm>>
    %dma_start3A_79 = tpu.memref_squeeze %dma_start3A_78 : memref<1x512xi32, #tpu.memory_space<hbm>> -> memref<512xi32, #tpu.memory_space<hbm>>
    %dma_start3A_80 = tpu.memref_slice %arg3[%dma_start3A_77, %mul3A_2] : memref<26x16384xi32, #tpu.memory_space<hbm>> -> memref<1x512xi32, #tpu.memory_space<hbm>>
    %dma_start3A_81 = tpu.memref_squeeze %dma_start3A_80 : memref<1x512xi32, #tpu.memory_space<hbm>> -> memref<512xi32, #tpu.memory_space<hbm>>
    tpu.enqueue_dma source(%dma_start3A_81 : memref<512xi32, #tpu.memory_space<hbm>>) target(%arg20 : memref<512xi32, #tpu.memory_space<vmem>>) target_semaphore(%arg33 : memref<!tpu.dma_semaphore, #tpu.memory_space<semaphore_mem>>)
    %dma_start3A_82 = arith.constant 16 : i32
    %dma_start3A_83 = tpu.memref_slice %arg3[%dma_start3A_82, %mul3A_2] : memref<26x16384xi32, #tpu.memory_space<hbm>> -> memref<1x512xi32, #tpu.memory_space<hbm>>
    %dma_start3A_84 = tpu.memref_squeeze %dma_start3A_83 : memref<1x512xi32, #tpu.memory_space<hbm>> -> memref<512xi32, #tpu.memory_space<hbm>>
    %dma_start3A_85 = tpu.memref_slice %arg3[%dma_start3A_82, %mul3A_2] : memref<26x16384xi32, #tpu.memory_space<hbm>> -> memref<1x512xi32, #tpu.memory_space<hbm>>
    %dma_start3A_86 = tpu.memref_squeeze %dma_start3A_85 : memref<1x512xi32, #tpu.memory_space<hbm>> -> memref<512xi32, #tpu.memory_space<hbm>>
    tpu.enqueue_dma source(%dma_start3A_86 : memref<512xi32, #tpu.memory_space<hbm>>) target(%arg21 : memref<512xi32, #tpu.memory_space<vmem>>) target_semaphore(%arg33 : memref<!tpu.dma_semaphore, #tpu.memory_space<semaphore_mem>>)
    %dma_start3A_87 = arith.constant 17 : i32
    %dma_start3A_88 = tpu.memref_slice %arg3[%dma_start3A_87, %mul3A_2] : memref<26x16384xi32, #tpu.memory_space<hbm>> -> memref<1x512xi32, #tpu.memory_space<hbm>>
    %dma_start3A_89 = tpu.memref_squeeze %dma_start3A_88 : memref<1x512xi32, #tpu.memory_space<hbm>> -> memref<512xi32, #tpu.memory_space<hbm>>
    %dma_start3A_90 = tpu.memref_slice %arg3[%dma_start3A_87, %mul3A_2] : memref<26x16384xi32, #tpu.memory_space<hbm>> -> memref<1x512xi32, #tpu.memory_space<hbm>>
    %dma_start3A_91 = tpu.memref_squeeze %dma_start3A_90 : memref<1x512xi32, #tpu.memory_space<hbm>> -> memref<512xi32, #tpu.memory_space<hbm>>
    tpu.enqueue_dma source(%dma_start3A_91 : memref<512xi32, #tpu.memory_space<hbm>>) target(%arg22 : memref<512xi32, #tpu.memory_space<vmem>>) target_semaphore(%arg33 : memref<!tpu.dma_semaphore, #tpu.memory_space<semaphore_mem>>)
    %dma_start3A_92 = arith.constant 18 : i32
    %dma_start3A_93 = tpu.memref_slice %arg3[%dma_start3A_92, %mul3A_2] : memref<26x16384xi32, #tpu.memory_space<hbm>> -> memref<1x512xi32, #tpu.memory_space<hbm>>
    %dma_start3A_94 = tpu.memref_squeeze %dma_start3A_93 : memref<1x512xi32, #tpu.memory_space<hbm>> -> memref<512xi32, #tpu.memory_space<hbm>>
    %dma_start3A_95 = tpu.memref_slice %arg3[%dma_start3A_92, %mul3A_2] : memref<26x16384xi32, #tpu.memory_space<hbm>> -> memref<1x512xi32, #tpu.memory_space<hbm>>
    %dma_start3A_96 = tpu.memref_squeeze %dma_start3A_95 : memref<1x512xi32, #tpu.memory_space<hbm>> -> memref<512xi32, #tpu.memory_space<hbm>>
    tpu.enqueue_dma source(%dma_start3A_96 : memref<512xi32, #tpu.memory_space<hbm>>) target(%arg23 : memref<512xi32, #tpu.memory_space<vmem>>) target_semaphore(%arg33 : memref<!tpu.dma_semaphore, #tpu.memory_space<semaphore_mem>>)
    %dma_start3A_97 = arith.constant 19 : i32
    %dma_start3A_98 = tpu.memref_slice %arg3[%dma_start3A_97, %mul3A_2] : memref<26x16384xi32, #tpu.memory_space<hbm>> -> memref<1x512xi32, #tpu.memory_space<hbm>>
    %dma_start3A_99 = tpu.memref_squeeze %dma_start3A_98 : memref<1x512xi32, #tpu.memory_space<hbm>> -> memref<512xi32, #tpu.memory_space<hbm>>
    %dma_start3A_100 = tpu.memref_slice %arg3[%dma_start3A_97, %mul3A_2] : memref<26x16384xi32, #tpu.memory_space<hbm>> -> memref<1x512xi32, #tpu.memory_space<hbm>>
    %dma_start3A_101 = tpu.memref_squeeze %dma_start3A_100 : memref<1x512xi32, #tpu.memory_space<hbm>> -> memref<512xi32, #tpu.memory_space<hbm>>
    tpu.enqueue_dma source(%dma_start3A_101 : memref<512xi32, #tpu.memory_space<hbm>>) target(%arg24 : memref<512xi32, #tpu.memory_space<vmem>>) target_semaphore(%arg33 : memref<!tpu.dma_semaphore, #tpu.memory_space<semaphore_mem>>)
    %dma_start3A_102 = arith.constant 20 : i32
    %dma_start3A_103 = tpu.memref_slice %arg3[%dma_start3A_102, %mul3A_2] : memref<26x16384xi32, #tpu.memory_space<hbm>> -> memref<1x512xi32, #tpu.memory_space<hbm>>
    %dma_start3A_104 = tpu.memref_squeeze %dma_start3A_103 : memref<1x512xi32, #tpu.memory_space<hbm>> -> memref<512xi32, #tpu.memory_space<hbm>>
    %dma_start3A_105 = tpu.memref_slice %arg3[%dma_start3A_102, %mul3A_2] : memref<26x16384xi32, #tpu.memory_space<hbm>> -> memref<1x512xi32, #tpu.memory_space<hbm>>
    %dma_start3A_106 = tpu.memref_squeeze %dma_start3A_105 : memref<1x512xi32, #tpu.memory_space<hbm>> -> memref<512xi32, #tpu.memory_space<hbm>>
    tpu.enqueue_dma source(%dma_start3A_106 : memref<512xi32, #tpu.memory_space<hbm>>) target(%arg25 : memref<512xi32, #tpu.memory_space<vmem>>) target_semaphore(%arg33 : memref<!tpu.dma_semaphore, #tpu.memory_space<semaphore_mem>>)
    %dma_start3A_107 = arith.constant 21 : i32
    %dma_start3A_108 = tpu.memref_slice %arg3[%dma_start3A_107, %mul3A_2] : memref<26x16384xi32, #tpu.memory_space<hbm>> -> memref<1x512xi32, #tpu.memory_space<hbm>>
    %dma_start3A_109 = tpu.memref_squeeze %dma_start3A_108 : memref<1x512xi32, #tpu.memory_space<hbm>> -> memref<512xi32, #tpu.memory_space<hbm>>
    %dma_start3A_110 = tpu.memref_slice %arg3[%dma_start3A_107, %mul3A_2] : memref<26x16384xi32, #tpu.memory_space<hbm>> -> memref<1x512xi32, #tpu.memory_space<hbm>>
    %dma_start3A_111 = tpu.memref_squeeze %dma_start3A_110 : memref<1x512xi32, #tpu.memory_space<hbm>> -> memref<512xi32, #tpu.memory_space<hbm>>
    tpu.enqueue_dma source(%dma_start3A_111 : memref<512xi32, #tpu.memory_space<hbm>>) target(%arg26 : memref<512xi32, #tpu.memory_space<vmem>>) target_semaphore(%arg33 : memref<!tpu.dma_semaphore, #tpu.memory_space<semaphore_mem>>)
    %dma_start3A_112 = arith.constant 22 : i32
    %dma_start3A_113 = tpu.memref_slice %arg3[%dma_start3A_112, %mul3A_2] : memref<26x16384xi32, #tpu.memory_space<hbm>> -> memref<1x512xi32, #tpu.memory_space<hbm>>
    %dma_start3A_114 = tpu.memref_squeeze %dma_start3A_113 : memref<1x512xi32, #tpu.memory_space<hbm>> -> memref<512xi32, #tpu.memory_space<hbm>>
    %dma_start3A_115 = tpu.memref_slice %arg3[%dma_start3A_112, %mul3A_2] : memref<26x16384xi32, #tpu.memory_space<hbm>> -> memref<1x512xi32, #tpu.memory_space<hbm>>
    %dma_start3A_116 = tpu.memref_squeeze %dma_start3A_115 : memref<1x512xi32, #tpu.memory_space<hbm>> -> memref<512xi32, #tpu.memory_space<hbm>>
    tpu.enqueue_dma source(%dma_start3A_116 : memref<512xi32, #tpu.memory_space<hbm>>) target(%arg27 : memref<512xi32, #tpu.memory_space<vmem>>) target_semaphore(%arg33 : memref<!tpu.dma_semaphore, #tpu.memory_space<semaphore_mem>>)
    %dma_start3A_117 = arith.constant 23 : i32
    %dma_start3A_118 = tpu.memref_slice %arg3[%dma_start3A_117, %mul3A_2] : memref<26x16384xi32, #tpu.memory_space<hbm>> -> memref<1x512xi32, #tpu.memory_space<hbm>>
    %dma_start3A_119 = tpu.memref_squeeze %dma_start3A_118 : memref<1x512xi32, #tpu.memory_space<hbm>> -> memref<512xi32, #tpu.memory_space<hbm>>
    %dma_start3A_120 = tpu.memref_slice %arg3[%dma_start3A_117, %mul3A_2] : memref<26x16384xi32, #tpu.memory_space<hbm>> -> memref<1x512xi32, #tpu.memory_space<hbm>>
    %dma_start3A_121 = tpu.memref_squeeze %dma_start3A_120 : memref<1x512xi32, #tpu.memory_space<hbm>> -> memref<512xi32, #tpu.memory_space<hbm>>
    tpu.enqueue_dma source(%dma_start3A_121 : memref<512xi32, #tpu.memory_space<hbm>>) target(%arg28 : memref<512xi32, #tpu.memory_space<vmem>>) target_semaphore(%arg33 : memref<!tpu.dma_semaphore, #tpu.memory_space<semaphore_mem>>)
    %dma_start3A_122 = arith.constant 24 : i32
    %dma_start3A_123 = tpu.memref_slice %arg3[%dma_start3A_122, %mul3A_2] : memref<26x16384xi32, #tpu.memory_space<hbm>> -> memref<1x512xi32, #tpu.memory_space<hbm>>
    %dma_start3A_124 = tpu.memref_squeeze %dma_start3A_123 : memref<1x512xi32, #tpu.memory_space<hbm>> -> memref<512xi32, #tpu.memory_space<hbm>>
    %dma_start3A_125 = tpu.memref_slice %arg3[%dma_start3A_122, %mul3A_2] : memref<26x16384xi32, #tpu.memory_space<hbm>> -> memref<1x512xi32, #tpu.memory_space<hbm>>
    %dma_start3A_126 = tpu.memref_squeeze %dma_start3A_125 : memref<1x512xi32, #tpu.memory_space<hbm>> -> memref<512xi32, #tpu.memory_space<hbm>>
    tpu.enqueue_dma source(%dma_start3A_126 : memref<512xi32, #tpu.memory_space<hbm>>) target(%arg29 : memref<512xi32, #tpu.memory_space<vmem>>) target_semaphore(%arg33 : memref<!tpu.dma_semaphore, #tpu.memory_space<semaphore_mem>>)
    %dma_start3A_127 = arith.constant 25 : i32
    %dma_start3A_128 = tpu.memref_slice %arg3[%dma_start3A_127, %mul3A_2] : memref<26x16384xi32, #tpu.memory_space<hbm>> -> memref<1x512xi32, #tpu.memory_space<hbm>>
    %dma_start3A_129 = tpu.memref_squeeze %dma_start3A_128 : memref<1x512xi32, #tpu.memory_space<hbm>> -> memref<512xi32, #tpu.memory_space<hbm>>
    %dma_start3A_130 = tpu.memref_slice %arg3[%dma_start3A_127, %mul3A_2] : memref<26x16384xi32, #tpu.memory_space<hbm>> -> memref<1x512xi32, #tpu.memory_space<hbm>>
    %dma_start3A_131 = tpu.memref_squeeze %dma_start3A_130 : memref<1x512xi32, #tpu.memory_space<hbm>> -> memref<512xi32, #tpu.memory_space<hbm>>
    tpu.enqueue_dma source(%dma_start3A_131 : memref<512xi32, #tpu.memory_space<hbm>>) target(%arg30 : memref<512xi32, #tpu.memory_space<vmem>>) target_semaphore(%arg33 : memref<!tpu.dma_semaphore, #tpu.memory_space<semaphore_mem>>)
    %dma_wait3A = arith.constant 0 : i32
    %dma_wait3A_132 = tpu.memref_slice %arg3[%dma_wait3A, %mul3A_2] : memref<26x16384xi32, #tpu.memory_space<hbm>> -> memref<1x512xi32, #tpu.memory_space<hbm>>
    %dma_wait3A_133 = tpu.memref_squeeze %dma_wait3A_132 : memref<1x512xi32, #tpu.memory_space<hbm>> -> memref<512xi32, #tpu.memory_space<hbm>>
    %dma_wait3A_134 = tpu.memref_slice %arg3[%dma_wait3A, %mul3A_2] : memref<26x16384xi32, #tpu.memory_space<hbm>> -> memref<1x512xi32, #tpu.memory_space<hbm>>
    %dma_wait3A_135 = tpu.memref_squeeze %dma_wait3A_134 : memref<1x512xi32, #tpu.memory_space<hbm>> -> memref<512xi32, #tpu.memory_space<hbm>>
    tpu.wait_dma2 semaphore(%arg33 : memref<!tpu.dma_semaphore, #tpu.memory_space<semaphore_mem>>) src(%dma_wait3A_135 : memref<512xi32, #tpu.memory_space<hbm>>) dst(%arg5 : memref<512xi32, #tpu.memory_space<vmem>>)
    %dma_start3A_136 = arith.constant 0 : i32
    %dma_start3A_137 = arith.constant 0 : i32
    %dma_start3A_138 = arith.constant 0 : i32
    %dma_start3A_139 = tpu.memref_slice %arg2[%dma_start3A_136, %dma_start3A_137, %dma_start3A_138] : memref<26x100000x16xf32, #tpu.memory_space<hbm>> -> memref<1x100000x16xf32, #tpu.memory_space<hbm>>
    %dma_start3A_140 = tpu.memref_squeeze %dma_start3A_139 : memref<1x100000x16xf32, #tpu.memory_space<hbm>> -> memref<100000x16xf32, #tpu.memory_space<hbm>>
    %dma_start3A_141 = arith.constant 0 : i32
    %dma_start3A_142 = arith.constant 0 : i32
    %dma_start3A_143 = tpu.memref_slice %dma_start3A_140[%dma_start3A_141, %dma_start3A_142] : memref<100000x16xf32, #tpu.memory_space<hbm>> -> memref<100000x16xf32, #tpu.memory_space<hbm>>
    tpu.enqueue_indirect_dma source(%dma_start3A_143 : memref<100000x16xf32, #tpu.memory_space<hbm>>) target(%arg31 : memref<512x16xf32, #tpu.memory_space<vmem>>) offsets(%arg5 : memref<512xi32, #tpu.memory_space<vmem>>) semaphore(%arg34 : memref<!tpu.dma_semaphore, #tpu.memory_space<semaphore_mem>>)
    %dma_wait3A_144 = arith.constant 1 : i32
    %dma_wait3A_145 = tpu.memref_slice %arg3[%dma_wait3A_144, %mul3A_2] : memref<26x16384xi32, #tpu.memory_space<hbm>> -> memref<1x512xi32, #tpu.memory_space<hbm>>
    %dma_wait3A_146 = tpu.memref_squeeze %dma_wait3A_145 : memref<1x512xi32, #tpu.memory_space<hbm>> -> memref<512xi32, #tpu.memory_space<hbm>>
    %dma_wait3A_147 = tpu.memref_slice %arg3[%dma_wait3A_144, %mul3A_2] : memref<26x16384xi32, #tpu.memory_space<hbm>> -> memref<1x512xi32, #tpu.memory_space<hbm>>
    %dma_wait3A_148 = tpu.memref_squeeze %dma_wait3A_147 : memref<1x512xi32, #tpu.memory_space<hbm>> -> memref<512xi32, #tpu.memory_space<hbm>>
    tpu.wait_dma2 semaphore(%arg33 : memref<!tpu.dma_semaphore, #tpu.memory_space<semaphore_mem>>) src(%dma_wait3A_148 : memref<512xi32, #tpu.memory_space<hbm>>) dst(%arg6 : memref<512xi32, #tpu.memory_space<vmem>>)
    %dma_start3A_149 = arith.constant 1 : i32
    %dma_start3A_150 = arith.constant 0 : i32
    %dma_start3A_151 = arith.constant 0 : i32
    %dma_start3A_152 = tpu.memref_slice %arg2[%dma_start3A_149, %dma_start3A_150, %dma_start3A_151] : memref<26x100000x16xf32, #tpu.memory_space<hbm>> -> memref<1x100000x16xf32, #tpu.memory_space<hbm>>
    %dma_start3A_153 = tpu.memref_squeeze %dma_start3A_152 : memref<1x100000x16xf32, #tpu.memory_space<hbm>> -> memref<100000x16xf32, #tpu.memory_space<hbm>>
    %dma_start3A_154 = arith.constant 0 : i32
    %dma_start3A_155 = arith.constant 0 : i32
    %dma_start3A_156 = tpu.memref_slice %dma_start3A_153[%dma_start3A_154, %dma_start3A_155] : memref<100000x16xf32, #tpu.memory_space<hbm>> -> memref<100000x16xf32, #tpu.memory_space<hbm>>
    tpu.enqueue_indirect_dma source(%dma_start3A_156 : memref<100000x16xf32, #tpu.memory_space<hbm>>) target(%arg32 : memref<512x16xf32, #tpu.memory_space<vmem>>) offsets(%arg6 : memref<512xi32, #tpu.memory_space<vmem>>) semaphore(%arg35 : memref<!tpu.dma_semaphore, #tpu.memory_space<semaphore_mem>>)
    %dma_wait3A_157 = arith.constant 0 : i32
    %dma_wait3A_158 = arith.constant 0 : i32
    %dma_wait3A_159 = arith.constant 0 : i32
    %dma_wait3A_160 = tpu.memref_slice %arg2[%dma_wait3A_157, %dma_wait3A_158, %dma_wait3A_159] : memref<26x100000x16xf32, #tpu.memory_space<hbm>> -> memref<1x100000x16xf32, #tpu.memory_space<hbm>>
    %dma_wait3A_161 = tpu.memref_squeeze %dma_wait3A_160 : memref<1x100000x16xf32, #tpu.memory_space<hbm>> -> memref<100000x16xf32, #tpu.memory_space<hbm>>
    %dma_wait3A_162 = arith.constant 0 : i32
    %dma_wait3A_163 = arith.constant 0 : i32
    %dma_wait3A_164 = tpu.memref_slice %dma_wait3A_161[%dma_wait3A_162, %dma_wait3A_163] : memref<100000x16xf32, #tpu.memory_space<hbm>> -> memref<100000x16xf32, #tpu.memory_space<hbm>>
    tpu.wait_indirect_dma semaphore(%arg34 : memref<!tpu.dma_semaphore, #tpu.memory_space<semaphore_mem>>) src(%dma_wait3A_164 : memref<100000x16xf32, #tpu.memory_space<hbm>>) dst(%arg31 : memref<512x16xf32, #tpu.memory_space<vmem>>)
    "tpu.region"() ({
      %run_scoped3A = tpu.sem_alloc : memref<!tpu.dma_semaphore, #tpu.memory_space<semaphore_mem>>
      %dma_start3A_677 = arith.constant 0 : i32
      %dma_start3A_678 = tpu.memref_slice %arg4[%mul3A_2, %dma_start3A_677] : memref<16384x416xf32, #tpu.memory_space<hbm>> -> memref<512x16xf32, #tpu.memory_space<hbm>>
      %dma_start3A_679 = arith.constant 0 : i32
      %dma_start3A_680 = tpu.memref_slice %arg4[%mul3A_2, %dma_start3A_679] : memref<16384x416xf32, #tpu.memory_space<hbm>> -> memref<512x16xf32, #tpu.memory_space<hbm>>
      tpu.enqueue_dma source(%arg31 : memref<512x16xf32, #tpu.memory_space<vmem>>) target(%dma_start3A_680 : memref<512x16xf32, #tpu.memory_space<hbm>>) target_semaphore(%run_scoped3A : memref<!tpu.dma_semaphore, #tpu.memory_space<semaphore_mem>>)
      %dma_wait3A_681 = arith.constant 0 : i32
      %dma_wait3A_682 = tpu.memref_slice %arg4[%mul3A_2, %dma_wait3A_681] : memref<16384x416xf32, #tpu.memory_space<hbm>> -> memref<512x16xf32, #tpu.memory_space<hbm>>
      %dma_wait3A_683 = arith.constant 0 : i32
      %dma_wait3A_684 = tpu.memref_slice %arg4[%mul3A_2, %dma_wait3A_683] : memref<16384x416xf32, #tpu.memory_space<hbm>> -> memref<512x16xf32, #tpu.memory_space<hbm>>
      tpu.wait_dma2 semaphore(%run_scoped3A : memref<!tpu.dma_semaphore, #tpu.memory_space<semaphore_mem>>) src(%arg31 : memref<512x16xf32, #tpu.memory_space<vmem>>) dst(%dma_wait3A_684 : memref<512x16xf32, #tpu.memory_space<hbm>>)
      tpu.yield
    }) : () -> ()
    %dma_wait3A_165 = arith.constant 2 : i32
    %dma_wait3A_166 = tpu.memref_slice %arg3[%dma_wait3A_165, %mul3A_2] : memref<26x16384xi32, #tpu.memory_space<hbm>> -> memref<1x512xi32, #tpu.memory_space<hbm>>
    %dma_wait3A_167 = tpu.memref_squeeze %dma_wait3A_166 : memref<1x512xi32, #tpu.memory_space<hbm>> -> memref<512xi32, #tpu.memory_space<hbm>>
    %dma_wait3A_168 = tpu.memref_slice %arg3[%dma_wait3A_165, %mul3A_2] : memref<26x16384xi32, #tpu.memory_space<hbm>> -> memref<1x512xi32, #tpu.memory_space<hbm>>
    %dma_wait3A_169 = tpu.memref_squeeze %dma_wait3A_168 : memref<1x512xi32, #tpu.memory_space<hbm>> -> memref<512xi32, #tpu.memory_space<hbm>>
    tpu.wait_dma2 semaphore(%arg33 : memref<!tpu.dma_semaphore, #tpu.memory_space<semaphore_mem>>) src(%dma_wait3A_169 : memref<512xi32, #tpu.memory_space<hbm>>) dst(%arg7 : memref<512xi32, #tpu.memory_space<vmem>>)
    %dma_start3A_170 = arith.constant 2 : i32
    %dma_start3A_171 = arith.constant 0 : i32
    %dma_start3A_172 = arith.constant 0 : i32
    %dma_start3A_173 = tpu.memref_slice %arg2[%dma_start3A_170, %dma_start3A_171, %dma_start3A_172] : memref<26x100000x16xf32, #tpu.memory_space<hbm>> -> memref<1x100000x16xf32, #tpu.memory_space<hbm>>
    %dma_start3A_174 = tpu.memref_squeeze %dma_start3A_173 : memref<1x100000x16xf32, #tpu.memory_space<hbm>> -> memref<100000x16xf32, #tpu.memory_space<hbm>>
    %dma_start3A_175 = arith.constant 0 : i32
    %dma_start3A_176 = arith.constant 0 : i32
    %dma_start3A_177 = tpu.memref_slice %dma_start3A_174[%dma_start3A_175, %dma_start3A_176] : memref<100000x16xf32, #tpu.memory_space<hbm>> -> memref<100000x16xf32, #tpu.memory_space<hbm>>
    tpu.enqueue_indirect_dma source(%dma_start3A_177 : memref<100000x16xf32, #tpu.memory_space<hbm>>) target(%arg31 : memref<512x16xf32, #tpu.memory_space<vmem>>) offsets(%arg7 : memref<512xi32, #tpu.memory_space<vmem>>) semaphore(%arg34 : memref<!tpu.dma_semaphore, #tpu.memory_space<semaphore_mem>>)
    %dma_wait3A_178 = arith.constant 1 : i32
    %dma_wait3A_179 = arith.constant 0 : i32
    %dma_wait3A_180 = arith.constant 0 : i32
    %dma_wait3A_181 = tpu.memref_slice %arg2[%dma_wait3A_178, %dma_wait3A_179, %dma_wait3A_180] : memref<26x100000x16xf32, #tpu.memory_space<hbm>> -> memref<1x100000x16xf32, #tpu.memory_space<hbm>>
    %dma_wait3A_182 = tpu.memref_squeeze %dma_wait3A_181 : memref<1x100000x16xf32, #tpu.memory_space<hbm>> -> memref<100000x16xf32, #tpu.memory_space<hbm>>
    %dma_wait3A_183 = arith.constant 0 : i32
    %dma_wait3A_184 = arith.constant 0 : i32
    %dma_wait3A_185 = tpu.memref_slice %dma_wait3A_182[%dma_wait3A_183, %dma_wait3A_184] : memref<100000x16xf32, #tpu.memory_space<hbm>> -> memref<100000x16xf32, #tpu.memory_space<hbm>>
    tpu.wait_indirect_dma semaphore(%arg35 : memref<!tpu.dma_semaphore, #tpu.memory_space<semaphore_mem>>) src(%dma_wait3A_185 : memref<100000x16xf32, #tpu.memory_space<hbm>>) dst(%arg32 : memref<512x16xf32, #tpu.memory_space<vmem>>)
    "tpu.region"() ({
      %run_scoped3A = tpu.sem_alloc : memref<!tpu.dma_semaphore, #tpu.memory_space<semaphore_mem>>
      %dma_start3A_677 = arith.constant 16 : i32
      %dma_start3A_678 = tpu.memref_slice %arg4[%mul3A_2, %dma_start3A_677] : memref<16384x416xf32, #tpu.memory_space<hbm>> -> memref<512x16xf32, #tpu.memory_space<hbm>>
      %dma_start3A_679 = arith.constant 16 : i32
      %dma_start3A_680 = tpu.memref_slice %arg4[%mul3A_2, %dma_start3A_679] : memref<16384x416xf32, #tpu.memory_space<hbm>> -> memref<512x16xf32, #tpu.memory_space<hbm>>
      tpu.enqueue_dma source(%arg32 : memref<512x16xf32, #tpu.memory_space<vmem>>) target(%dma_start3A_680 : memref<512x16xf32, #tpu.memory_space<hbm>>) target_semaphore(%run_scoped3A : memref<!tpu.dma_semaphore, #tpu.memory_space<semaphore_mem>>)
      %dma_wait3A_681 = arith.constant 16 : i32
      %dma_wait3A_682 = tpu.memref_slice %arg4[%mul3A_2, %dma_wait3A_681] : memref<16384x416xf32, #tpu.memory_space<hbm>> -> memref<512x16xf32, #tpu.memory_space<hbm>>
      %dma_wait3A_683 = arith.constant 16 : i32
      %dma_wait3A_684 = tpu.memref_slice %arg4[%mul3A_2, %dma_wait3A_683] : memref<16384x416xf32, #tpu.memory_space<hbm>> -> memref<512x16xf32, #tpu.memory_space<hbm>>
      tpu.wait_dma2 semaphore(%run_scoped3A : memref<!tpu.dma_semaphore, #tpu.memory_space<semaphore_mem>>) src(%arg32 : memref<512x16xf32, #tpu.memory_space<vmem>>) dst(%dma_wait3A_684 : memref<512x16xf32, #tpu.memory_space<hbm>>)
      tpu.yield
    }) : () -> ()
    %dma_wait3A_186 = arith.constant 3 : i32
    %dma_wait3A_187 = tpu.memref_slice %arg3[%dma_wait3A_186, %mul3A_2] : memref<26x16384xi32, #tpu.memory_space<hbm>> -> memref<1x512xi32, #tpu.memory_space<hbm>>
    %dma_wait3A_188 = tpu.memref_squeeze %dma_wait3A_187 : memref<1x512xi32, #tpu.memory_space<hbm>> -> memref<512xi32, #tpu.memory_space<hbm>>
    %dma_wait3A_189 = tpu.memref_slice %arg3[%dma_wait3A_186, %mul3A_2] : memref<26x16384xi32, #tpu.memory_space<hbm>> -> memref<1x512xi32, #tpu.memory_space<hbm>>
    %dma_wait3A_190 = tpu.memref_squeeze %dma_wait3A_189 : memref<1x512xi32, #tpu.memory_space<hbm>> -> memref<512xi32, #tpu.memory_space<hbm>>
    tpu.wait_dma2 semaphore(%arg33 : memref<!tpu.dma_semaphore, #tpu.memory_space<semaphore_mem>>) src(%dma_wait3A_190 : memref<512xi32, #tpu.memory_space<hbm>>) dst(%arg8 : memref<512xi32, #tpu.memory_space<vmem>>)
    %dma_start3A_191 = arith.constant 3 : i32
    %dma_start3A_192 = arith.constant 0 : i32
    %dma_start3A_193 = arith.constant 0 : i32
    %dma_start3A_194 = tpu.memref_slice %arg2[%dma_start3A_191, %dma_start3A_192, %dma_start3A_193] : memref<26x100000x16xf32, #tpu.memory_space<hbm>> -> memref<1x100000x16xf32, #tpu.memory_space<hbm>>
    %dma_start3A_195 = tpu.memref_squeeze %dma_start3A_194 : memref<1x100000x16xf32, #tpu.memory_space<hbm>> -> memref<100000x16xf32, #tpu.memory_space<hbm>>
    %dma_start3A_196 = arith.constant 0 : i32
    %dma_start3A_197 = arith.constant 0 : i32
    %dma_start3A_198 = tpu.memref_slice %dma_start3A_195[%dma_start3A_196, %dma_start3A_197] : memref<100000x16xf32, #tpu.memory_space<hbm>> -> memref<100000x16xf32, #tpu.memory_space<hbm>>
    tpu.enqueue_indirect_dma source(%dma_start3A_198 : memref<100000x16xf32, #tpu.memory_space<hbm>>) target(%arg32 : memref<512x16xf32, #tpu.memory_space<vmem>>) offsets(%arg8 : memref<512xi32, #tpu.memory_space<vmem>>) semaphore(%arg35 : memref<!tpu.dma_semaphore, #tpu.memory_space<semaphore_mem>>)
    %dma_wait3A_199 = arith.constant 2 : i32
    %dma_wait3A_200 = arith.constant 0 : i32
    %dma_wait3A_201 = arith.constant 0 : i32
    %dma_wait3A_202 = tpu.memref_slice %arg2[%dma_wait3A_199, %dma_wait3A_200, %dma_wait3A_201] : memref<26x100000x16xf32, #tpu.memory_space<hbm>> -> memref<1x100000x16xf32, #tpu.memory_space<hbm>>
    %dma_wait3A_203 = tpu.memref_squeeze %dma_wait3A_202 : memref<1x100000x16xf32, #tpu.memory_space<hbm>> -> memref<100000x16xf32, #tpu.memory_space<hbm>>
    %dma_wait3A_204 = arith.constant 0 : i32
    %dma_wait3A_205 = arith.constant 0 : i32
    %dma_wait3A_206 = tpu.memref_slice %dma_wait3A_203[%dma_wait3A_204, %dma_wait3A_205] : memref<100000x16xf32, #tpu.memory_space<hbm>> -> memref<100000x16xf32, #tpu.memory_space<hbm>>
    tpu.wait_indirect_dma semaphore(%arg34 : memref<!tpu.dma_semaphore, #tpu.memory_space<semaphore_mem>>) src(%dma_wait3A_206 : memref<100000x16xf32, #tpu.memory_space<hbm>>) dst(%arg31 : memref<512x16xf32, #tpu.memory_space<vmem>>)
    "tpu.region"() ({
      %run_scoped3A = tpu.sem_alloc : memref<!tpu.dma_semaphore, #tpu.memory_space<semaphore_mem>>
      %dma_start3A_677 = arith.constant 32 : i32
      %dma_start3A_678 = tpu.memref_slice %arg4[%mul3A_2, %dma_start3A_677] : memref<16384x416xf32, #tpu.memory_space<hbm>> -> memref<512x16xf32, #tpu.memory_space<hbm>>
      %dma_start3A_679 = arith.constant 32 : i32
      %dma_start3A_680 = tpu.memref_slice %arg4[%mul3A_2, %dma_start3A_679] : memref<16384x416xf32, #tpu.memory_space<hbm>> -> memref<512x16xf32, #tpu.memory_space<hbm>>
      tpu.enqueue_dma source(%arg31 : memref<512x16xf32, #tpu.memory_space<vmem>>) target(%dma_start3A_680 : memref<512x16xf32, #tpu.memory_space<hbm>>) target_semaphore(%run_scoped3A : memref<!tpu.dma_semaphore, #tpu.memory_space<semaphore_mem>>)
      %dma_wait3A_681 = arith.constant 32 : i32
      %dma_wait3A_682 = tpu.memref_slice %arg4[%mul3A_2, %dma_wait3A_681] : memref<16384x416xf32, #tpu.memory_space<hbm>> -> memref<512x16xf32, #tpu.memory_space<hbm>>
      %dma_wait3A_683 = arith.constant 32 : i32
      %dma_wait3A_684 = tpu.memref_slice %arg4[%mul3A_2, %dma_wait3A_683] : memref<16384x416xf32, #tpu.memory_space<hbm>> -> memref<512x16xf32, #tpu.memory_space<hbm>>
      tpu.wait_dma2 semaphore(%run_scoped3A : memref<!tpu.dma_semaphore, #tpu.memory_space<semaphore_mem>>) src(%arg31 : memref<512x16xf32, #tpu.memory_space<vmem>>) dst(%dma_wait3A_684 : memref<512x16xf32, #tpu.memory_space<hbm>>)
      tpu.yield
    }) : () -> ()
    %dma_wait3A_207 = arith.constant 4 : i32
    %dma_wait3A_208 = tpu.memref_slice %arg3[%dma_wait3A_207, %mul3A_2] : memref<26x16384xi32, #tpu.memory_space<hbm>> -> memref<1x512xi32, #tpu.memory_space<hbm>>
    %dma_wait3A_209 = tpu.memref_squeeze %dma_wait3A_208 : memref<1x512xi32, #tpu.memory_space<hbm>> -> memref<512xi32, #tpu.memory_space<hbm>>
    %dma_wait3A_210 = tpu.memref_slice %arg3[%dma_wait3A_207, %mul3A_2] : memref<26x16384xi32, #tpu.memory_space<hbm>> -> memref<1x512xi32, #tpu.memory_space<hbm>>
    %dma_wait3A_211 = tpu.memref_squeeze %dma_wait3A_210 : memref<1x512xi32, #tpu.memory_space<hbm>> -> memref<512xi32, #tpu.memory_space<hbm>>
    tpu.wait_dma2 semaphore(%arg33 : memref<!tpu.dma_semaphore, #tpu.memory_space<semaphore_mem>>) src(%dma_wait3A_211 : memref<512xi32, #tpu.memory_space<hbm>>) dst(%arg9 : memref<512xi32, #tpu.memory_space<vmem>>)
    %dma_start3A_212 = arith.constant 4 : i32
    %dma_start3A_213 = arith.constant 0 : i32
    %dma_start3A_214 = arith.constant 0 : i32
    %dma_start3A_215 = tpu.memref_slice %arg2[%dma_start3A_212, %dma_start3A_213, %dma_start3A_214] : memref<26x100000x16xf32, #tpu.memory_space<hbm>> -> memref<1x100000x16xf32, #tpu.memory_space<hbm>>
    %dma_start3A_216 = tpu.memref_squeeze %dma_start3A_215 : memref<1x100000x16xf32, #tpu.memory_space<hbm>> -> memref<100000x16xf32, #tpu.memory_space<hbm>>
    %dma_start3A_217 = arith.constant 0 : i32
    %dma_start3A_218 = arith.constant 0 : i32
    %dma_start3A_219 = tpu.memref_slice %dma_start3A_216[%dma_start3A_217, %dma_start3A_218] : memref<100000x16xf32, #tpu.memory_space<hbm>> -> memref<100000x16xf32, #tpu.memory_space<hbm>>
    tpu.enqueue_indirect_dma source(%dma_start3A_219 : memref<100000x16xf32, #tpu.memory_space<hbm>>) target(%arg31 : memref<512x16xf32, #tpu.memory_space<vmem>>) offsets(%arg9 : memref<512xi32, #tpu.memory_space<vmem>>) semaphore(%arg34 : memref<!tpu.dma_semaphore, #tpu.memory_space<semaphore_mem>>)
    %dma_wait3A_220 = arith.constant 3 : i32
    %dma_wait3A_221 = arith.constant 0 : i32
    %dma_wait3A_222 = arith.constant 0 : i32
    %dma_wait3A_223 = tpu.memref_slice %arg2[%dma_wait3A_220, %dma_wait3A_221, %dma_wait3A_222] : memref<26x100000x16xf32, #tpu.memory_space<hbm>> -> memref<1x100000x16xf32, #tpu.memory_space<hbm>>
    %dma_wait3A_224 = tpu.memref_squeeze %dma_wait3A_223 : memref<1x100000x16xf32, #tpu.memory_space<hbm>> -> memref<100000x16xf32, #tpu.memory_space<hbm>>
    %dma_wait3A_225 = arith.constant 0 : i32
    %dma_wait3A_226 = arith.constant 0 : i32
    %dma_wait3A_227 = tpu.memref_slice %dma_wait3A_224[%dma_wait3A_225, %dma_wait3A_226] : memref<100000x16xf32, #tpu.memory_space<hbm>> -> memref<100000x16xf32, #tpu.memory_space<hbm>>
    tpu.wait_indirect_dma semaphore(%arg35 : memref<!tpu.dma_semaphore, #tpu.memory_space<semaphore_mem>>) src(%dma_wait3A_227 : memref<100000x16xf32, #tpu.memory_space<hbm>>) dst(%arg32 : memref<512x16xf32, #tpu.memory_space<vmem>>)
    "tpu.region"() ({
      %run_scoped3A = tpu.sem_alloc : memref<!tpu.dma_semaphore, #tpu.memory_space<semaphore_mem>>
      %dma_start3A_677 = arith.constant 48 : i32
      %dma_start3A_678 = tpu.memref_slice %arg4[%mul3A_2, %dma_start3A_677] : memref<16384x416xf32, #tpu.memory_space<hbm>> -> memref<512x16xf32, #tpu.memory_space<hbm>>
      %dma_start3A_679 = arith.constant 48 : i32
      %dma_start3A_680 = tpu.memref_slice %arg4[%mul3A_2, %dma_start3A_679] : memref<16384x416xf32, #tpu.memory_space<hbm>> -> memref<512x16xf32, #tpu.memory_space<hbm>>
      tpu.enqueue_dma source(%arg32 : memref<512x16xf32, #tpu.memory_space<vmem>>) target(%dma_start3A_680 : memref<512x16xf32, #tpu.memory_space<hbm>>) target_semaphore(%run_scoped3A : memref<!tpu.dma_semaphore, #tpu.memory_space<semaphore_mem>>)
      %dma_wait3A_681 = arith.constant 48 : i32
      %dma_wait3A_682 = tpu.memref_slice %arg4[%mul3A_2, %dma_wait3A_681] : memref<16384x416xf32, #tpu.memory_space<hbm>> -> memref<512x16xf32, #tpu.memory_space<hbm>>
      %dma_wait3A_683 = arith.constant 48 : i32
      %dma_wait3A_684 = tpu.memref_slice %arg4[%mul3A_2, %dma_wait3A_683] : memref<16384x416xf32, #tpu.memory_space<hbm>> -> memref<512x16xf32, #tpu.memory_space<hbm>>
      tpu.wait_dma2 semaphore(%run_scoped3A : memref<!tpu.dma_semaphore, #tpu.memory_space<semaphore_mem>>) src(%arg32 : memref<512x16xf32, #tpu.memory_space<vmem>>) dst(%dma_wait3A_684 : memref<512x16xf32, #tpu.memory_space<hbm>>)
      tpu.yield
    }) : () -> ()
    %dma_wait3A_228 = arith.constant 5 : i32
    %dma_wait3A_229 = tpu.memref_slice %arg3[%dma_wait3A_228, %mul3A_2] : memref<26x16384xi32, #tpu.memory_space<hbm>> -> memref<1x512xi32, #tpu.memory_space<hbm>>
    %dma_wait3A_230 = tpu.memref_squeeze %dma_wait3A_229 : memref<1x512xi32, #tpu.memory_space<hbm>> -> memref<512xi32, #tpu.memory_space<hbm>>
    %dma_wait3A_231 = tpu.memref_slice %arg3[%dma_wait3A_228, %mul3A_2] : memref<26x16384xi32, #tpu.memory_space<hbm>> -> memref<1x512xi32, #tpu.memory_space<hbm>>
    %dma_wait3A_232 = tpu.memref_squeeze %dma_wait3A_231 : memref<1x512xi32, #tpu.memory_space<hbm>> -> memref<512xi32, #tpu.memory_space<hbm>>
    tpu.wait_dma2 semaphore(%arg33 : memref<!tpu.dma_semaphore, #tpu.memory_space<semaphore_mem>>) src(%dma_wait3A_232 : memref<512xi32, #tpu.memory_space<hbm>>) dst(%arg10 : memref<512xi32, #tpu.memory_space<vmem>>)
    %dma_start3A_233 = arith.constant 5 : i32
    %dma_start3A_234 = arith.constant 0 : i32
    %dma_start3A_235 = arith.constant 0 : i32
    %dma_start3A_236 = tpu.memref_slice %arg2[%dma_start3A_233, %dma_start3A_234, %dma_start3A_235] : memref<26x100000x16xf32, #tpu.memory_space<hbm>> -> memref<1x100000x16xf32, #tpu.memory_space<hbm>>
    %dma_start3A_237 = tpu.memref_squeeze %dma_start3A_236 : memref<1x100000x16xf32, #tpu.memory_space<hbm>> -> memref<100000x16xf32, #tpu.memory_space<hbm>>
    %dma_start3A_238 = arith.constant 0 : i32
    %dma_start3A_239 = arith.constant 0 : i32
    %dma_start3A_240 = tpu.memref_slice %dma_start3A_237[%dma_start3A_238, %dma_start3A_239] : memref<100000x16xf32, #tpu.memory_space<hbm>> -> memref<100000x16xf32, #tpu.memory_space<hbm>>
    tpu.enqueue_indirect_dma source(%dma_start3A_240 : memref<100000x16xf32, #tpu.memory_space<hbm>>) target(%arg32 : memref<512x16xf32, #tpu.memory_space<vmem>>) offsets(%arg10 : memref<512xi32, #tpu.memory_space<vmem>>) semaphore(%arg35 : memref<!tpu.dma_semaphore, #tpu.memory_space<semaphore_mem>>)
    %dma_wait3A_241 = arith.constant 4 : i32
    %dma_wait3A_242 = arith.constant 0 : i32
    %dma_wait3A_243 = arith.constant 0 : i32
    %dma_wait3A_244 = tpu.memref_slice %arg2[%dma_wait3A_241, %dma_wait3A_242, %dma_wait3A_243] : memref<26x100000x16xf32, #tpu.memory_space<hbm>> -> memref<1x100000x16xf32, #tpu.memory_space<hbm>>
    %dma_wait3A_245 = tpu.memref_squeeze %dma_wait3A_244 : memref<1x100000x16xf32, #tpu.memory_space<hbm>> -> memref<100000x16xf32, #tpu.memory_space<hbm>>
    %dma_wait3A_246 = arith.constant 0 : i32
    %dma_wait3A_247 = arith.constant 0 : i32
    %dma_wait3A_248 = tpu.memref_slice %dma_wait3A_245[%dma_wait3A_246, %dma_wait3A_247] : memref<100000x16xf32, #tpu.memory_space<hbm>> -> memref<100000x16xf32, #tpu.memory_space<hbm>>
    tpu.wait_indirect_dma semaphore(%arg34 : memref<!tpu.dma_semaphore, #tpu.memory_space<semaphore_mem>>) src(%dma_wait3A_248 : memref<100000x16xf32, #tpu.memory_space<hbm>>) dst(%arg31 : memref<512x16xf32, #tpu.memory_space<vmem>>)
    "tpu.region"() ({
      %run_scoped3A = tpu.sem_alloc : memref<!tpu.dma_semaphore, #tpu.memory_space<semaphore_mem>>
      %dma_start3A_677 = arith.constant 64 : i32
      %dma_start3A_678 = tpu.memref_slice %arg4[%mul3A_2, %dma_start3A_677] : memref<16384x416xf32, #tpu.memory_space<hbm>> -> memref<512x16xf32, #tpu.memory_space<hbm>>
      %dma_start3A_679 = arith.constant 64 : i32
      %dma_start3A_680 = tpu.memref_slice %arg4[%mul3A_2, %dma_start3A_679] : memref<16384x416xf32, #tpu.memory_space<hbm>> -> memref<512x16xf32, #tpu.memory_space<hbm>>
      tpu.enqueue_dma source(%arg31 : memref<512x16xf32, #tpu.memory_space<vmem>>) target(%dma_start3A_680 : memref<512x16xf32, #tpu.memory_space<hbm>>) target_semaphore(%run_scoped3A : memref<!tpu.dma_semaphore, #tpu.memory_space<semaphore_mem>>)
      %dma_wait3A_681 = arith.constant 64 : i32
      %dma_wait3A_682 = tpu.memref_slice %arg4[%mul3A_2, %dma_wait3A_681] : memref<16384x416xf32, #tpu.memory_space<hbm>> -> memref<512x16xf32, #tpu.memory_space<hbm>>
      %dma_wait3A_683 = arith.constant 64 : i32
      %dma_wait3A_684 = tpu.memref_slice %arg4[%mul3A_2, %dma_wait3A_683] : memref<16384x416xf32, #tpu.memory_space<hbm>> -> memref<512x16xf32, #tpu.memory_space<hbm>>
      tpu.wait_dma2 semaphore(%run_scoped3A : memref<!tpu.dma_semaphore, #tpu.memory_space<semaphore_mem>>) src(%arg31 : memref<512x16xf32, #tpu.memory_space<vmem>>) dst(%dma_wait3A_684 : memref<512x16xf32, #tpu.memory_space<hbm>>)
      tpu.yield
    }) : () -> ()
    %dma_wait3A_249 = arith.constant 6 : i32
    %dma_wait3A_250 = tpu.memref_slice %arg3[%dma_wait3A_249, %mul3A_2] : memref<26x16384xi32, #tpu.memory_space<hbm>> -> memref<1x512xi32, #tpu.memory_space<hbm>>
    %dma_wait3A_251 = tpu.memref_squeeze %dma_wait3A_250 : memref<1x512xi32, #tpu.memory_space<hbm>> -> memref<512xi32, #tpu.memory_space<hbm>>
    %dma_wait3A_252 = tpu.memref_slice %arg3[%dma_wait3A_249, %mul3A_2] : memref<26x16384xi32, #tpu.memory_space<hbm>> -> memref<1x512xi32, #tpu.memory_space<hbm>>
    %dma_wait3A_253 = tpu.memref_squeeze %dma_wait3A_252 : memref<1x512xi32, #tpu.memory_space<hbm>> -> memref<512xi32, #tpu.memory_space<hbm>>
    tpu.wait_dma2 semaphore(%arg33 : memref<!tpu.dma_semaphore, #tpu.memory_space<semaphore_mem>>) src(%dma_wait3A_253 : memref<512xi32, #tpu.memory_space<hbm>>) dst(%arg11 : memref<512xi32, #tpu.memory_space<vmem>>)
    %dma_start3A_254 = arith.constant 6 : i32
    %dma_start3A_255 = arith.constant 0 : i32
    %dma_start3A_256 = arith.constant 0 : i32
    %dma_start3A_257 = tpu.memref_slice %arg2[%dma_start3A_254, %dma_start3A_255, %dma_start3A_256] : memref<26x100000x16xf32, #tpu.memory_space<hbm>> -> memref<1x100000x16xf32, #tpu.memory_space<hbm>>
    %dma_start3A_258 = tpu.memref_squeeze %dma_start3A_257 : memref<1x100000x16xf32, #tpu.memory_space<hbm>> -> memref<100000x16xf32, #tpu.memory_space<hbm>>
    %dma_start3A_259 = arith.constant 0 : i32
    %dma_start3A_260 = arith.constant 0 : i32
    %dma_start3A_261 = tpu.memref_slice %dma_start3A_258[%dma_start3A_259, %dma_start3A_260] : memref<100000x16xf32, #tpu.memory_space<hbm>> -> memref<100000x16xf32, #tpu.memory_space<hbm>>
    tpu.enqueue_indirect_dma source(%dma_start3A_261 : memref<100000x16xf32, #tpu.memory_space<hbm>>) target(%arg31 : memref<512x16xf32, #tpu.memory_space<vmem>>) offsets(%arg11 : memref<512xi32, #tpu.memory_space<vmem>>) semaphore(%arg34 : memref<!tpu.dma_semaphore, #tpu.memory_space<semaphore_mem>>)
    %dma_wait3A_262 = arith.constant 5 : i32
    %dma_wait3A_263 = arith.constant 0 : i32
    %dma_wait3A_264 = arith.constant 0 : i32
    %dma_wait3A_265 = tpu.memref_slice %arg2[%dma_wait3A_262, %dma_wait3A_263, %dma_wait3A_264] : memref<26x100000x16xf32, #tpu.memory_space<hbm>> -> memref<1x100000x16xf32, #tpu.memory_space<hbm>>
    %dma_wait3A_266 = tpu.memref_squeeze %dma_wait3A_265 : memref<1x100000x16xf32, #tpu.memory_space<hbm>> -> memref<100000x16xf32, #tpu.memory_space<hbm>>
    %dma_wait3A_267 = arith.constant 0 : i32
    %dma_wait3A_268 = arith.constant 0 : i32
    %dma_wait3A_269 = tpu.memref_slice %dma_wait3A_266[%dma_wait3A_267, %dma_wait3A_268] : memref<100000x16xf32, #tpu.memory_space<hbm>> -> memref<100000x16xf32, #tpu.memory_space<hbm>>
    tpu.wait_indirect_dma semaphore(%arg35 : memref<!tpu.dma_semaphore, #tpu.memory_space<semaphore_mem>>) src(%dma_wait3A_269 : memref<100000x16xf32, #tpu.memory_space<hbm>>) dst(%arg32 : memref<512x16xf32, #tpu.memory_space<vmem>>)
    "tpu.region"() ({
      %run_scoped3A = tpu.sem_alloc : memref<!tpu.dma_semaphore, #tpu.memory_space<semaphore_mem>>
      %dma_start3A_677 = arith.constant 80 : i32
      %dma_start3A_678 = tpu.memref_slice %arg4[%mul3A_2, %dma_start3A_677] : memref<16384x416xf32, #tpu.memory_space<hbm>> -> memref<512x16xf32, #tpu.memory_space<hbm>>
      %dma_start3A_679 = arith.constant 80 : i32
      %dma_start3A_680 = tpu.memref_slice %arg4[%mul3A_2, %dma_start3A_679] : memref<16384x416xf32, #tpu.memory_space<hbm>> -> memref<512x16xf32, #tpu.memory_space<hbm>>
      tpu.enqueue_dma source(%arg32 : memref<512x16xf32, #tpu.memory_space<vmem>>) target(%dma_start3A_680 : memref<512x16xf32, #tpu.memory_space<hbm>>) target_semaphore(%run_scoped3A : memref<!tpu.dma_semaphore, #tpu.memory_space<semaphore_mem>>)
      %dma_wait3A_681 = arith.constant 80 : i32
      %dma_wait3A_682 = tpu.memref_slice %arg4[%mul3A_2, %dma_wait3A_681] : memref<16384x416xf32, #tpu.memory_space<hbm>> -> memref<512x16xf32, #tpu.memory_space<hbm>>
      %dma_wait3A_683 = arith.constant 80 : i32
      %dma_wait3A_684 = tpu.memref_slice %arg4[%mul3A_2, %dma_wait3A_683] : memref<16384x416xf32, #tpu.memory_space<hbm>> -> memref<512x16xf32, #tpu.memory_space<hbm>>
      tpu.wait_dma2 semaphore(%run_scoped3A : memref<!tpu.dma_semaphore, #tpu.memory_space<semaphore_mem>>) src(%arg32 : memref<512x16xf32, #tpu.memory_space<vmem>>) dst(%dma_wait3A_684 : memref<512x16xf32, #tpu.memory_space<hbm>>)
      tpu.yield
    }) : () -> ()
    %dma_wait3A_270 = arith.constant 7 : i32
    %dma_wait3A_271 = tpu.memref_slice %arg3[%dma_wait3A_270, %mul3A_2] : memref<26x16384xi32, #tpu.memory_space<hbm>> -> memref<1x512xi32, #tpu.memory_space<hbm>>
    %dma_wait3A_272 = tpu.memref_squeeze %dma_wait3A_271 : memref<1x512xi32, #tpu.memory_space<hbm>> -> memref<512xi32, #tpu.memory_space<hbm>>
    %dma_wait3A_273 = tpu.memref_slice %arg3[%dma_wait3A_270, %mul3A_2] : memref<26x16384xi32, #tpu.memory_space<hbm>> -> memref<1x512xi32, #tpu.memory_space<hbm>>
    %dma_wait3A_274 = tpu.memref_squeeze %dma_wait3A_273 : memref<1x512xi32, #tpu.memory_space<hbm>> -> memref<512xi32, #tpu.memory_space<hbm>>
    tpu.wait_dma2 semaphore(%arg33 : memref<!tpu.dma_semaphore, #tpu.memory_space<semaphore_mem>>) src(%dma_wait3A_274 : memref<512xi32, #tpu.memory_space<hbm>>) dst(%arg12 : memref<512xi32, #tpu.memory_space<vmem>>)
    %dma_start3A_275 = arith.constant 7 : i32
    %dma_start3A_276 = arith.constant 0 : i32
    %dma_start3A_277 = arith.constant 0 : i32
    %dma_start3A_278 = tpu.memref_slice %arg2[%dma_start3A_275, %dma_start3A_276, %dma_start3A_277] : memref<26x100000x16xf32, #tpu.memory_space<hbm>> -> memref<1x100000x16xf32, #tpu.memory_space<hbm>>
    %dma_start3A_279 = tpu.memref_squeeze %dma_start3A_278 : memref<1x100000x16xf32, #tpu.memory_space<hbm>> -> memref<100000x16xf32, #tpu.memory_space<hbm>>
    %dma_start3A_280 = arith.constant 0 : i32
    %dma_start3A_281 = arith.constant 0 : i32
    %dma_start3A_282 = tpu.memref_slice %dma_start3A_279[%dma_start3A_280, %dma_start3A_281] : memref<100000x16xf32, #tpu.memory_space<hbm>> -> memref<100000x16xf32, #tpu.memory_space<hbm>>
    tpu.enqueue_indirect_dma source(%dma_start3A_282 : memref<100000x16xf32, #tpu.memory_space<hbm>>) target(%arg32 : memref<512x16xf32, #tpu.memory_space<vmem>>) offsets(%arg12 : memref<512xi32, #tpu.memory_space<vmem>>) semaphore(%arg35 : memref<!tpu.dma_semaphore, #tpu.memory_space<semaphore_mem>>)
    %dma_wait3A_283 = arith.constant 6 : i32
    %dma_wait3A_284 = arith.constant 0 : i32
    %dma_wait3A_285 = arith.constant 0 : i32
    %dma_wait3A_286 = tpu.memref_slice %arg2[%dma_wait3A_283, %dma_wait3A_284, %dma_wait3A_285] : memref<26x100000x16xf32, #tpu.memory_space<hbm>> -> memref<1x100000x16xf32, #tpu.memory_space<hbm>>
    %dma_wait3A_287 = tpu.memref_squeeze %dma_wait3A_286 : memref<1x100000x16xf32, #tpu.memory_space<hbm>> -> memref<100000x16xf32, #tpu.memory_space<hbm>>
    %dma_wait3A_288 = arith.constant 0 : i32
    %dma_wait3A_289 = arith.constant 0 : i32
    %dma_wait3A_290 = tpu.memref_slice %dma_wait3A_287[%dma_wait3A_288, %dma_wait3A_289] : memref<100000x16xf32, #tpu.memory_space<hbm>> -> memref<100000x16xf32, #tpu.memory_space<hbm>>
    tpu.wait_indirect_dma semaphore(%arg34 : memref<!tpu.dma_semaphore, #tpu.memory_space<semaphore_mem>>) src(%dma_wait3A_290 : memref<100000x16xf32, #tpu.memory_space<hbm>>) dst(%arg31 : memref<512x16xf32, #tpu.memory_space<vmem>>)
    "tpu.region"() ({
      %run_scoped3A = tpu.sem_alloc : memref<!tpu.dma_semaphore, #tpu.memory_space<semaphore_mem>>
      %dma_start3A_677 = arith.constant 96 : i32
      %dma_start3A_678 = tpu.memref_slice %arg4[%mul3A_2, %dma_start3A_677] : memref<16384x416xf32, #tpu.memory_space<hbm>> -> memref<512x16xf32, #tpu.memory_space<hbm>>
      %dma_start3A_679 = arith.constant 96 : i32
      %dma_start3A_680 = tpu.memref_slice %arg4[%mul3A_2, %dma_start3A_679] : memref<16384x416xf32, #tpu.memory_space<hbm>> -> memref<512x16xf32, #tpu.memory_space<hbm>>
      tpu.enqueue_dma source(%arg31 : memref<512x16xf32, #tpu.memory_space<vmem>>) target(%dma_start3A_680 : memref<512x16xf32, #tpu.memory_space<hbm>>) target_semaphore(%run_scoped3A : memref<!tpu.dma_semaphore, #tpu.memory_space<semaphore_mem>>)
      %dma_wait3A_681 = arith.constant 96 : i32
      %dma_wait3A_682 = tpu.memref_slice %arg4[%mul3A_2, %dma_wait3A_681] : memref<16384x416xf32, #tpu.memory_space<hbm>> -> memref<512x16xf32, #tpu.memory_space<hbm>>
      %dma_wait3A_683 = arith.constant 96 : i32
      %dma_wait3A_684 = tpu.memref_slice %arg4[%mul3A_2, %dma_wait3A_683] : memref<16384x416xf32, #tpu.memory_space<hbm>> -> memref<512x16xf32, #tpu.memory_space<hbm>>
      tpu.wait_dma2 semaphore(%run_scoped3A : memref<!tpu.dma_semaphore, #tpu.memory_space<semaphore_mem>>) src(%arg31 : memref<512x16xf32, #tpu.memory_space<vmem>>) dst(%dma_wait3A_684 : memref<512x16xf32, #tpu.memory_space<hbm>>)
      tpu.yield
    }) : () -> ()
    %dma_wait3A_291 = arith.constant 8 : i32
    %dma_wait3A_292 = tpu.memref_slice %arg3[%dma_wait3A_291, %mul3A_2] : memref<26x16384xi32, #tpu.memory_space<hbm>> -> memref<1x512xi32, #tpu.memory_space<hbm>>
    %dma_wait3A_293 = tpu.memref_squeeze %dma_wait3A_292 : memref<1x512xi32, #tpu.memory_space<hbm>> -> memref<512xi32, #tpu.memory_space<hbm>>
    %dma_wait3A_294 = tpu.memref_slice %arg3[%dma_wait3A_291, %mul3A_2] : memref<26x16384xi32, #tpu.memory_space<hbm>> -> memref<1x512xi32, #tpu.memory_space<hbm>>
    %dma_wait3A_295 = tpu.memref_squeeze %dma_wait3A_294 : memref<1x512xi32, #tpu.memory_space<hbm>> -> memref<512xi32, #tpu.memory_space<hbm>>
    tpu.wait_dma2 semaphore(%arg33 : memref<!tpu.dma_semaphore, #tpu.memory_space<semaphore_mem>>) src(%dma_wait3A_295 : memref<512xi32, #tpu.memory_space<hbm>>) dst(%arg13 : memref<512xi32, #tpu.memory_space<vmem>>)
    %dma_start3A_296 = arith.constant 8 : i32
    %dma_start3A_297 = arith.constant 0 : i32
    %dma_start3A_298 = arith.constant 0 : i32
    %dma_start3A_299 = tpu.memref_slice %arg2[%dma_start3A_296, %dma_start3A_297, %dma_start3A_298] : memref<26x100000x16xf32, #tpu.memory_space<hbm>> -> memref<1x100000x16xf32, #tpu.memory_space<hbm>>
    %dma_start3A_300 = tpu.memref_squeeze %dma_start3A_299 : memref<1x100000x16xf32, #tpu.memory_space<hbm>> -> memref<100000x16xf32, #tpu.memory_space<hbm>>
    %dma_start3A_301 = arith.constant 0 : i32
    %dma_start3A_302 = arith.constant 0 : i32
    %dma_start3A_303 = tpu.memref_slice %dma_start3A_300[%dma_start3A_301, %dma_start3A_302] : memref<100000x16xf32, #tpu.memory_space<hbm>> -> memref<100000x16xf32, #tpu.memory_space<hbm>>
    tpu.enqueue_indirect_dma source(%dma_start3A_303 : memref<100000x16xf32, #tpu.memory_space<hbm>>) target(%arg31 : memref<512x16xf32, #tpu.memory_space<vmem>>) offsets(%arg13 : memref<512xi32, #tpu.memory_space<vmem>>) semaphore(%arg34 : memref<!tpu.dma_semaphore, #tpu.memory_space<semaphore_mem>>)
    %dma_wait3A_304 = arith.constant 7 : i32
    %dma_wait3A_305 = arith.constant 0 : i32
    %dma_wait3A_306 = arith.constant 0 : i32
    %dma_wait3A_307 = tpu.memref_slice %arg2[%dma_wait3A_304, %dma_wait3A_305, %dma_wait3A_306] : memref<26x100000x16xf32, #tpu.memory_space<hbm>> -> memref<1x100000x16xf32, #tpu.memory_space<hbm>>
    %dma_wait3A_308 = tpu.memref_squeeze %dma_wait3A_307 : memref<1x100000x16xf32, #tpu.memory_space<hbm>> -> memref<100000x16xf32, #tpu.memory_space<hbm>>
    %dma_wait3A_309 = arith.constant 0 : i32
    %dma_wait3A_310 = arith.constant 0 : i32
    %dma_wait3A_311 = tpu.memref_slice %dma_wait3A_308[%dma_wait3A_309, %dma_wait3A_310] : memref<100000x16xf32, #tpu.memory_space<hbm>> -> memref<100000x16xf32, #tpu.memory_space<hbm>>
    tpu.wait_indirect_dma semaphore(%arg35 : memref<!tpu.dma_semaphore, #tpu.memory_space<semaphore_mem>>) src(%dma_wait3A_311 : memref<100000x16xf32, #tpu.memory_space<hbm>>) dst(%arg32 : memref<512x16xf32, #tpu.memory_space<vmem>>)
    "tpu.region"() ({
      %run_scoped3A = tpu.sem_alloc : memref<!tpu.dma_semaphore, #tpu.memory_space<semaphore_mem>>
      %dma_start3A_677 = arith.constant 112 : i32
      %dma_start3A_678 = tpu.memref_slice %arg4[%mul3A_2, %dma_start3A_677] : memref<16384x416xf32, #tpu.memory_space<hbm>> -> memref<512x16xf32, #tpu.memory_space<hbm>>
      %dma_start3A_679 = arith.constant 112 : i32
      %dma_start3A_680 = tpu.memref_slice %arg4[%mul3A_2, %dma_start3A_679] : memref<16384x416xf32, #tpu.memory_space<hbm>> -> memref<512x16xf32, #tpu.memory_space<hbm>>
      tpu.enqueue_dma source(%arg32 : memref<512x16xf32, #tpu.memory_space<vmem>>) target(%dma_start3A_680 : memref<512x16xf32, #tpu.memory_space<hbm>>) target_semaphore(%run_scoped3A : memref<!tpu.dma_semaphore, #tpu.memory_space<semaphore_mem>>)
      %dma_wait3A_681 = arith.constant 112 : i32
      %dma_wait3A_682 = tpu.memref_slice %arg4[%mul3A_2, %dma_wait3A_681] : memref<16384x416xf32, #tpu.memory_space<hbm>> -> memref<512x16xf32, #tpu.memory_space<hbm>>
      %dma_wait3A_683 = arith.constant 112 : i32
      %dma_wait3A_684 = tpu.memref_slice %arg4[%mul3A_2, %dma_wait3A_683] : memref<16384x416xf32, #tpu.memory_space<hbm>> -> memref<512x16xf32, #tpu.memory_space<hbm>>
      tpu.wait_dma2 semaphore(%run_scoped3A : memref<!tpu.dma_semaphore, #tpu.memory_space<semaphore_mem>>) src(%arg32 : memref<512x16xf32, #tpu.memory_space<vmem>>) dst(%dma_wait3A_684 : memref<512x16xf32, #tpu.memory_space<hbm>>)
      tpu.yield
    }) : () -> ()
    %dma_wait3A_312 = arith.constant 9 : i32
    %dma_wait3A_313 = tpu.memref_slice %arg3[%dma_wait3A_312, %mul3A_2] : memref<26x16384xi32, #tpu.memory_space<hbm>> -> memref<1x512xi32, #tpu.memory_space<hbm>>
    %dma_wait3A_314 = tpu.memref_squeeze %dma_wait3A_313 : memref<1x512xi32, #tpu.memory_space<hbm>> -> memref<512xi32, #tpu.memory_space<hbm>>
    %dma_wait3A_315 = tpu.memref_slice %arg3[%dma_wait3A_312, %mul3A_2] : memref<26x16384xi32, #tpu.memory_space<hbm>> -> memref<1x512xi32, #tpu.memory_space<hbm>>
    %dma_wait3A_316 = tpu.memref_squeeze %dma_wait3A_315 : memref<1x512xi32, #tpu.memory_space<hbm>> -> memref<512xi32, #tpu.memory_space<hbm>>
    tpu.wait_dma2 semaphore(%arg33 : memref<!tpu.dma_semaphore, #tpu.memory_space<semaphore_mem>>) src(%dma_wait3A_316 : memref<512xi32, #tpu.memory_space<hbm>>) dst(%arg14 : memref<512xi32, #tpu.memory_space<vmem>>)
    %dma_start3A_317 = arith.constant 9 : i32
    %dma_start3A_318 = arith.constant 0 : i32
    %dma_start3A_319 = arith.constant 0 : i32
    %dma_start3A_320 = tpu.memref_slice %arg2[%dma_start3A_317, %dma_start3A_318, %dma_start3A_319] : memref<26x100000x16xf32, #tpu.memory_space<hbm>> -> memref<1x100000x16xf32, #tpu.memory_space<hbm>>
    %dma_start3A_321 = tpu.memref_squeeze %dma_start3A_320 : memref<1x100000x16xf32, #tpu.memory_space<hbm>> -> memref<100000x16xf32, #tpu.memory_space<hbm>>
    %dma_start3A_322 = arith.constant 0 : i32
    %dma_start3A_323 = arith.constant 0 : i32
    %dma_start3A_324 = tpu.memref_slice %dma_start3A_321[%dma_start3A_322, %dma_start3A_323] : memref<100000x16xf32, #tpu.memory_space<hbm>> -> memref<100000x16xf32, #tpu.memory_space<hbm>>
    tpu.enqueue_indirect_dma source(%dma_start3A_324 : memref<100000x16xf32, #tpu.memory_space<hbm>>) target(%arg32 : memref<512x16xf32, #tpu.memory_space<vmem>>) offsets(%arg14 : memref<512xi32, #tpu.memory_space<vmem>>) semaphore(%arg35 : memref<!tpu.dma_semaphore, #tpu.memory_space<semaphore_mem>>)
    %dma_wait3A_325 = arith.constant 8 : i32
    %dma_wait3A_326 = arith.constant 0 : i32
    %dma_wait3A_327 = arith.constant 0 : i32
    %dma_wait3A_328 = tpu.memref_slice %arg2[%dma_wait3A_325, %dma_wait3A_326, %dma_wait3A_327] : memref<26x100000x16xf32, #tpu.memory_space<hbm>> -> memref<1x100000x16xf32, #tpu.memory_space<hbm>>
    %dma_wait3A_329 = tpu.memref_squeeze %dma_wait3A_328 : memref<1x100000x16xf32, #tpu.memory_space<hbm>> -> memref<100000x16xf32, #tpu.memory_space<hbm>>
    %dma_wait3A_330 = arith.constant 0 : i32
    %dma_wait3A_331 = arith.constant 0 : i32
    %dma_wait3A_332 = tpu.memref_slice %dma_wait3A_329[%dma_wait3A_330, %dma_wait3A_331] : memref<100000x16xf32, #tpu.memory_space<hbm>> -> memref<100000x16xf32, #tpu.memory_space<hbm>>
    tpu.wait_indirect_dma semaphore(%arg34 : memref<!tpu.dma_semaphore, #tpu.memory_space<semaphore_mem>>) src(%dma_wait3A_332 : memref<100000x16xf32, #tpu.memory_space<hbm>>) dst(%arg31 : memref<512x16xf32, #tpu.memory_space<vmem>>)
    "tpu.region"() ({
      %run_scoped3A = tpu.sem_alloc : memref<!tpu.dma_semaphore, #tpu.memory_space<semaphore_mem>>
      %dma_start3A_677 = arith.constant 128 : i32
      %dma_start3A_678 = tpu.memref_slice %arg4[%mul3A_2, %dma_start3A_677] : memref<16384x416xf32, #tpu.memory_space<hbm>> -> memref<512x16xf32, #tpu.memory_space<hbm>>
      %dma_start3A_679 = arith.constant 128 : i32
      %dma_start3A_680 = tpu.memref_slice %arg4[%mul3A_2, %dma_start3A_679] : memref<16384x416xf32, #tpu.memory_space<hbm>> -> memref<512x16xf32, #tpu.memory_space<hbm>>
      tpu.enqueue_dma source(%arg31 : memref<512x16xf32, #tpu.memory_space<vmem>>) target(%dma_start3A_680 : memref<512x16xf32, #tpu.memory_space<hbm>>) target_semaphore(%run_scoped3A : memref<!tpu.dma_semaphore, #tpu.memory_space<semaphore_mem>>)
      %dma_wait3A_681 = arith.constant 128 : i32
      %dma_wait3A_682 = tpu.memref_slice %arg4[%mul3A_2, %dma_wait3A_681] : memref<16384x416xf32, #tpu.memory_space<hbm>> -> memref<512x16xf32, #tpu.memory_space<hbm>>
      %dma_wait3A_683 = arith.constant 128 : i32
      %dma_wait3A_684 = tpu.memref_slice %arg4[%mul3A_2, %dma_wait3A_683] : memref<16384x416xf32, #tpu.memory_space<hbm>> -> memref<512x16xf32, #tpu.memory_space<hbm>>
      tpu.wait_dma2 semaphore(%run_scoped3A : memref<!tpu.dma_semaphore, #tpu.memory_space<semaphore_mem>>) src(%arg31 : memref<512x16xf32, #tpu.memory_space<vmem>>) dst(%dma_wait3A_684 : memref<512x16xf32, #tpu.memory_space<hbm>>)
      tpu.yield
    }) : () -> ()
    %dma_wait3A_333 = arith.constant 10 : i32
    %dma_wait3A_334 = tpu.memref_slice %arg3[%dma_wait3A_333, %mul3A_2] : memref<26x16384xi32, #tpu.memory_space<hbm>> -> memref<1x512xi32, #tpu.memory_space<hbm>>
    %dma_wait3A_335 = tpu.memref_squeeze %dma_wait3A_334 : memref<1x512xi32, #tpu.memory_space<hbm>> -> memref<512xi32, #tpu.memory_space<hbm>>
    %dma_wait3A_336 = tpu.memref_slice %arg3[%dma_wait3A_333, %mul3A_2] : memref<26x16384xi32, #tpu.memory_space<hbm>> -> memref<1x512xi32, #tpu.memory_space<hbm>>
    %dma_wait3A_337 = tpu.memref_squeeze %dma_wait3A_336 : memref<1x512xi32, #tpu.memory_space<hbm>> -> memref<512xi32, #tpu.memory_space<hbm>>
    tpu.wait_dma2 semaphore(%arg33 : memref<!tpu.dma_semaphore, #tpu.memory_space<semaphore_mem>>) src(%dma_wait3A_337 : memref<512xi32, #tpu.memory_space<hbm>>) dst(%arg15 : memref<512xi32, #tpu.memory_space<vmem>>)
    %dma_start3A_338 = arith.constant 10 : i32
    %dma_start3A_339 = arith.constant 0 : i32
    %dma_start3A_340 = arith.constant 0 : i32
    %dma_start3A_341 = tpu.memref_slice %arg2[%dma_start3A_338, %dma_start3A_339, %dma_start3A_340] : memref<26x100000x16xf32, #tpu.memory_space<hbm>> -> memref<1x100000x16xf32, #tpu.memory_space<hbm>>
    %dma_start3A_342 = tpu.memref_squeeze %dma_start3A_341 : memref<1x100000x16xf32, #tpu.memory_space<hbm>> -> memref<100000x16xf32, #tpu.memory_space<hbm>>
    %dma_start3A_343 = arith.constant 0 : i32
    %dma_start3A_344 = arith.constant 0 : i32
    %dma_start3A_345 = tpu.memref_slice %dma_start3A_342[%dma_start3A_343, %dma_start3A_344] : memref<100000x16xf32, #tpu.memory_space<hbm>> -> memref<100000x16xf32, #tpu.memory_space<hbm>>
    tpu.enqueue_indirect_dma source(%dma_start3A_345 : memref<100000x16xf32, #tpu.memory_space<hbm>>) target(%arg31 : memref<512x16xf32, #tpu.memory_space<vmem>>) offsets(%arg15 : memref<512xi32, #tpu.memory_space<vmem>>) semaphore(%arg34 : memref<!tpu.dma_semaphore, #tpu.memory_space<semaphore_mem>>)
    %dma_wait3A_346 = arith.constant 9 : i32
    %dma_wait3A_347 = arith.constant 0 : i32
    %dma_wait3A_348 = arith.constant 0 : i32
    %dma_wait3A_349 = tpu.memref_slice %arg2[%dma_wait3A_346, %dma_wait3A_347, %dma_wait3A_348] : memref<26x100000x16xf32, #tpu.memory_space<hbm>> -> memref<1x100000x16xf32, #tpu.memory_space<hbm>>
    %dma_wait3A_350 = tpu.memref_squeeze %dma_wait3A_349 : memref<1x100000x16xf32, #tpu.memory_space<hbm>> -> memref<100000x16xf32, #tpu.memory_space<hbm>>
    %dma_wait3A_351 = arith.constant 0 : i32
    %dma_wait3A_352 = arith.constant 0 : i32
    %dma_wait3A_353 = tpu.memref_slice %dma_wait3A_350[%dma_wait3A_351, %dma_wait3A_352] : memref<100000x16xf32, #tpu.memory_space<hbm>> -> memref<100000x16xf32, #tpu.memory_space<hbm>>
    tpu.wait_indirect_dma semaphore(%arg35 : memref<!tpu.dma_semaphore, #tpu.memory_space<semaphore_mem>>) src(%dma_wait3A_353 : memref<100000x16xf32, #tpu.memory_space<hbm>>) dst(%arg32 : memref<512x16xf32, #tpu.memory_space<vmem>>)
    "tpu.region"() ({
      %run_scoped3A = tpu.sem_alloc : memref<!tpu.dma_semaphore, #tpu.memory_space<semaphore_mem>>
      %dma_start3A_677 = arith.constant 144 : i32
      %dma_start3A_678 = tpu.memref_slice %arg4[%mul3A_2, %dma_start3A_677] : memref<16384x416xf32, #tpu.memory_space<hbm>> -> memref<512x16xf32, #tpu.memory_space<hbm>>
      %dma_start3A_679 = arith.constant 144 : i32
      %dma_start3A_680 = tpu.memref_slice %arg4[%mul3A_2, %dma_start3A_679] : memref<16384x416xf32, #tpu.memory_space<hbm>> -> memref<512x16xf32, #tpu.memory_space<hbm>>
      tpu.enqueue_dma source(%arg32 : memref<512x16xf32, #tpu.memory_space<vmem>>) target(%dma_start3A_680 : memref<512x16xf32, #tpu.memory_space<hbm>>) target_semaphore(%run_scoped3A : memref<!tpu.dma_semaphore, #tpu.memory_space<semaphore_mem>>)
      %dma_wait3A_681 = arith.constant 144 : i32
      %dma_wait3A_682 = tpu.memref_slice %arg4[%mul3A_2, %dma_wait3A_681] : memref<16384x416xf32, #tpu.memory_space<hbm>> -> memref<512x16xf32, #tpu.memory_space<hbm>>
      %dma_wait3A_683 = arith.constant 144 : i32
      %dma_wait3A_684 = tpu.memref_slice %arg4[%mul3A_2, %dma_wait3A_683] : memref<16384x416xf32, #tpu.memory_space<hbm>> -> memref<512x16xf32, #tpu.memory_space<hbm>>
      tpu.wait_dma2 semaphore(%run_scoped3A : memref<!tpu.dma_semaphore, #tpu.memory_space<semaphore_mem>>) src(%arg32 : memref<512x16xf32, #tpu.memory_space<vmem>>) dst(%dma_wait3A_684 : memref<512x16xf32, #tpu.memory_space<hbm>>)
      tpu.yield
    }) : () -> ()
    %dma_wait3A_354 = arith.constant 11 : i32
    %dma_wait3A_355 = tpu.memref_slice %arg3[%dma_wait3A_354, %mul3A_2] : memref<26x16384xi32, #tpu.memory_space<hbm>> -> memref<1x512xi32, #tpu.memory_space<hbm>>
    %dma_wait3A_356 = tpu.memref_squeeze %dma_wait3A_355 : memref<1x512xi32, #tpu.memory_space<hbm>> -> memref<512xi32, #tpu.memory_space<hbm>>
    %dma_wait3A_357 = tpu.memref_slice %arg3[%dma_wait3A_354, %mul3A_2] : memref<26x16384xi32, #tpu.memory_space<hbm>> -> memref<1x512xi32, #tpu.memory_space<hbm>>
    %dma_wait3A_358 = tpu.memref_squeeze %dma_wait3A_357 : memref<1x512xi32, #tpu.memory_space<hbm>> -> memref<512xi32, #tpu.memory_space<hbm>>
    tpu.wait_dma2 semaphore(%arg33 : memref<!tpu.dma_semaphore, #tpu.memory_space<semaphore_mem>>) src(%dma_wait3A_358 : memref<512xi32, #tpu.memory_space<hbm>>) dst(%arg16 : memref<512xi32, #tpu.memory_space<vmem>>)
    %dma_start3A_359 = arith.constant 11 : i32
    %dma_start3A_360 = arith.constant 0 : i32
    %dma_start3A_361 = arith.constant 0 : i32
    %dma_start3A_362 = tpu.memref_slice %arg2[%dma_start3A_359, %dma_start3A_360, %dma_start3A_361] : memref<26x100000x16xf32, #tpu.memory_space<hbm>> -> memref<1x100000x16xf32, #tpu.memory_space<hbm>>
    %dma_start3A_363 = tpu.memref_squeeze %dma_start3A_362 : memref<1x100000x16xf32, #tpu.memory_space<hbm>> -> memref<100000x16xf32, #tpu.memory_space<hbm>>
    %dma_start3A_364 = arith.constant 0 : i32
    %dma_start3A_365 = arith.constant 0 : i32
    %dma_start3A_366 = tpu.memref_slice %dma_start3A_363[%dma_start3A_364, %dma_start3A_365] : memref<100000x16xf32, #tpu.memory_space<hbm>> -> memref<100000x16xf32, #tpu.memory_space<hbm>>
    tpu.enqueue_indirect_dma source(%dma_start3A_366 : memref<100000x16xf32, #tpu.memory_space<hbm>>) target(%arg32 : memref<512x16xf32, #tpu.memory_space<vmem>>) offsets(%arg16 : memref<512xi32, #tpu.memory_space<vmem>>) semaphore(%arg35 : memref<!tpu.dma_semaphore, #tpu.memory_space<semaphore_mem>>)
    %dma_wait3A_367 = arith.constant 10 : i32
    %dma_wait3A_368 = arith.constant 0 : i32
    %dma_wait3A_369 = arith.constant 0 : i32
    %dma_wait3A_370 = tpu.memref_slice %arg2[%dma_wait3A_367, %dma_wait3A_368, %dma_wait3A_369] : memref<26x100000x16xf32, #tpu.memory_space<hbm>> -> memref<1x100000x16xf32, #tpu.memory_space<hbm>>
    %dma_wait3A_371 = tpu.memref_squeeze %dma_wait3A_370 : memref<1x100000x16xf32, #tpu.memory_space<hbm>> -> memref<100000x16xf32, #tpu.memory_space<hbm>>
    %dma_wait3A_372 = arith.constant 0 : i32
    %dma_wait3A_373 = arith.constant 0 : i32
    %dma_wait3A_374 = tpu.memref_slice %dma_wait3A_371[%dma_wait3A_372, %dma_wait3A_373] : memref<100000x16xf32, #tpu.memory_space<hbm>> -> memref<100000x16xf32, #tpu.memory_space<hbm>>
    tpu.wait_indirect_dma semaphore(%arg34 : memref<!tpu.dma_semaphore, #tpu.memory_space<semaphore_mem>>) src(%dma_wait3A_374 : memref<100000x16xf32, #tpu.memory_space<hbm>>) dst(%arg31 : memref<512x16xf32, #tpu.memory_space<vmem>>)
    "tpu.region"() ({
      %run_scoped3A = tpu.sem_alloc : memref<!tpu.dma_semaphore, #tpu.memory_space<semaphore_mem>>
      %dma_start3A_677 = arith.constant 160 : i32
      %dma_start3A_678 = tpu.memref_slice %arg4[%mul3A_2, %dma_start3A_677] : memref<16384x416xf32, #tpu.memory_space<hbm>> -> memref<512x16xf32, #tpu.memory_space<hbm>>
      %dma_start3A_679 = arith.constant 160 : i32
      %dma_start3A_680 = tpu.memref_slice %arg4[%mul3A_2, %dma_start3A_679] : memref<16384x416xf32, #tpu.memory_space<hbm>> -> memref<512x16xf32, #tpu.memory_space<hbm>>
      tpu.enqueue_dma source(%arg31 : memref<512x16xf32, #tpu.memory_space<vmem>>) target(%dma_start3A_680 : memref<512x16xf32, #tpu.memory_space<hbm>>) target_semaphore(%run_scoped3A : memref<!tpu.dma_semaphore, #tpu.memory_space<semaphore_mem>>)
      %dma_wait3A_681 = arith.constant 160 : i32
      %dma_wait3A_682 = tpu.memref_slice %arg4[%mul3A_2, %dma_wait3A_681] : memref<16384x416xf32, #tpu.memory_space<hbm>> -> memref<512x16xf32, #tpu.memory_space<hbm>>
      %dma_wait3A_683 = arith.constant 160 : i32
      %dma_wait3A_684 = tpu.memref_slice %arg4[%mul3A_2, %dma_wait3A_683] : memref<16384x416xf32, #tpu.memory_space<hbm>> -> memref<512x16xf32, #tpu.memory_space<hbm>>
      tpu.wait_dma2 semaphore(%run_scoped3A : memref<!tpu.dma_semaphore, #tpu.memory_space<semaphore_mem>>) src(%arg31 : memref<512x16xf32, #tpu.memory_space<vmem>>) dst(%dma_wait3A_684 : memref<512x16xf32, #tpu.memory_space<hbm>>)
      tpu.yield
    }) : () -> ()
    %dma_wait3A_375 = arith.constant 12 : i32
    %dma_wait3A_376 = tpu.memref_slice %arg3[%dma_wait3A_375, %mul3A_2] : memref<26x16384xi32, #tpu.memory_space<hbm>> -> memref<1x512xi32, #tpu.memory_space<hbm>>
    %dma_wait3A_377 = tpu.memref_squeeze %dma_wait3A_376 : memref<1x512xi32, #tpu.memory_space<hbm>> -> memref<512xi32, #tpu.memory_space<hbm>>
    %dma_wait3A_378 = tpu.memref_slice %arg3[%dma_wait3A_375, %mul3A_2] : memref<26x16384xi32, #tpu.memory_space<hbm>> -> memref<1x512xi32, #tpu.memory_space<hbm>>
    %dma_wait3A_379 = tpu.memref_squeeze %dma_wait3A_378 : memref<1x512xi32, #tpu.memory_space<hbm>> -> memref<512xi32, #tpu.memory_space<hbm>>
    tpu.wait_dma2 semaphore(%arg33 : memref<!tpu.dma_semaphore, #tpu.memory_space<semaphore_mem>>) src(%dma_wait3A_379 : memref<512xi32, #tpu.memory_space<hbm>>) dst(%arg17 : memref<512xi32, #tpu.memory_space<vmem>>)
    %dma_start3A_380 = arith.constant 12 : i32
    %dma_start3A_381 = arith.constant 0 : i32
    %dma_start3A_382 = arith.constant 0 : i32
    %dma_start3A_383 = tpu.memref_slice %arg2[%dma_start3A_380, %dma_start3A_381, %dma_start3A_382] : memref<26x100000x16xf32, #tpu.memory_space<hbm>> -> memref<1x100000x16xf32, #tpu.memory_space<hbm>>
    %dma_start3A_384 = tpu.memref_squeeze %dma_start3A_383 : memref<1x100000x16xf32, #tpu.memory_space<hbm>> -> memref<100000x16xf32, #tpu.memory_space<hbm>>
    %dma_start3A_385 = arith.constant 0 : i32
    %dma_start3A_386 = arith.constant 0 : i32
    %dma_start3A_387 = tpu.memref_slice %dma_start3A_384[%dma_start3A_385, %dma_start3A_386] : memref<100000x16xf32, #tpu.memory_space<hbm>> -> memref<100000x16xf32, #tpu.memory_space<hbm>>
    tpu.enqueue_indirect_dma source(%dma_start3A_387 : memref<100000x16xf32, #tpu.memory_space<hbm>>) target(%arg31 : memref<512x16xf32, #tpu.memory_space<vmem>>) offsets(%arg17 : memref<512xi32, #tpu.memory_space<vmem>>) semaphore(%arg34 : memref<!tpu.dma_semaphore, #tpu.memory_space<semaphore_mem>>)
    %dma_wait3A_388 = arith.constant 11 : i32
    %dma_wait3A_389 = arith.constant 0 : i32
    %dma_wait3A_390 = arith.constant 0 : i32
    %dma_wait3A_391 = tpu.memref_slice %arg2[%dma_wait3A_388, %dma_wait3A_389, %dma_wait3A_390] : memref<26x100000x16xf32, #tpu.memory_space<hbm>> -> memref<1x100000x16xf32, #tpu.memory_space<hbm>>
    %dma_wait3A_392 = tpu.memref_squeeze %dma_wait3A_391 : memref<1x100000x16xf32, #tpu.memory_space<hbm>> -> memref<100000x16xf32, #tpu.memory_space<hbm>>
    %dma_wait3A_393 = arith.constant 0 : i32
    %dma_wait3A_394 = arith.constant 0 : i32
    %dma_wait3A_395 = tpu.memref_slice %dma_wait3A_392[%dma_wait3A_393, %dma_wait3A_394] : memref<100000x16xf32, #tpu.memory_space<hbm>> -> memref<100000x16xf32, #tpu.memory_space<hbm>>
    tpu.wait_indirect_dma semaphore(%arg35 : memref<!tpu.dma_semaphore, #tpu.memory_space<semaphore_mem>>) src(%dma_wait3A_395 : memref<100000x16xf32, #tpu.memory_space<hbm>>) dst(%arg32 : memref<512x16xf32, #tpu.memory_space<vmem>>)
    "tpu.region"() ({
      %run_scoped3A = tpu.sem_alloc : memref<!tpu.dma_semaphore, #tpu.memory_space<semaphore_mem>>
      %dma_start3A_677 = arith.constant 176 : i32
      %dma_start3A_678 = tpu.memref_slice %arg4[%mul3A_2, %dma_start3A_677] : memref<16384x416xf32, #tpu.memory_space<hbm>> -> memref<512x16xf32, #tpu.memory_space<hbm>>
      %dma_start3A_679 = arith.constant 176 : i32
      %dma_start3A_680 = tpu.memref_slice %arg4[%mul3A_2, %dma_start3A_679] : memref<16384x416xf32, #tpu.memory_space<hbm>> -> memref<512x16xf32, #tpu.memory_space<hbm>>
      tpu.enqueue_dma source(%arg32 : memref<512x16xf32, #tpu.memory_space<vmem>>) target(%dma_start3A_680 : memref<512x16xf32, #tpu.memory_space<hbm>>) target_semaphore(%run_scoped3A : memref<!tpu.dma_semaphore, #tpu.memory_space<semaphore_mem>>)
      %dma_wait3A_681 = arith.constant 176 : i32
      %dma_wait3A_682 = tpu.memref_slice %arg4[%mul3A_2, %dma_wait3A_681] : memref<16384x416xf32, #tpu.memory_space<hbm>> -> memref<512x16xf32, #tpu.memory_space<hbm>>
      %dma_wait3A_683 = arith.constant 176 : i32
      %dma_wait3A_684 = tpu.memref_slice %arg4[%mul3A_2, %dma_wait3A_683] : memref<16384x416xf32, #tpu.memory_space<hbm>> -> memref<512x16xf32, #tpu.memory_space<hbm>>
      tpu.wait_dma2 semaphore(%run_scoped3A : memref<!tpu.dma_semaphore, #tpu.memory_space<semaphore_mem>>) src(%arg32 : memref<512x16xf32, #tpu.memory_space<vmem>>) dst(%dma_wait3A_684 : memref<512x16xf32, #tpu.memory_space<hbm>>)
      tpu.yield
    }) : () -> ()
    %dma_wait3A_396 = arith.constant 13 : i32
    %dma_wait3A_397 = tpu.memref_slice %arg3[%dma_wait3A_396, %mul3A_2] : memref<26x16384xi32, #tpu.memory_space<hbm>> -> memref<1x512xi32, #tpu.memory_space<hbm>>
    %dma_wait3A_398 = tpu.memref_squeeze %dma_wait3A_397 : memref<1x512xi32, #tpu.memory_space<hbm>> -> memref<512xi32, #tpu.memory_space<hbm>>
    %dma_wait3A_399 = tpu.memref_slice %arg3[%dma_wait3A_396, %mul3A_2] : memref<26x16384xi32, #tpu.memory_space<hbm>> -> memref<1x512xi32, #tpu.memory_space<hbm>>
    %dma_wait3A_400 = tpu.memref_squeeze %dma_wait3A_399 : memref<1x512xi32, #tpu.memory_space<hbm>> -> memref<512xi32, #tpu.memory_space<hbm>>
    tpu.wait_dma2 semaphore(%arg33 : memref<!tpu.dma_semaphore, #tpu.memory_space<semaphore_mem>>) src(%dma_wait3A_400 : memref<512xi32, #tpu.memory_space<hbm>>) dst(%arg18 : memref<512xi32, #tpu.memory_space<vmem>>)
    %dma_start3A_401 = arith.constant 13 : i32
    %dma_start3A_402 = arith.constant 0 : i32
    %dma_start3A_403 = arith.constant 0 : i32
    %dma_start3A_404 = tpu.memref_slice %arg2[%dma_start3A_401, %dma_start3A_402, %dma_start3A_403] : memref<26x100000x16xf32, #tpu.memory_space<hbm>> -> memref<1x100000x16xf32, #tpu.memory_space<hbm>>
    %dma_start3A_405 = tpu.memref_squeeze %dma_start3A_404 : memref<1x100000x16xf32, #tpu.memory_space<hbm>> -> memref<100000x16xf32, #tpu.memory_space<hbm>>
    %dma_start3A_406 = arith.constant 0 : i32
    %dma_start3A_407 = arith.constant 0 : i32
    %dma_start3A_408 = tpu.memref_slice %dma_start3A_405[%dma_start3A_406, %dma_start3A_407] : memref<100000x16xf32, #tpu.memory_space<hbm>> -> memref<100000x16xf32, #tpu.memory_space<hbm>>
    tpu.enqueue_indirect_dma source(%dma_start3A_408 : memref<100000x16xf32, #tpu.memory_space<hbm>>) target(%arg32 : memref<512x16xf32, #tpu.memory_space<vmem>>) offsets(%arg18 : memref<512xi32, #tpu.memory_space<vmem>>) semaphore(%arg35 : memref<!tpu.dma_semaphore, #tpu.memory_space<semaphore_mem>>)
    %dma_wait3A_409 = arith.constant 12 : i32
    %dma_wait3A_410 = arith.constant 0 : i32
    %dma_wait3A_411 = arith.constant 0 : i32
    %dma_wait3A_412 = tpu.memref_slice %arg2[%dma_wait3A_409, %dma_wait3A_410, %dma_wait3A_411] : memref<26x100000x16xf32, #tpu.memory_space<hbm>> -> memref<1x100000x16xf32, #tpu.memory_space<hbm>>
    %dma_wait3A_413 = tpu.memref_squeeze %dma_wait3A_412 : memref<1x100000x16xf32, #tpu.memory_space<hbm>> -> memref<100000x16xf32, #tpu.memory_space<hbm>>
    %dma_wait3A_414 = arith.constant 0 : i32
    %dma_wait3A_415 = arith.constant 0 : i32
    %dma_wait3A_416 = tpu.memref_slice %dma_wait3A_413[%dma_wait3A_414, %dma_wait3A_415] : memref<100000x16xf32, #tpu.memory_space<hbm>> -> memref<100000x16xf32, #tpu.memory_space<hbm>>
    tpu.wait_indirect_dma semaphore(%arg34 : memref<!tpu.dma_semaphore, #tpu.memory_space<semaphore_mem>>) src(%dma_wait3A_416 : memref<100000x16xf32, #tpu.memory_space<hbm>>) dst(%arg31 : memref<512x16xf32, #tpu.memory_space<vmem>>)
    "tpu.region"() ({
      %run_scoped3A = tpu.sem_alloc : memref<!tpu.dma_semaphore, #tpu.memory_space<semaphore_mem>>
      %dma_start3A_677 = arith.constant 192 : i32
      %dma_start3A_678 = tpu.memref_slice %arg4[%mul3A_2, %dma_start3A_677] : memref<16384x416xf32, #tpu.memory_space<hbm>> -> memref<512x16xf32, #tpu.memory_space<hbm>>
      %dma_start3A_679 = arith.constant 192 : i32
      %dma_start3A_680 = tpu.memref_slice %arg4[%mul3A_2, %dma_start3A_679] : memref<16384x416xf32, #tpu.memory_space<hbm>> -> memref<512x16xf32, #tpu.memory_space<hbm>>
      tpu.enqueue_dma source(%arg31 : memref<512x16xf32, #tpu.memory_space<vmem>>) target(%dma_start3A_680 : memref<512x16xf32, #tpu.memory_space<hbm>>) target_semaphore(%run_scoped3A : memref<!tpu.dma_semaphore, #tpu.memory_space<semaphore_mem>>)
      %dma_wait3A_681 = arith.constant 192 : i32
      %dma_wait3A_682 = tpu.memref_slice %arg4[%mul3A_2, %dma_wait3A_681] : memref<16384x416xf32, #tpu.memory_space<hbm>> -> memref<512x16xf32, #tpu.memory_space<hbm>>
      %dma_wait3A_683 = arith.constant 192 : i32
      %dma_wait3A_684 = tpu.memref_slice %arg4[%mul3A_2, %dma_wait3A_683] : memref<16384x416xf32, #tpu.memory_space<hbm>> -> memref<512x16xf32, #tpu.memory_space<hbm>>
      tpu.wait_dma2 semaphore(%run_scoped3A : memref<!tpu.dma_semaphore, #tpu.memory_space<semaphore_mem>>) src(%arg31 : memref<512x16xf32, #tpu.memory_space<vmem>>) dst(%dma_wait3A_684 : memref<512x16xf32, #tpu.memory_space<hbm>>)
      tpu.yield
    }) : () -> ()
    %dma_wait3A_417 = arith.constant 14 : i32
    %dma_wait3A_418 = tpu.memref_slice %arg3[%dma_wait3A_417, %mul3A_2] : memref<26x16384xi32, #tpu.memory_space<hbm>> -> memref<1x512xi32, #tpu.memory_space<hbm>>
    %dma_wait3A_419 = tpu.memref_squeeze %dma_wait3A_418 : memref<1x512xi32, #tpu.memory_space<hbm>> -> memref<512xi32, #tpu.memory_space<hbm>>
    %dma_wait3A_420 = tpu.memref_slice %arg3[%dma_wait3A_417, %mul3A_2] : memref<26x16384xi32, #tpu.memory_space<hbm>> -> memref<1x512xi32, #tpu.memory_space<hbm>>
    %dma_wait3A_421 = tpu.memref_squeeze %dma_wait3A_420 : memref<1x512xi32, #tpu.memory_space<hbm>> -> memref<512xi32, #tpu.memory_space<hbm>>
    tpu.wait_dma2 semaphore(%arg33 : memref<!tpu.dma_semaphore, #tpu.memory_space<semaphore_mem>>) src(%dma_wait3A_421 : memref<512xi32, #tpu.memory_space<hbm>>) dst(%arg19 : memref<512xi32, #tpu.memory_space<vmem>>)
    %dma_start3A_422 = arith.constant 14 : i32
    %dma_start3A_423 = arith.constant 0 : i32
    %dma_start3A_424 = arith.constant 0 : i32
    %dma_start3A_425 = tpu.memref_slice %arg2[%dma_start3A_422, %dma_start3A_423, %dma_start3A_424] : memref<26x100000x16xf32, #tpu.memory_space<hbm>> -> memref<1x100000x16xf32, #tpu.memory_space<hbm>>
    %dma_start3A_426 = tpu.memref_squeeze %dma_start3A_425 : memref<1x100000x16xf32, #tpu.memory_space<hbm>> -> memref<100000x16xf32, #tpu.memory_space<hbm>>
    %dma_start3A_427 = arith.constant 0 : i32
    %dma_start3A_428 = arith.constant 0 : i32
    %dma_start3A_429 = tpu.memref_slice %dma_start3A_426[%dma_start3A_427, %dma_start3A_428] : memref<100000x16xf32, #tpu.memory_space<hbm>> -> memref<100000x16xf32, #tpu.memory_space<hbm>>
    tpu.enqueue_indirect_dma source(%dma_start3A_429 : memref<100000x16xf32, #tpu.memory_space<hbm>>) target(%arg31 : memref<512x16xf32, #tpu.memory_space<vmem>>) offsets(%arg19 : memref<512xi32, #tpu.memory_space<vmem>>) semaphore(%arg34 : memref<!tpu.dma_semaphore, #tpu.memory_space<semaphore_mem>>)
    %dma_wait3A_430 = arith.constant 13 : i32
    %dma_wait3A_431 = arith.constant 0 : i32
    %dma_wait3A_432 = arith.constant 0 : i32
    %dma_wait3A_433 = tpu.memref_slice %arg2[%dma_wait3A_430, %dma_wait3A_431, %dma_wait3A_432] : memref<26x100000x16xf32, #tpu.memory_space<hbm>> -> memref<1x100000x16xf32, #tpu.memory_space<hbm>>
    %dma_wait3A_434 = tpu.memref_squeeze %dma_wait3A_433 : memref<1x100000x16xf32, #tpu.memory_space<hbm>> -> memref<100000x16xf32, #tpu.memory_space<hbm>>
    %dma_wait3A_435 = arith.constant 0 : i32
    %dma_wait3A_436 = arith.constant 0 : i32
    %dma_wait3A_437 = tpu.memref_slice %dma_wait3A_434[%dma_wait3A_435, %dma_wait3A_436] : memref<100000x16xf32, #tpu.memory_space<hbm>> -> memref<100000x16xf32, #tpu.memory_space<hbm>>
    tpu.wait_indirect_dma semaphore(%arg35 : memref<!tpu.dma_semaphore, #tpu.memory_space<semaphore_mem>>) src(%dma_wait3A_437 : memref<100000x16xf32, #tpu.memory_space<hbm>>) dst(%arg32 : memref<512x16xf32, #tpu.memory_space<vmem>>)
    "tpu.region"() ({
      %run_scoped3A = tpu.sem_alloc : memref<!tpu.dma_semaphore, #tpu.memory_space<semaphore_mem>>
      %dma_start3A_677 = arith.constant 208 : i32
      %dma_start3A_678 = tpu.memref_slice %arg4[%mul3A_2, %dma_start3A_677] : memref<16384x416xf32, #tpu.memory_space<hbm>> -> memref<512x16xf32, #tpu.memory_space<hbm>>
      %dma_start3A_679 = arith.constant 208 : i32
      %dma_start3A_680 = tpu.memref_slice %arg4[%mul3A_2, %dma_start3A_679] : memref<16384x416xf32, #tpu.memory_space<hbm>> -> memref<512x16xf32, #tpu.memory_space<hbm>>
      tpu.enqueue_dma source(%arg32 : memref<512x16xf32, #tpu.memory_space<vmem>>) target(%dma_start3A_680 : memref<512x16xf32, #tpu.memory_space<hbm>>) target_semaphore(%run_scoped3A : memref<!tpu.dma_semaphore, #tpu.memory_space<semaphore_mem>>)
      %dma_wait3A_681 = arith.constant 208 : i32
      %dma_wait3A_682 = tpu.memref_slice %arg4[%mul3A_2, %dma_wait3A_681] : memref<16384x416xf32, #tpu.memory_space<hbm>> -> memref<512x16xf32, #tpu.memory_space<hbm>>
      %dma_wait3A_683 = arith.constant 208 : i32
      %dma_wait3A_684 = tpu.memref_slice %arg4[%mul3A_2, %dma_wait3A_683] : memref<16384x416xf32, #tpu.memory_space<hbm>> -> memref<512x16xf32, #tpu.memory_space<hbm>>
      tpu.wait_dma2 semaphore(%run_scoped3A : memref<!tpu.dma_semaphore, #tpu.memory_space<semaphore_mem>>) src(%arg32 : memref<512x16xf32, #tpu.memory_space<vmem>>) dst(%dma_wait3A_684 : memref<512x16xf32, #tpu.memory_space<hbm>>)
      tpu.yield
    }) : () -> ()
    %dma_wait3A_438 = arith.constant 15 : i32
    %dma_wait3A_439 = tpu.memref_slice %arg3[%dma_wait3A_438, %mul3A_2] : memref<26x16384xi32, #tpu.memory_space<hbm>> -> memref<1x512xi32, #tpu.memory_space<hbm>>
    %dma_wait3A_440 = tpu.memref_squeeze %dma_wait3A_439 : memref<1x512xi32, #tpu.memory_space<hbm>> -> memref<512xi32, #tpu.memory_space<hbm>>
    %dma_wait3A_441 = tpu.memref_slice %arg3[%dma_wait3A_438, %mul3A_2] : memref<26x16384xi32, #tpu.memory_space<hbm>> -> memref<1x512xi32, #tpu.memory_space<hbm>>
    %dma_wait3A_442 = tpu.memref_squeeze %dma_wait3A_441 : memref<1x512xi32, #tpu.memory_space<hbm>> -> memref<512xi32, #tpu.memory_space<hbm>>
    tpu.wait_dma2 semaphore(%arg33 : memref<!tpu.dma_semaphore, #tpu.memory_space<semaphore_mem>>) src(%dma_wait3A_442 : memref<512xi32, #tpu.memory_space<hbm>>) dst(%arg20 : memref<512xi32, #tpu.memory_space<vmem>>)
    %dma_start3A_443 = arith.constant 15 : i32
    %dma_start3A_444 = arith.constant 0 : i32
    %dma_start3A_445 = arith.constant 0 : i32
    %dma_start3A_446 = tpu.memref_slice %arg2[%dma_start3A_443, %dma_start3A_444, %dma_start3A_445] : memref<26x100000x16xf32, #tpu.memory_space<hbm>> -> memref<1x100000x16xf32, #tpu.memory_space<hbm>>
    %dma_start3A_447 = tpu.memref_squeeze %dma_start3A_446 : memref<1x100000x16xf32, #tpu.memory_space<hbm>> -> memref<100000x16xf32, #tpu.memory_space<hbm>>
    %dma_start3A_448 = arith.constant 0 : i32
    %dma_start3A_449 = arith.constant 0 : i32
    %dma_start3A_450 = tpu.memref_slice %dma_start3A_447[%dma_start3A_448, %dma_start3A_449] : memref<100000x16xf32, #tpu.memory_space<hbm>> -> memref<100000x16xf32, #tpu.memory_space<hbm>>
    tpu.enqueue_indirect_dma source(%dma_start3A_450 : memref<100000x16xf32, #tpu.memory_space<hbm>>) target(%arg32 : memref<512x16xf32, #tpu.memory_space<vmem>>) offsets(%arg20 : memref<512xi32, #tpu.memory_space<vmem>>) semaphore(%arg35 : memref<!tpu.dma_semaphore, #tpu.memory_space<semaphore_mem>>)
    %dma_wait3A_451 = arith.constant 14 : i32
    %dma_wait3A_452 = arith.constant 0 : i32
    %dma_wait3A_453 = arith.constant 0 : i32
    %dma_wait3A_454 = tpu.memref_slice %arg2[%dma_wait3A_451, %dma_wait3A_452, %dma_wait3A_453] : memref<26x100000x16xf32, #tpu.memory_space<hbm>> -> memref<1x100000x16xf32, #tpu.memory_space<hbm>>
    %dma_wait3A_455 = tpu.memref_squeeze %dma_wait3A_454 : memref<1x100000x16xf32, #tpu.memory_space<hbm>> -> memref<100000x16xf32, #tpu.memory_space<hbm>>
    %dma_wait3A_456 = arith.constant 0 : i32
    %dma_wait3A_457 = arith.constant 0 : i32
    %dma_wait3A_458 = tpu.memref_slice %dma_wait3A_455[%dma_wait3A_456, %dma_wait3A_457] : memref<100000x16xf32, #tpu.memory_space<hbm>> -> memref<100000x16xf32, #tpu.memory_space<hbm>>
    tpu.wait_indirect_dma semaphore(%arg34 : memref<!tpu.dma_semaphore, #tpu.memory_space<semaphore_mem>>) src(%dma_wait3A_458 : memref<100000x16xf32, #tpu.memory_space<hbm>>) dst(%arg31 : memref<512x16xf32, #tpu.memory_space<vmem>>)
    "tpu.region"() ({
      %run_scoped3A = tpu.sem_alloc : memref<!tpu.dma_semaphore, #tpu.memory_space<semaphore_mem>>
      %dma_start3A_677 = arith.constant 224 : i32
      %dma_start3A_678 = tpu.memref_slice %arg4[%mul3A_2, %dma_start3A_677] : memref<16384x416xf32, #tpu.memory_space<hbm>> -> memref<512x16xf32, #tpu.memory_space<hbm>>
      %dma_start3A_679 = arith.constant 224 : i32
      %dma_start3A_680 = tpu.memref_slice %arg4[%mul3A_2, %dma_start3A_679] : memref<16384x416xf32, #tpu.memory_space<hbm>> -> memref<512x16xf32, #tpu.memory_space<hbm>>
      tpu.enqueue_dma source(%arg31 : memref<512x16xf32, #tpu.memory_space<vmem>>) target(%dma_start3A_680 : memref<512x16xf32, #tpu.memory_space<hbm>>) target_semaphore(%run_scoped3A : memref<!tpu.dma_semaphore, #tpu.memory_space<semaphore_mem>>)
      %dma_wait3A_681 = arith.constant 224 : i32
      %dma_wait3A_682 = tpu.memref_slice %arg4[%mul3A_2, %dma_wait3A_681] : memref<16384x416xf32, #tpu.memory_space<hbm>> -> memref<512x16xf32, #tpu.memory_space<hbm>>
      %dma_wait3A_683 = arith.constant 224 : i32
      %dma_wait3A_684 = tpu.memref_slice %arg4[%mul3A_2, %dma_wait3A_683] : memref<16384x416xf32, #tpu.memory_space<hbm>> -> memref<512x16xf32, #tpu.memory_space<hbm>>
      tpu.wait_dma2 semaphore(%run_scoped3A : memref<!tpu.dma_semaphore, #tpu.memory_space<semaphore_mem>>) src(%arg31 : memref<512x16xf32, #tpu.memory_space<vmem>>) dst(%dma_wait3A_684 : memref<512x16xf32, #tpu.memory_space<hbm>>)
      tpu.yield
    }) : () -> ()
    %dma_wait3A_459 = arith.constant 16 : i32
    %dma_wait3A_460 = tpu.memref_slice %arg3[%dma_wait3A_459, %mul3A_2] : memref<26x16384xi32, #tpu.memory_space<hbm>> -> memref<1x512xi32, #tpu.memory_space<hbm>>
    %dma_wait3A_461 = tpu.memref_squeeze %dma_wait3A_460 : memref<1x512xi32, #tpu.memory_space<hbm>> -> memref<512xi32, #tpu.memory_space<hbm>>
    %dma_wait3A_462 = tpu.memref_slice %arg3[%dma_wait3A_459, %mul3A_2] : memref<26x16384xi32, #tpu.memory_space<hbm>> -> memref<1x512xi32, #tpu.memory_space<hbm>>
    %dma_wait3A_463 = tpu.memref_squeeze %dma_wait3A_462 : memref<1x512xi32, #tpu.memory_space<hbm>> -> memref<512xi32, #tpu.memory_space<hbm>>
    tpu.wait_dma2 semaphore(%arg33 : memref<!tpu.dma_semaphore, #tpu.memory_space<semaphore_mem>>) src(%dma_wait3A_463 : memref<512xi32, #tpu.memory_space<hbm>>) dst(%arg21 : memref<512xi32, #tpu.memory_space<vmem>>)
    %dma_start3A_464 = arith.constant 16 : i32
    %dma_start3A_465 = arith.constant 0 : i32
    %dma_start3A_466 = arith.constant 0 : i32
    %dma_start3A_467 = tpu.memref_slice %arg2[%dma_start3A_464, %dma_start3A_465, %dma_start3A_466] : memref<26x100000x16xf32, #tpu.memory_space<hbm>> -> memref<1x100000x16xf32, #tpu.memory_space<hbm>>
    %dma_start3A_468 = tpu.memref_squeeze %dma_start3A_467 : memref<1x100000x16xf32, #tpu.memory_space<hbm>> -> memref<100000x16xf32, #tpu.memory_space<hbm>>
    %dma_start3A_469 = arith.constant 0 : i32
    %dma_start3A_470 = arith.constant 0 : i32
    %dma_start3A_471 = tpu.memref_slice %dma_start3A_468[%dma_start3A_469, %dma_start3A_470] : memref<100000x16xf32, #tpu.memory_space<hbm>> -> memref<100000x16xf32, #tpu.memory_space<hbm>>
    tpu.enqueue_indirect_dma source(%dma_start3A_471 : memref<100000x16xf32, #tpu.memory_space<hbm>>) target(%arg31 : memref<512x16xf32, #tpu.memory_space<vmem>>) offsets(%arg21 : memref<512xi32, #tpu.memory_space<vmem>>) semaphore(%arg34 : memref<!tpu.dma_semaphore, #tpu.memory_space<semaphore_mem>>)
    %dma_wait3A_472 = arith.constant 15 : i32
    %dma_wait3A_473 = arith.constant 0 : i32
    %dma_wait3A_474 = arith.constant 0 : i32
    %dma_wait3A_475 = tpu.memref_slice %arg2[%dma_wait3A_472, %dma_wait3A_473, %dma_wait3A_474] : memref<26x100000x16xf32, #tpu.memory_space<hbm>> -> memref<1x100000x16xf32, #tpu.memory_space<hbm>>
    %dma_wait3A_476 = tpu.memref_squeeze %dma_wait3A_475 : memref<1x100000x16xf32, #tpu.memory_space<hbm>> -> memref<100000x16xf32, #tpu.memory_space<hbm>>
    %dma_wait3A_477 = arith.constant 0 : i32
    %dma_wait3A_478 = arith.constant 0 : i32
    %dma_wait3A_479 = tpu.memref_slice %dma_wait3A_476[%dma_wait3A_477, %dma_wait3A_478] : memref<100000x16xf32, #tpu.memory_space<hbm>> -> memref<100000x16xf32, #tpu.memory_space<hbm>>
    tpu.wait_indirect_dma semaphore(%arg35 : memref<!tpu.dma_semaphore, #tpu.memory_space<semaphore_mem>>) src(%dma_wait3A_479 : memref<100000x16xf32, #tpu.memory_space<hbm>>) dst(%arg32 : memref<512x16xf32, #tpu.memory_space<vmem>>)
    "tpu.region"() ({
      %run_scoped3A = tpu.sem_alloc : memref<!tpu.dma_semaphore, #tpu.memory_space<semaphore_mem>>
      %dma_start3A_677 = arith.constant 240 : i32
      %dma_start3A_678 = tpu.memref_slice %arg4[%mul3A_2, %dma_start3A_677] : memref<16384x416xf32, #tpu.memory_space<hbm>> -> memref<512x16xf32, #tpu.memory_space<hbm>>
      %dma_start3A_679 = arith.constant 240 : i32
      %dma_start3A_680 = tpu.memref_slice %arg4[%mul3A_2, %dma_start3A_679] : memref<16384x416xf32, #tpu.memory_space<hbm>> -> memref<512x16xf32, #tpu.memory_space<hbm>>
      tpu.enqueue_dma source(%arg32 : memref<512x16xf32, #tpu.memory_space<vmem>>) target(%dma_start3A_680 : memref<512x16xf32, #tpu.memory_space<hbm>>) target_semaphore(%run_scoped3A : memref<!tpu.dma_semaphore, #tpu.memory_space<semaphore_mem>>)
      %dma_wait3A_681 = arith.constant 240 : i32
      %dma_wait3A_682 = tpu.memref_slice %arg4[%mul3A_2, %dma_wait3A_681] : memref<16384x416xf32, #tpu.memory_space<hbm>> -> memref<512x16xf32, #tpu.memory_space<hbm>>
      %dma_wait3A_683 = arith.constant 240 : i32
      %dma_wait3A_684 = tpu.memref_slice %arg4[%mul3A_2, %dma_wait3A_683] : memref<16384x416xf32, #tpu.memory_space<hbm>> -> memref<512x16xf32, #tpu.memory_space<hbm>>
      tpu.wait_dma2 semaphore(%run_scoped3A : memref<!tpu.dma_semaphore, #tpu.memory_space<semaphore_mem>>) src(%arg32 : memref<512x16xf32, #tpu.memory_space<vmem>>) dst(%dma_wait3A_684 : memref<512x16xf32, #tpu.memory_space<hbm>>)
      tpu.yield
    }) : () -> ()
    %dma_wait3A_480 = arith.constant 17 : i32
    %dma_wait3A_481 = tpu.memref_slice %arg3[%dma_wait3A_480, %mul3A_2] : memref<26x16384xi32, #tpu.memory_space<hbm>> -> memref<1x512xi32, #tpu.memory_space<hbm>>
    %dma_wait3A_482 = tpu.memref_squeeze %dma_wait3A_481 : memref<1x512xi32, #tpu.memory_space<hbm>> -> memref<512xi32, #tpu.memory_space<hbm>>
    %dma_wait3A_483 = tpu.memref_slice %arg3[%dma_wait3A_480, %mul3A_2] : memref<26x16384xi32, #tpu.memory_space<hbm>> -> memref<1x512xi32, #tpu.memory_space<hbm>>
    %dma_wait3A_484 = tpu.memref_squeeze %dma_wait3A_483 : memref<1x512xi32, #tpu.memory_space<hbm>> -> memref<512xi32, #tpu.memory_space<hbm>>
    tpu.wait_dma2 semaphore(%arg33 : memref<!tpu.dma_semaphore, #tpu.memory_space<semaphore_mem>>) src(%dma_wait3A_484 : memref<512xi32, #tpu.memory_space<hbm>>) dst(%arg22 : memref<512xi32, #tpu.memory_space<vmem>>)
    %dma_start3A_485 = arith.constant 17 : i32
    %dma_start3A_486 = arith.constant 0 : i32
    %dma_start3A_487 = arith.constant 0 : i32
    %dma_start3A_488 = tpu.memref_slice %arg2[%dma_start3A_485, %dma_start3A_486, %dma_start3A_487] : memref<26x100000x16xf32, #tpu.memory_space<hbm>> -> memref<1x100000x16xf32, #tpu.memory_space<hbm>>
    %dma_start3A_489 = tpu.memref_squeeze %dma_start3A_488 : memref<1x100000x16xf32, #tpu.memory_space<hbm>> -> memref<100000x16xf32, #tpu.memory_space<hbm>>
    %dma_start3A_490 = arith.constant 0 : i32
    %dma_start3A_491 = arith.constant 0 : i32
    %dma_start3A_492 = tpu.memref_slice %dma_start3A_489[%dma_start3A_490, %dma_start3A_491] : memref<100000x16xf32, #tpu.memory_space<hbm>> -> memref<100000x16xf32, #tpu.memory_space<hbm>>
    tpu.enqueue_indirect_dma source(%dma_start3A_492 : memref<100000x16xf32, #tpu.memory_space<hbm>>) target(%arg32 : memref<512x16xf32, #tpu.memory_space<vmem>>) offsets(%arg22 : memref<512xi32, #tpu.memory_space<vmem>>) semaphore(%arg35 : memref<!tpu.dma_semaphore, #tpu.memory_space<semaphore_mem>>)
    %dma_wait3A_493 = arith.constant 16 : i32
    %dma_wait3A_494 = arith.constant 0 : i32
    %dma_wait3A_495 = arith.constant 0 : i32
    %dma_wait3A_496 = tpu.memref_slice %arg2[%dma_wait3A_493, %dma_wait3A_494, %dma_wait3A_495] : memref<26x100000x16xf32, #tpu.memory_space<hbm>> -> memref<1x100000x16xf32, #tpu.memory_space<hbm>>
    %dma_wait3A_497 = tpu.memref_squeeze %dma_wait3A_496 : memref<1x100000x16xf32, #tpu.memory_space<hbm>> -> memref<100000x16xf32, #tpu.memory_space<hbm>>
    %dma_wait3A_498 = arith.constant 0 : i32
    %dma_wait3A_499 = arith.constant 0 : i32
    %dma_wait3A_500 = tpu.memref_slice %dma_wait3A_497[%dma_wait3A_498, %dma_wait3A_499] : memref<100000x16xf32, #tpu.memory_space<hbm>> -> memref<100000x16xf32, #tpu.memory_space<hbm>>
    tpu.wait_indirect_dma semaphore(%arg34 : memref<!tpu.dma_semaphore, #tpu.memory_space<semaphore_mem>>) src(%dma_wait3A_500 : memref<100000x16xf32, #tpu.memory_space<hbm>>) dst(%arg31 : memref<512x16xf32, #tpu.memory_space<vmem>>)
    "tpu.region"() ({
      %run_scoped3A = tpu.sem_alloc : memref<!tpu.dma_semaphore, #tpu.memory_space<semaphore_mem>>
      %dma_start3A_677 = arith.constant 256 : i32
      %dma_start3A_678 = tpu.memref_slice %arg4[%mul3A_2, %dma_start3A_677] : memref<16384x416xf32, #tpu.memory_space<hbm>> -> memref<512x16xf32, #tpu.memory_space<hbm>>
      %dma_start3A_679 = arith.constant 256 : i32
      %dma_start3A_680 = tpu.memref_slice %arg4[%mul3A_2, %dma_start3A_679] : memref<16384x416xf32, #tpu.memory_space<hbm>> -> memref<512x16xf32, #tpu.memory_space<hbm>>
      tpu.enqueue_dma source(%arg31 : memref<512x16xf32, #tpu.memory_space<vmem>>) target(%dma_start3A_680 : memref<512x16xf32, #tpu.memory_space<hbm>>) target_semaphore(%run_scoped3A : memref<!tpu.dma_semaphore, #tpu.memory_space<semaphore_mem>>)
      %dma_wait3A_681 = arith.constant 256 : i32
      %dma_wait3A_682 = tpu.memref_slice %arg4[%mul3A_2, %dma_wait3A_681] : memref<16384x416xf32, #tpu.memory_space<hbm>> -> memref<512x16xf32, #tpu.memory_space<hbm>>
      %dma_wait3A_683 = arith.constant 256 : i32
      %dma_wait3A_684 = tpu.memref_slice %arg4[%mul3A_2, %dma_wait3A_683] : memref<16384x416xf32, #tpu.memory_space<hbm>> -> memref<512x16xf32, #tpu.memory_space<hbm>>
      tpu.wait_dma2 semaphore(%run_scoped3A : memref<!tpu.dma_semaphore, #tpu.memory_space<semaphore_mem>>) src(%arg31 : memref<512x16xf32, #tpu.memory_space<vmem>>) dst(%dma_wait3A_684 : memref<512x16xf32, #tpu.memory_space<hbm>>)
      tpu.yield
    }) : () -> ()
    %dma_wait3A_501 = arith.constant 18 : i32
    %dma_wait3A_502 = tpu.memref_slice %arg3[%dma_wait3A_501, %mul3A_2] : memref<26x16384xi32, #tpu.memory_space<hbm>> -> memref<1x512xi32, #tpu.memory_space<hbm>>
    %dma_wait3A_503 = tpu.memref_squeeze %dma_wait3A_502 : memref<1x512xi32, #tpu.memory_space<hbm>> -> memref<512xi32, #tpu.memory_space<hbm>>
    %dma_wait3A_504 = tpu.memref_slice %arg3[%dma_wait3A_501, %mul3A_2] : memref<26x16384xi32, #tpu.memory_space<hbm>> -> memref<1x512xi32, #tpu.memory_space<hbm>>
    %dma_wait3A_505 = tpu.memref_squeeze %dma_wait3A_504 : memref<1x512xi32, #tpu.memory_space<hbm>> -> memref<512xi32, #tpu.memory_space<hbm>>
    tpu.wait_dma2 semaphore(%arg33 : memref<!tpu.dma_semaphore, #tpu.memory_space<semaphore_mem>>) src(%dma_wait3A_505 : memref<512xi32, #tpu.memory_space<hbm>>) dst(%arg23 : memref<512xi32, #tpu.memory_space<vmem>>)
    %dma_start3A_506 = arith.constant 18 : i32
    %dma_start3A_507 = arith.constant 0 : i32
    %dma_start3A_508 = arith.constant 0 : i32
    %dma_start3A_509 = tpu.memref_slice %arg2[%dma_start3A_506, %dma_start3A_507, %dma_start3A_508] : memref<26x100000x16xf32, #tpu.memory_space<hbm>> -> memref<1x100000x16xf32, #tpu.memory_space<hbm>>
    %dma_start3A_510 = tpu.memref_squeeze %dma_start3A_509 : memref<1x100000x16xf32, #tpu.memory_space<hbm>> -> memref<100000x16xf32, #tpu.memory_space<hbm>>
    %dma_start3A_511 = arith.constant 0 : i32
    %dma_start3A_512 = arith.constant 0 : i32
    %dma_start3A_513 = tpu.memref_slice %dma_start3A_510[%dma_start3A_511, %dma_start3A_512] : memref<100000x16xf32, #tpu.memory_space<hbm>> -> memref<100000x16xf32, #tpu.memory_space<hbm>>
    tpu.enqueue_indirect_dma source(%dma_start3A_513 : memref<100000x16xf32, #tpu.memory_space<hbm>>) target(%arg31 : memref<512x16xf32, #tpu.memory_space<vmem>>) offsets(%arg23 : memref<512xi32, #tpu.memory_space<vmem>>) semaphore(%arg34 : memref<!tpu.dma_semaphore, #tpu.memory_space<semaphore_mem>>)
    %dma_wait3A_514 = arith.constant 17 : i32
    %dma_wait3A_515 = arith.constant 0 : i32
    %dma_wait3A_516 = arith.constant 0 : i32
    %dma_wait3A_517 = tpu.memref_slice %arg2[%dma_wait3A_514, %dma_wait3A_515, %dma_wait3A_516] : memref<26x100000x16xf32, #tpu.memory_space<hbm>> -> memref<1x100000x16xf32, #tpu.memory_space<hbm>>
    %dma_wait3A_518 = tpu.memref_squeeze %dma_wait3A_517 : memref<1x100000x16xf32, #tpu.memory_space<hbm>> -> memref<100000x16xf32, #tpu.memory_space<hbm>>
    %dma_wait3A_519 = arith.constant 0 : i32
    %dma_wait3A_520 = arith.constant 0 : i32
    %dma_wait3A_521 = tpu.memref_slice %dma_wait3A_518[%dma_wait3A_519, %dma_wait3A_520] : memref<100000x16xf32, #tpu.memory_space<hbm>> -> memref<100000x16xf32, #tpu.memory_space<hbm>>
    tpu.wait_indirect_dma semaphore(%arg35 : memref<!tpu.dma_semaphore, #tpu.memory_space<semaphore_mem>>) src(%dma_wait3A_521 : memref<100000x16xf32, #tpu.memory_space<hbm>>) dst(%arg32 : memref<512x16xf32, #tpu.memory_space<vmem>>)
    "tpu.region"() ({
      %run_scoped3A = tpu.sem_alloc : memref<!tpu.dma_semaphore, #tpu.memory_space<semaphore_mem>>
      %dma_start3A_677 = arith.constant 272 : i32
      %dma_start3A_678 = tpu.memref_slice %arg4[%mul3A_2, %dma_start3A_677] : memref<16384x416xf32, #tpu.memory_space<hbm>> -> memref<512x16xf32, #tpu.memory_space<hbm>>
      %dma_start3A_679 = arith.constant 272 : i32
      %dma_start3A_680 = tpu.memref_slice %arg4[%mul3A_2, %dma_start3A_679] : memref<16384x416xf32, #tpu.memory_space<hbm>> -> memref<512x16xf32, #tpu.memory_space<hbm>>
      tpu.enqueue_dma source(%arg32 : memref<512x16xf32, #tpu.memory_space<vmem>>) target(%dma_start3A_680 : memref<512x16xf32, #tpu.memory_space<hbm>>) target_semaphore(%run_scoped3A : memref<!tpu.dma_semaphore, #tpu.memory_space<semaphore_mem>>)
      %dma_wait3A_681 = arith.constant 272 : i32
      %dma_wait3A_682 = tpu.memref_slice %arg4[%mul3A_2, %dma_wait3A_681] : memref<16384x416xf32, #tpu.memory_space<hbm>> -> memref<512x16xf32, #tpu.memory_space<hbm>>
      %dma_wait3A_683 = arith.constant 272 : i32
      %dma_wait3A_684 = tpu.memref_slice %arg4[%mul3A_2, %dma_wait3A_683] : memref<16384x416xf32, #tpu.memory_space<hbm>> -> memref<512x16xf32, #tpu.memory_space<hbm>>
      tpu.wait_dma2 semaphore(%run_scoped3A : memref<!tpu.dma_semaphore, #tpu.memory_space<semaphore_mem>>) src(%arg32 : memref<512x16xf32, #tpu.memory_space<vmem>>) dst(%dma_wait3A_684 : memref<512x16xf32, #tpu.memory_space<hbm>>)
      tpu.yield
    }) : () -> ()
    %dma_wait3A_522 = arith.constant 19 : i32
    %dma_wait3A_523 = tpu.memref_slice %arg3[%dma_wait3A_522, %mul3A_2] : memref<26x16384xi32, #tpu.memory_space<hbm>> -> memref<1x512xi32, #tpu.memory_space<hbm>>
    %dma_wait3A_524 = tpu.memref_squeeze %dma_wait3A_523 : memref<1x512xi32, #tpu.memory_space<hbm>> -> memref<512xi32, #tpu.memory_space<hbm>>
    %dma_wait3A_525 = tpu.memref_slice %arg3[%dma_wait3A_522, %mul3A_2] : memref<26x16384xi32, #tpu.memory_space<hbm>> -> memref<1x512xi32, #tpu.memory_space<hbm>>
    %dma_wait3A_526 = tpu.memref_squeeze %dma_wait3A_525 : memref<1x512xi32, #tpu.memory_space<hbm>> -> memref<512xi32, #tpu.memory_space<hbm>>
    tpu.wait_dma2 semaphore(%arg33 : memref<!tpu.dma_semaphore, #tpu.memory_space<semaphore_mem>>) src(%dma_wait3A_526 : memref<512xi32, #tpu.memory_space<hbm>>) dst(%arg24 : memref<512xi32, #tpu.memory_space<vmem>>)
    %dma_start3A_527 = arith.constant 19 : i32
    %dma_start3A_528 = arith.constant 0 : i32
    %dma_start3A_529 = arith.constant 0 : i32
    %dma_start3A_530 = tpu.memref_slice %arg2[%dma_start3A_527, %dma_start3A_528, %dma_start3A_529] : memref<26x100000x16xf32, #tpu.memory_space<hbm>> -> memref<1x100000x16xf32, #tpu.memory_space<hbm>>
    %dma_start3A_531 = tpu.memref_squeeze %dma_start3A_530 : memref<1x100000x16xf32, #tpu.memory_space<hbm>> -> memref<100000x16xf32, #tpu.memory_space<hbm>>
    %dma_start3A_532 = arith.constant 0 : i32
    %dma_start3A_533 = arith.constant 0 : i32
    %dma_start3A_534 = tpu.memref_slice %dma_start3A_531[%dma_start3A_532, %dma_start3A_533] : memref<100000x16xf32, #tpu.memory_space<hbm>> -> memref<100000x16xf32, #tpu.memory_space<hbm>>
    tpu.enqueue_indirect_dma source(%dma_start3A_534 : memref<100000x16xf32, #tpu.memory_space<hbm>>) target(%arg32 : memref<512x16xf32, #tpu.memory_space<vmem>>) offsets(%arg24 : memref<512xi32, #tpu.memory_space<vmem>>) semaphore(%arg35 : memref<!tpu.dma_semaphore, #tpu.memory_space<semaphore_mem>>)
    %dma_wait3A_535 = arith.constant 18 : i32
    %dma_wait3A_536 = arith.constant 0 : i32
    %dma_wait3A_537 = arith.constant 0 : i32
    %dma_wait3A_538 = tpu.memref_slice %arg2[%dma_wait3A_535, %dma_wait3A_536, %dma_wait3A_537] : memref<26x100000x16xf32, #tpu.memory_space<hbm>> -> memref<1x100000x16xf32, #tpu.memory_space<hbm>>
    %dma_wait3A_539 = tpu.memref_squeeze %dma_wait3A_538 : memref<1x100000x16xf32, #tpu.memory_space<hbm>> -> memref<100000x16xf32, #tpu.memory_space<hbm>>
    %dma_wait3A_540 = arith.constant 0 : i32
    %dma_wait3A_541 = arith.constant 0 : i32
    %dma_wait3A_542 = tpu.memref_slice %dma_wait3A_539[%dma_wait3A_540, %dma_wait3A_541] : memref<100000x16xf32, #tpu.memory_space<hbm>> -> memref<100000x16xf32, #tpu.memory_space<hbm>>
    tpu.wait_indirect_dma semaphore(%arg34 : memref<!tpu.dma_semaphore, #tpu.memory_space<semaphore_mem>>) src(%dma_wait3A_542 : memref<100000x16xf32, #tpu.memory_space<hbm>>) dst(%arg31 : memref<512x16xf32, #tpu.memory_space<vmem>>)
    "tpu.region"() ({
      %run_scoped3A = tpu.sem_alloc : memref<!tpu.dma_semaphore, #tpu.memory_space<semaphore_mem>>
      %dma_start3A_677 = arith.constant 288 : i32
      %dma_start3A_678 = tpu.memref_slice %arg4[%mul3A_2, %dma_start3A_677] : memref<16384x416xf32, #tpu.memory_space<hbm>> -> memref<512x16xf32, #tpu.memory_space<hbm>>
      %dma_start3A_679 = arith.constant 288 : i32
      %dma_start3A_680 = tpu.memref_slice %arg4[%mul3A_2, %dma_start3A_679] : memref<16384x416xf32, #tpu.memory_space<hbm>> -> memref<512x16xf32, #tpu.memory_space<hbm>>
      tpu.enqueue_dma source(%arg31 : memref<512x16xf32, #tpu.memory_space<vmem>>) target(%dma_start3A_680 : memref<512x16xf32, #tpu.memory_space<hbm>>) target_semaphore(%run_scoped3A : memref<!tpu.dma_semaphore, #tpu.memory_space<semaphore_mem>>)
      %dma_wait3A_681 = arith.constant 288 : i32
      %dma_wait3A_682 = tpu.memref_slice %arg4[%mul3A_2, %dma_wait3A_681] : memref<16384x416xf32, #tpu.memory_space<hbm>> -> memref<512x16xf32, #tpu.memory_space<hbm>>
      %dma_wait3A_683 = arith.constant 288 : i32
      %dma_wait3A_684 = tpu.memref_slice %arg4[%mul3A_2, %dma_wait3A_683] : memref<16384x416xf32, #tpu.memory_space<hbm>> -> memref<512x16xf32, #tpu.memory_space<hbm>>
      tpu.wait_dma2 semaphore(%run_scoped3A : memref<!tpu.dma_semaphore, #tpu.memory_space<semaphore_mem>>) src(%arg31 : memref<512x16xf32, #tpu.memory_space<vmem>>) dst(%dma_wait3A_684 : memref<512x16xf32, #tpu.memory_space<hbm>>)
      tpu.yield
    }) : () -> ()
    %dma_wait3A_543 = arith.constant 20 : i32
    %dma_wait3A_544 = tpu.memref_slice %arg3[%dma_wait3A_543, %mul3A_2] : memref<26x16384xi32, #tpu.memory_space<hbm>> -> memref<1x512xi32, #tpu.memory_space<hbm>>
    %dma_wait3A_545 = tpu.memref_squeeze %dma_wait3A_544 : memref<1x512xi32, #tpu.memory_space<hbm>> -> memref<512xi32, #tpu.memory_space<hbm>>
    %dma_wait3A_546 = tpu.memref_slice %arg3[%dma_wait3A_543, %mul3A_2] : memref<26x16384xi32, #tpu.memory_space<hbm>> -> memref<1x512xi32, #tpu.memory_space<hbm>>
    %dma_wait3A_547 = tpu.memref_squeeze %dma_wait3A_546 : memref<1x512xi32, #tpu.memory_space<hbm>> -> memref<512xi32, #tpu.memory_space<hbm>>
    tpu.wait_dma2 semaphore(%arg33 : memref<!tpu.dma_semaphore, #tpu.memory_space<semaphore_mem>>) src(%dma_wait3A_547 : memref<512xi32, #tpu.memory_space<hbm>>) dst(%arg25 : memref<512xi32, #tpu.memory_space<vmem>>)
    %dma_start3A_548 = arith.constant 20 : i32
    %dma_start3A_549 = arith.constant 0 : i32
    %dma_start3A_550 = arith.constant 0 : i32
    %dma_start3A_551 = tpu.memref_slice %arg2[%dma_start3A_548, %dma_start3A_549, %dma_start3A_550] : memref<26x100000x16xf32, #tpu.memory_space<hbm>> -> memref<1x100000x16xf32, #tpu.memory_space<hbm>>
    %dma_start3A_552 = tpu.memref_squeeze %dma_start3A_551 : memref<1x100000x16xf32, #tpu.memory_space<hbm>> -> memref<100000x16xf32, #tpu.memory_space<hbm>>
    %dma_start3A_553 = arith.constant 0 : i32
    %dma_start3A_554 = arith.constant 0 : i32
    %dma_start3A_555 = tpu.memref_slice %dma_start3A_552[%dma_start3A_553, %dma_start3A_554] : memref<100000x16xf32, #tpu.memory_space<hbm>> -> memref<100000x16xf32, #tpu.memory_space<hbm>>
    tpu.enqueue_indirect_dma source(%dma_start3A_555 : memref<100000x16xf32, #tpu.memory_space<hbm>>) target(%arg31 : memref<512x16xf32, #tpu.memory_space<vmem>>) offsets(%arg25 : memref<512xi32, #tpu.memory_space<vmem>>) semaphore(%arg34 : memref<!tpu.dma_semaphore, #tpu.memory_space<semaphore_mem>>)
    %dma_wait3A_556 = arith.constant 19 : i32
    %dma_wait3A_557 = arith.constant 0 : i32
    %dma_wait3A_558 = arith.constant 0 : i32
    %dma_wait3A_559 = tpu.memref_slice %arg2[%dma_wait3A_556, %dma_wait3A_557, %dma_wait3A_558] : memref<26x100000x16xf32, #tpu.memory_space<hbm>> -> memref<1x100000x16xf32, #tpu.memory_space<hbm>>
    %dma_wait3A_560 = tpu.memref_squeeze %dma_wait3A_559 : memref<1x100000x16xf32, #tpu.memory_space<hbm>> -> memref<100000x16xf32, #tpu.memory_space<hbm>>
    %dma_wait3A_561 = arith.constant 0 : i32
    %dma_wait3A_562 = arith.constant 0 : i32
    %dma_wait3A_563 = tpu.memref_slice %dma_wait3A_560[%dma_wait3A_561, %dma_wait3A_562] : memref<100000x16xf32, #tpu.memory_space<hbm>> -> memref<100000x16xf32, #tpu.memory_space<hbm>>
    tpu.wait_indirect_dma semaphore(%arg35 : memref<!tpu.dma_semaphore, #tpu.memory_space<semaphore_mem>>) src(%dma_wait3A_563 : memref<100000x16xf32, #tpu.memory_space<hbm>>) dst(%arg32 : memref<512x16xf32, #tpu.memory_space<vmem>>)
    "tpu.region"() ({
      %run_scoped3A = tpu.sem_alloc : memref<!tpu.dma_semaphore, #tpu.memory_space<semaphore_mem>>
      %dma_start3A_677 = arith.constant 304 : i32
      %dma_start3A_678 = tpu.memref_slice %arg4[%mul3A_2, %dma_start3A_677] : memref<16384x416xf32, #tpu.memory_space<hbm>> -> memref<512x16xf32, #tpu.memory_space<hbm>>
      %dma_start3A_679 = arith.constant 304 : i32
      %dma_start3A_680 = tpu.memref_slice %arg4[%mul3A_2, %dma_start3A_679] : memref<16384x416xf32, #tpu.memory_space<hbm>> -> memref<512x16xf32, #tpu.memory_space<hbm>>
      tpu.enqueue_dma source(%arg32 : memref<512x16xf32, #tpu.memory_space<vmem>>) target(%dma_start3A_680 : memref<512x16xf32, #tpu.memory_space<hbm>>) target_semaphore(%run_scoped3A : memref<!tpu.dma_semaphore, #tpu.memory_space<semaphore_mem>>)
      %dma_wait3A_681 = arith.constant 304 : i32
      %dma_wait3A_682 = tpu.memref_slice %arg4[%mul3A_2, %dma_wait3A_681] : memref<16384x416xf32, #tpu.memory_space<hbm>> -> memref<512x16xf32, #tpu.memory_space<hbm>>
      %dma_wait3A_683 = arith.constant 304 : i32
      %dma_wait3A_684 = tpu.memref_slice %arg4[%mul3A_2, %dma_wait3A_683] : memref<16384x416xf32, #tpu.memory_space<hbm>> -> memref<512x16xf32, #tpu.memory_space<hbm>>
      tpu.wait_dma2 semaphore(%run_scoped3A : memref<!tpu.dma_semaphore, #tpu.memory_space<semaphore_mem>>) src(%arg32 : memref<512x16xf32, #tpu.memory_space<vmem>>) dst(%dma_wait3A_684 : memref<512x16xf32, #tpu.memory_space<hbm>>)
      tpu.yield
    }) : () -> ()
    %dma_wait3A_564 = arith.constant 21 : i32
    %dma_wait3A_565 = tpu.memref_slice %arg3[%dma_wait3A_564, %mul3A_2] : memref<26x16384xi32, #tpu.memory_space<hbm>> -> memref<1x512xi32, #tpu.memory_space<hbm>>
    %dma_wait3A_566 = tpu.memref_squeeze %dma_wait3A_565 : memref<1x512xi32, #tpu.memory_space<hbm>> -> memref<512xi32, #tpu.memory_space<hbm>>
    %dma_wait3A_567 = tpu.memref_slice %arg3[%dma_wait3A_564, %mul3A_2] : memref<26x16384xi32, #tpu.memory_space<hbm>> -> memref<1x512xi32, #tpu.memory_space<hbm>>
    %dma_wait3A_568 = tpu.memref_squeeze %dma_wait3A_567 : memref<1x512xi32, #tpu.memory_space<hbm>> -> memref<512xi32, #tpu.memory_space<hbm>>
    tpu.wait_dma2 semaphore(%arg33 : memref<!tpu.dma_semaphore, #tpu.memory_space<semaphore_mem>>) src(%dma_wait3A_568 : memref<512xi32, #tpu.memory_space<hbm>>) dst(%arg26 : memref<512xi32, #tpu.memory_space<vmem>>)
    %dma_start3A_569 = arith.constant 21 : i32
    %dma_start3A_570 = arith.constant 0 : i32
    %dma_start3A_571 = arith.constant 0 : i32
    %dma_start3A_572 = tpu.memref_slice %arg2[%dma_start3A_569, %dma_start3A_570, %dma_start3A_571] : memref<26x100000x16xf32, #tpu.memory_space<hbm>> -> memref<1x100000x16xf32, #tpu.memory_space<hbm>>
    %dma_start3A_573 = tpu.memref_squeeze %dma_start3A_572 : memref<1x100000x16xf32, #tpu.memory_space<hbm>> -> memref<100000x16xf32, #tpu.memory_space<hbm>>
    %dma_start3A_574 = arith.constant 0 : i32
    %dma_start3A_575 = arith.constant 0 : i32
    %dma_start3A_576 = tpu.memref_slice %dma_start3A_573[%dma_start3A_574, %dma_start3A_575] : memref<100000x16xf32, #tpu.memory_space<hbm>> -> memref<100000x16xf32, #tpu.memory_space<hbm>>
    tpu.enqueue_indirect_dma source(%dma_start3A_576 : memref<100000x16xf32, #tpu.memory_space<hbm>>) target(%arg32 : memref<512x16xf32, #tpu.memory_space<vmem>>) offsets(%arg26 : memref<512xi32, #tpu.memory_space<vmem>>) semaphore(%arg35 : memref<!tpu.dma_semaphore, #tpu.memory_space<semaphore_mem>>)
    %dma_wait3A_577 = arith.constant 20 : i32
    %dma_wait3A_578 = arith.constant 0 : i32
    %dma_wait3A_579 = arith.constant 0 : i32
    %dma_wait3A_580 = tpu.memref_slice %arg2[%dma_wait3A_577, %dma_wait3A_578, %dma_wait3A_579] : memref<26x100000x16xf32, #tpu.memory_space<hbm>> -> memref<1x100000x16xf32, #tpu.memory_space<hbm>>
    %dma_wait3A_581 = tpu.memref_squeeze %dma_wait3A_580 : memref<1x100000x16xf32, #tpu.memory_space<hbm>> -> memref<100000x16xf32, #tpu.memory_space<hbm>>
    %dma_wait3A_582 = arith.constant 0 : i32
    %dma_wait3A_583 = arith.constant 0 : i32
    %dma_wait3A_584 = tpu.memref_slice %dma_wait3A_581[%dma_wait3A_582, %dma_wait3A_583] : memref<100000x16xf32, #tpu.memory_space<hbm>> -> memref<100000x16xf32, #tpu.memory_space<hbm>>
    tpu.wait_indirect_dma semaphore(%arg34 : memref<!tpu.dma_semaphore, #tpu.memory_space<semaphore_mem>>) src(%dma_wait3A_584 : memref<100000x16xf32, #tpu.memory_space<hbm>>) dst(%arg31 : memref<512x16xf32, #tpu.memory_space<vmem>>)
    "tpu.region"() ({
      %run_scoped3A = tpu.sem_alloc : memref<!tpu.dma_semaphore, #tpu.memory_space<semaphore_mem>>
      %dma_start3A_677 = arith.constant 320 : i32
      %dma_start3A_678 = tpu.memref_slice %arg4[%mul3A_2, %dma_start3A_677] : memref<16384x416xf32, #tpu.memory_space<hbm>> -> memref<512x16xf32, #tpu.memory_space<hbm>>
      %dma_start3A_679 = arith.constant 320 : i32
      %dma_start3A_680 = tpu.memref_slice %arg4[%mul3A_2, %dma_start3A_679] : memref<16384x416xf32, #tpu.memory_space<hbm>> -> memref<512x16xf32, #tpu.memory_space<hbm>>
      tpu.enqueue_dma source(%arg31 : memref<512x16xf32, #tpu.memory_space<vmem>>) target(%dma_start3A_680 : memref<512x16xf32, #tpu.memory_space<hbm>>) target_semaphore(%run_scoped3A : memref<!tpu.dma_semaphore, #tpu.memory_space<semaphore_mem>>)
      %dma_wait3A_681 = arith.constant 320 : i32
      %dma_wait3A_682 = tpu.memref_slice %arg4[%mul3A_2, %dma_wait3A_681] : memref<16384x416xf32, #tpu.memory_space<hbm>> -> memref<512x16xf32, #tpu.memory_space<hbm>>
      %dma_wait3A_683 = arith.constant 320 : i32
      %dma_wait3A_684 = tpu.memref_slice %arg4[%mul3A_2, %dma_wait3A_683] : memref<16384x416xf32, #tpu.memory_space<hbm>> -> memref<512x16xf32, #tpu.memory_space<hbm>>
      tpu.wait_dma2 semaphore(%run_scoped3A : memref<!tpu.dma_semaphore, #tpu.memory_space<semaphore_mem>>) src(%arg31 : memref<512x16xf32, #tpu.memory_space<vmem>>) dst(%dma_wait3A_684 : memref<512x16xf32, #tpu.memory_space<hbm>>)
      tpu.yield
    }) : () -> ()
    %dma_wait3A_585 = arith.constant 22 : i32
    %dma_wait3A_586 = tpu.memref_slice %arg3[%dma_wait3A_585, %mul3A_2] : memref<26x16384xi32, #tpu.memory_space<hbm>> -> memref<1x512xi32, #tpu.memory_space<hbm>>
    %dma_wait3A_587 = tpu.memref_squeeze %dma_wait3A_586 : memref<1x512xi32, #tpu.memory_space<hbm>> -> memref<512xi32, #tpu.memory_space<hbm>>
    %dma_wait3A_588 = tpu.memref_slice %arg3[%dma_wait3A_585, %mul3A_2] : memref<26x16384xi32, #tpu.memory_space<hbm>> -> memref<1x512xi32, #tpu.memory_space<hbm>>
    %dma_wait3A_589 = tpu.memref_squeeze %dma_wait3A_588 : memref<1x512xi32, #tpu.memory_space<hbm>> -> memref<512xi32, #tpu.memory_space<hbm>>
    tpu.wait_dma2 semaphore(%arg33 : memref<!tpu.dma_semaphore, #tpu.memory_space<semaphore_mem>>) src(%dma_wait3A_589 : memref<512xi32, #tpu.memory_space<hbm>>) dst(%arg27 : memref<512xi32, #tpu.memory_space<vmem>>)
    %dma_start3A_590 = arith.constant 22 : i32
    %dma_start3A_591 = arith.constant 0 : i32
    %dma_start3A_592 = arith.constant 0 : i32
    %dma_start3A_593 = tpu.memref_slice %arg2[%dma_start3A_590, %dma_start3A_591, %dma_start3A_592] : memref<26x100000x16xf32, #tpu.memory_space<hbm>> -> memref<1x100000x16xf32, #tpu.memory_space<hbm>>
    %dma_start3A_594 = tpu.memref_squeeze %dma_start3A_593 : memref<1x100000x16xf32, #tpu.memory_space<hbm>> -> memref<100000x16xf32, #tpu.memory_space<hbm>>
    %dma_start3A_595 = arith.constant 0 : i32
    %dma_start3A_596 = arith.constant 0 : i32
    %dma_start3A_597 = tpu.memref_slice %dma_start3A_594[%dma_start3A_595, %dma_start3A_596] : memref<100000x16xf32, #tpu.memory_space<hbm>> -> memref<100000x16xf32, #tpu.memory_space<hbm>>
    tpu.enqueue_indirect_dma source(%dma_start3A_597 : memref<100000x16xf32, #tpu.memory_space<hbm>>) target(%arg31 : memref<512x16xf32, #tpu.memory_space<vmem>>) offsets(%arg27 : memref<512xi32, #tpu.memory_space<vmem>>) semaphore(%arg34 : memref<!tpu.dma_semaphore, #tpu.memory_space<semaphore_mem>>)
    %dma_wait3A_598 = arith.constant 21 : i32
    %dma_wait3A_599 = arith.constant 0 : i32
    %dma_wait3A_600 = arith.constant 0 : i32
    %dma_wait3A_601 = tpu.memref_slice %arg2[%dma_wait3A_598, %dma_wait3A_599, %dma_wait3A_600] : memref<26x100000x16xf32, #tpu.memory_space<hbm>> -> memref<1x100000x16xf32, #tpu.memory_space<hbm>>
    %dma_wait3A_602 = tpu.memref_squeeze %dma_wait3A_601 : memref<1x100000x16xf32, #tpu.memory_space<hbm>> -> memref<100000x16xf32, #tpu.memory_space<hbm>>
    %dma_wait3A_603 = arith.constant 0 : i32
    %dma_wait3A_604 = arith.constant 0 : i32
    %dma_wait3A_605 = tpu.memref_slice %dma_wait3A_602[%dma_wait3A_603, %dma_wait3A_604] : memref<100000x16xf32, #tpu.memory_space<hbm>> -> memref<100000x16xf32, #tpu.memory_space<hbm>>
    tpu.wait_indirect_dma semaphore(%arg35 : memref<!tpu.dma_semaphore, #tpu.memory_space<semaphore_mem>>) src(%dma_wait3A_605 : memref<100000x16xf32, #tpu.memory_space<hbm>>) dst(%arg32 : memref<512x16xf32, #tpu.memory_space<vmem>>)
    "tpu.region"() ({
      %run_scoped3A = tpu.sem_alloc : memref<!tpu.dma_semaphore, #tpu.memory_space<semaphore_mem>>
      %dma_start3A_677 = arith.constant 336 : i32
      %dma_start3A_678 = tpu.memref_slice %arg4[%mul3A_2, %dma_start3A_677] : memref<16384x416xf32, #tpu.memory_space<hbm>> -> memref<512x16xf32, #tpu.memory_space<hbm>>
      %dma_start3A_679 = arith.constant 336 : i32
      %dma_start3A_680 = tpu.memref_slice %arg4[%mul3A_2, %dma_start3A_679] : memref<16384x416xf32, #tpu.memory_space<hbm>> -> memref<512x16xf32, #tpu.memory_space<hbm>>
      tpu.enqueue_dma source(%arg32 : memref<512x16xf32, #tpu.memory_space<vmem>>) target(%dma_start3A_680 : memref<512x16xf32, #tpu.memory_space<hbm>>) target_semaphore(%run_scoped3A : memref<!tpu.dma_semaphore, #tpu.memory_space<semaphore_mem>>)
      %dma_wait3A_681 = arith.constant 336 : i32
      %dma_wait3A_682 = tpu.memref_slice %arg4[%mul3A_2, %dma_wait3A_681] : memref<16384x416xf32, #tpu.memory_space<hbm>> -> memref<512x16xf32, #tpu.memory_space<hbm>>
      %dma_wait3A_683 = arith.constant 336 : i32
      %dma_wait3A_684 = tpu.memref_slice %arg4[%mul3A_2, %dma_wait3A_683] : memref<16384x416xf32, #tpu.memory_space<hbm>> -> memref<512x16xf32, #tpu.memory_space<hbm>>
      tpu.wait_dma2 semaphore(%run_scoped3A : memref<!tpu.dma_semaphore, #tpu.memory_space<semaphore_mem>>) src(%arg32 : memref<512x16xf32, #tpu.memory_space<vmem>>) dst(%dma_wait3A_684 : memref<512x16xf32, #tpu.memory_space<hbm>>)
      tpu.yield
    }) : () -> ()
    %dma_wait3A_606 = arith.constant 23 : i32
    %dma_wait3A_607 = tpu.memref_slice %arg3[%dma_wait3A_606, %mul3A_2] : memref<26x16384xi32, #tpu.memory_space<hbm>> -> memref<1x512xi32, #tpu.memory_space<hbm>>
    %dma_wait3A_608 = tpu.memref_squeeze %dma_wait3A_607 : memref<1x512xi32, #tpu.memory_space<hbm>> -> memref<512xi32, #tpu.memory_space<hbm>>
    %dma_wait3A_609 = tpu.memref_slice %arg3[%dma_wait3A_606, %mul3A_2] : memref<26x16384xi32, #tpu.memory_space<hbm>> -> memref<1x512xi32, #tpu.memory_space<hbm>>
    %dma_wait3A_610 = tpu.memref_squeeze %dma_wait3A_609 : memref<1x512xi32, #tpu.memory_space<hbm>> -> memref<512xi32, #tpu.memory_space<hbm>>
    tpu.wait_dma2 semaphore(%arg33 : memref<!tpu.dma_semaphore, #tpu.memory_space<semaphore_mem>>) src(%dma_wait3A_610 : memref<512xi32, #tpu.memory_space<hbm>>) dst(%arg28 : memref<512xi32, #tpu.memory_space<vmem>>)
    %dma_start3A_611 = arith.constant 23 : i32
    %dma_start3A_612 = arith.constant 0 : i32
    %dma_start3A_613 = arith.constant 0 : i32
    %dma_start3A_614 = tpu.memref_slice %arg2[%dma_start3A_611, %dma_start3A_612, %dma_start3A_613] : memref<26x100000x16xf32, #tpu.memory_space<hbm>> -> memref<1x100000x16xf32, #tpu.memory_space<hbm>>
    %dma_start3A_615 = tpu.memref_squeeze %dma_start3A_614 : memref<1x100000x16xf32, #tpu.memory_space<hbm>> -> memref<100000x16xf32, #tpu.memory_space<hbm>>
    %dma_start3A_616 = arith.constant 0 : i32
    %dma_start3A_617 = arith.constant 0 : i32
    %dma_start3A_618 = tpu.memref_slice %dma_start3A_615[%dma_start3A_616, %dma_start3A_617] : memref<100000x16xf32, #tpu.memory_space<hbm>> -> memref<100000x16xf32, #tpu.memory_space<hbm>>
    tpu.enqueue_indirect_dma source(%dma_start3A_618 : memref<100000x16xf32, #tpu.memory_space<hbm>>) target(%arg32 : memref<512x16xf32, #tpu.memory_space<vmem>>) offsets(%arg28 : memref<512xi32, #tpu.memory_space<vmem>>) semaphore(%arg35 : memref<!tpu.dma_semaphore, #tpu.memory_space<semaphore_mem>>)
    %dma_wait3A_619 = arith.constant 22 : i32
    %dma_wait3A_620 = arith.constant 0 : i32
    %dma_wait3A_621 = arith.constant 0 : i32
    %dma_wait3A_622 = tpu.memref_slice %arg2[%dma_wait3A_619, %dma_wait3A_620, %dma_wait3A_621] : memref<26x100000x16xf32, #tpu.memory_space<hbm>> -> memref<1x100000x16xf32, #tpu.memory_space<hbm>>
    %dma_wait3A_623 = tpu.memref_squeeze %dma_wait3A_622 : memref<1x100000x16xf32, #tpu.memory_space<hbm>> -> memref<100000x16xf32, #tpu.memory_space<hbm>>
    %dma_wait3A_624 = arith.constant 0 : i32
    %dma_wait3A_625 = arith.constant 0 : i32
    %dma_wait3A_626 = tpu.memref_slice %dma_wait3A_623[%dma_wait3A_624, %dma_wait3A_625] : memref<100000x16xf32, #tpu.memory_space<hbm>> -> memref<100000x16xf32, #tpu.memory_space<hbm>>
    tpu.wait_indirect_dma semaphore(%arg34 : memref<!tpu.dma_semaphore, #tpu.memory_space<semaphore_mem>>) src(%dma_wait3A_626 : memref<100000x16xf32, #tpu.memory_space<hbm>>) dst(%arg31 : memref<512x16xf32, #tpu.memory_space<vmem>>)
    "tpu.region"() ({
      %run_scoped3A = tpu.sem_alloc : memref<!tpu.dma_semaphore, #tpu.memory_space<semaphore_mem>>
      %dma_start3A_677 = arith.constant 352 : i32
      %dma_start3A_678 = tpu.memref_slice %arg4[%mul3A_2, %dma_start3A_677] : memref<16384x416xf32, #tpu.memory_space<hbm>> -> memref<512x16xf32, #tpu.memory_space<hbm>>
      %dma_start3A_679 = arith.constant 352 : i32
      %dma_start3A_680 = tpu.memref_slice %arg4[%mul3A_2, %dma_start3A_679] : memref<16384x416xf32, #tpu.memory_space<hbm>> -> memref<512x16xf32, #tpu.memory_space<hbm>>
      tpu.enqueue_dma source(%arg31 : memref<512x16xf32, #tpu.memory_space<vmem>>) target(%dma_start3A_680 : memref<512x16xf32, #tpu.memory_space<hbm>>) target_semaphore(%run_scoped3A : memref<!tpu.dma_semaphore, #tpu.memory_space<semaphore_mem>>)
      %dma_wait3A_681 = arith.constant 352 : i32
      %dma_wait3A_682 = tpu.memref_slice %arg4[%mul3A_2, %dma_wait3A_681] : memref<16384x416xf32, #tpu.memory_space<hbm>> -> memref<512x16xf32, #tpu.memory_space<hbm>>
      %dma_wait3A_683 = arith.constant 352 : i32
      %dma_wait3A_684 = tpu.memref_slice %arg4[%mul3A_2, %dma_wait3A_683] : memref<16384x416xf32, #tpu.memory_space<hbm>> -> memref<512x16xf32, #tpu.memory_space<hbm>>
      tpu.wait_dma2 semaphore(%run_scoped3A : memref<!tpu.dma_semaphore, #tpu.memory_space<semaphore_mem>>) src(%arg31 : memref<512x16xf32, #tpu.memory_space<vmem>>) dst(%dma_wait3A_684 : memref<512x16xf32, #tpu.memory_space<hbm>>)
      tpu.yield
    }) : () -> ()
    %dma_wait3A_627 = arith.constant 24 : i32
    %dma_wait3A_628 = tpu.memref_slice %arg3[%dma_wait3A_627, %mul3A_2] : memref<26x16384xi32, #tpu.memory_space<hbm>> -> memref<1x512xi32, #tpu.memory_space<hbm>>
    %dma_wait3A_629 = tpu.memref_squeeze %dma_wait3A_628 : memref<1x512xi32, #tpu.memory_space<hbm>> -> memref<512xi32, #tpu.memory_space<hbm>>
    %dma_wait3A_630 = tpu.memref_slice %arg3[%dma_wait3A_627, %mul3A_2] : memref<26x16384xi32, #tpu.memory_space<hbm>> -> memref<1x512xi32, #tpu.memory_space<hbm>>
    %dma_wait3A_631 = tpu.memref_squeeze %dma_wait3A_630 : memref<1x512xi32, #tpu.memory_space<hbm>> -> memref<512xi32, #tpu.memory_space<hbm>>
    tpu.wait_dma2 semaphore(%arg33 : memref<!tpu.dma_semaphore, #tpu.memory_space<semaphore_mem>>) src(%dma_wait3A_631 : memref<512xi32, #tpu.memory_space<hbm>>) dst(%arg29 : memref<512xi32, #tpu.memory_space<vmem>>)
    %dma_start3A_632 = arith.constant 24 : i32
    %dma_start3A_633 = arith.constant 0 : i32
    %dma_start3A_634 = arith.constant 0 : i32
    %dma_start3A_635 = tpu.memref_slice %arg2[%dma_start3A_632, %dma_start3A_633, %dma_start3A_634] : memref<26x100000x16xf32, #tpu.memory_space<hbm>> -> memref<1x100000x16xf32, #tpu.memory_space<hbm>>
    %dma_start3A_636 = tpu.memref_squeeze %dma_start3A_635 : memref<1x100000x16xf32, #tpu.memory_space<hbm>> -> memref<100000x16xf32, #tpu.memory_space<hbm>>
    %dma_start3A_637 = arith.constant 0 : i32
    %dma_start3A_638 = arith.constant 0 : i32
    %dma_start3A_639 = tpu.memref_slice %dma_start3A_636[%dma_start3A_637, %dma_start3A_638] : memref<100000x16xf32, #tpu.memory_space<hbm>> -> memref<100000x16xf32, #tpu.memory_space<hbm>>
    tpu.enqueue_indirect_dma source(%dma_start3A_639 : memref<100000x16xf32, #tpu.memory_space<hbm>>) target(%arg31 : memref<512x16xf32, #tpu.memory_space<vmem>>) offsets(%arg29 : memref<512xi32, #tpu.memory_space<vmem>>) semaphore(%arg34 : memref<!tpu.dma_semaphore, #tpu.memory_space<semaphore_mem>>)
    %dma_wait3A_640 = arith.constant 23 : i32
    %dma_wait3A_641 = arith.constant 0 : i32
    %dma_wait3A_642 = arith.constant 0 : i32
    %dma_wait3A_643 = tpu.memref_slice %arg2[%dma_wait3A_640, %dma_wait3A_641, %dma_wait3A_642] : memref<26x100000x16xf32, #tpu.memory_space<hbm>> -> memref<1x100000x16xf32, #tpu.memory_space<hbm>>
    %dma_wait3A_644 = tpu.memref_squeeze %dma_wait3A_643 : memref<1x100000x16xf32, #tpu.memory_space<hbm>> -> memref<100000x16xf32, #tpu.memory_space<hbm>>
    %dma_wait3A_645 = arith.constant 0 : i32
    %dma_wait3A_646 = arith.constant 0 : i32
    %dma_wait3A_647 = tpu.memref_slice %dma_wait3A_644[%dma_wait3A_645, %dma_wait3A_646] : memref<100000x16xf32, #tpu.memory_space<hbm>> -> memref<100000x16xf32, #tpu.memory_space<hbm>>
    tpu.wait_indirect_dma semaphore(%arg35 : memref<!tpu.dma_semaphore, #tpu.memory_space<semaphore_mem>>) src(%dma_wait3A_647 : memref<100000x16xf32, #tpu.memory_space<hbm>>) dst(%arg32 : memref<512x16xf32, #tpu.memory_space<vmem>>)
    "tpu.region"() ({
      %run_scoped3A = tpu.sem_alloc : memref<!tpu.dma_semaphore, #tpu.memory_space<semaphore_mem>>
      %dma_start3A_677 = arith.constant 368 : i32
      %dma_start3A_678 = tpu.memref_slice %arg4[%mul3A_2, %dma_start3A_677] : memref<16384x416xf32, #tpu.memory_space<hbm>> -> memref<512x16xf32, #tpu.memory_space<hbm>>
      %dma_start3A_679 = arith.constant 368 : i32
      %dma_start3A_680 = tpu.memref_slice %arg4[%mul3A_2, %dma_start3A_679] : memref<16384x416xf32, #tpu.memory_space<hbm>> -> memref<512x16xf32, #tpu.memory_space<hbm>>
      tpu.enqueue_dma source(%arg32 : memref<512x16xf32, #tpu.memory_space<vmem>>) target(%dma_start3A_680 : memref<512x16xf32, #tpu.memory_space<hbm>>) target_semaphore(%run_scoped3A : memref<!tpu.dma_semaphore, #tpu.memory_space<semaphore_mem>>)
      %dma_wait3A_681 = arith.constant 368 : i32
      %dma_wait3A_682 = tpu.memref_slice %arg4[%mul3A_2, %dma_wait3A_681] : memref<16384x416xf32, #tpu.memory_space<hbm>> -> memref<512x16xf32, #tpu.memory_space<hbm>>
      %dma_wait3A_683 = arith.constant 368 : i32
      %dma_wait3A_684 = tpu.memref_slice %arg4[%mul3A_2, %dma_wait3A_683] : memref<16384x416xf32, #tpu.memory_space<hbm>> -> memref<512x16xf32, #tpu.memory_space<hbm>>
      tpu.wait_dma2 semaphore(%run_scoped3A : memref<!tpu.dma_semaphore, #tpu.memory_space<semaphore_mem>>) src(%arg32 : memref<512x16xf32, #tpu.memory_space<vmem>>) dst(%dma_wait3A_684 : memref<512x16xf32, #tpu.memory_space<hbm>>)
      tpu.yield
    }) : () -> ()
    %dma_wait3A_648 = arith.constant 25 : i32
    %dma_wait3A_649 = tpu.memref_slice %arg3[%dma_wait3A_648, %mul3A_2] : memref<26x16384xi32, #tpu.memory_space<hbm>> -> memref<1x512xi32, #tpu.memory_space<hbm>>
    %dma_wait3A_650 = tpu.memref_squeeze %dma_wait3A_649 : memref<1x512xi32, #tpu.memory_space<hbm>> -> memref<512xi32, #tpu.memory_space<hbm>>
    %dma_wait3A_651 = tpu.memref_slice %arg3[%dma_wait3A_648, %mul3A_2] : memref<26x16384xi32, #tpu.memory_space<hbm>> -> memref<1x512xi32, #tpu.memory_space<hbm>>
    %dma_wait3A_652 = tpu.memref_squeeze %dma_wait3A_651 : memref<1x512xi32, #tpu.memory_space<hbm>> -> memref<512xi32, #tpu.memory_space<hbm>>
    tpu.wait_dma2 semaphore(%arg33 : memref<!tpu.dma_semaphore, #tpu.memory_space<semaphore_mem>>) src(%dma_wait3A_652 : memref<512xi32, #tpu.memory_space<hbm>>) dst(%arg30 : memref<512xi32, #tpu.memory_space<vmem>>)
    %dma_start3A_653 = arith.constant 25 : i32
    %dma_start3A_654 = arith.constant 0 : i32
    %dma_start3A_655 = arith.constant 0 : i32
    %dma_start3A_656 = tpu.memref_slice %arg2[%dma_start3A_653, %dma_start3A_654, %dma_start3A_655] : memref<26x100000x16xf32, #tpu.memory_space<hbm>> -> memref<1x100000x16xf32, #tpu.memory_space<hbm>>
    %dma_start3A_657 = tpu.memref_squeeze %dma_start3A_656 : memref<1x100000x16xf32, #tpu.memory_space<hbm>> -> memref<100000x16xf32, #tpu.memory_space<hbm>>
    %dma_start3A_658 = arith.constant 0 : i32
    %dma_start3A_659 = arith.constant 0 : i32
    %dma_start3A_660 = tpu.memref_slice %dma_start3A_657[%dma_start3A_658, %dma_start3A_659] : memref<100000x16xf32, #tpu.memory_space<hbm>> -> memref<100000x16xf32, #tpu.memory_space<hbm>>
    tpu.enqueue_indirect_dma source(%dma_start3A_660 : memref<100000x16xf32, #tpu.memory_space<hbm>>) target(%arg32 : memref<512x16xf32, #tpu.memory_space<vmem>>) offsets(%arg30 : memref<512xi32, #tpu.memory_space<vmem>>) semaphore(%arg35 : memref<!tpu.dma_semaphore, #tpu.memory_space<semaphore_mem>>)
    %dma_wait3A_661 = arith.constant 24 : i32
    %dma_wait3A_662 = arith.constant 0 : i32
    %dma_wait3A_663 = arith.constant 0 : i32
    %dma_wait3A_664 = tpu.memref_slice %arg2[%dma_wait3A_661, %dma_wait3A_662, %dma_wait3A_663] : memref<26x100000x16xf32, #tpu.memory_space<hbm>> -> memref<1x100000x16xf32, #tpu.memory_space<hbm>>
    %dma_wait3A_665 = tpu.memref_squeeze %dma_wait3A_664 : memref<1x100000x16xf32, #tpu.memory_space<hbm>> -> memref<100000x16xf32, #tpu.memory_space<hbm>>
    %dma_wait3A_666 = arith.constant 0 : i32
    %dma_wait3A_667 = arith.constant 0 : i32
    %dma_wait3A_668 = tpu.memref_slice %dma_wait3A_665[%dma_wait3A_666, %dma_wait3A_667] : memref<100000x16xf32, #tpu.memory_space<hbm>> -> memref<100000x16xf32, #tpu.memory_space<hbm>>
    tpu.wait_indirect_dma semaphore(%arg34 : memref<!tpu.dma_semaphore, #tpu.memory_space<semaphore_mem>>) src(%dma_wait3A_668 : memref<100000x16xf32, #tpu.memory_space<hbm>>) dst(%arg31 : memref<512x16xf32, #tpu.memory_space<vmem>>)
    "tpu.region"() ({
      %run_scoped3A = tpu.sem_alloc : memref<!tpu.dma_semaphore, #tpu.memory_space<semaphore_mem>>
      %dma_start3A_677 = arith.constant 384 : i32
      %dma_start3A_678 = tpu.memref_slice %arg4[%mul3A_2, %dma_start3A_677] : memref<16384x416xf32, #tpu.memory_space<hbm>> -> memref<512x16xf32, #tpu.memory_space<hbm>>
      %dma_start3A_679 = arith.constant 384 : i32
      %dma_start3A_680 = tpu.memref_slice %arg4[%mul3A_2, %dma_start3A_679] : memref<16384x416xf32, #tpu.memory_space<hbm>> -> memref<512x16xf32, #tpu.memory_space<hbm>>
      tpu.enqueue_dma source(%arg31 : memref<512x16xf32, #tpu.memory_space<vmem>>) target(%dma_start3A_680 : memref<512x16xf32, #tpu.memory_space<hbm>>) target_semaphore(%run_scoped3A : memref<!tpu.dma_semaphore, #tpu.memory_space<semaphore_mem>>)
      %dma_wait3A_681 = arith.constant 384 : i32
      %dma_wait3A_682 = tpu.memref_slice %arg4[%mul3A_2, %dma_wait3A_681] : memref<16384x416xf32, #tpu.memory_space<hbm>> -> memref<512x16xf32, #tpu.memory_space<hbm>>
      %dma_wait3A_683 = arith.constant 384 : i32
      %dma_wait3A_684 = tpu.memref_slice %arg4[%mul3A_2, %dma_wait3A_683] : memref<16384x416xf32, #tpu.memory_space<hbm>> -> memref<512x16xf32, #tpu.memory_space<hbm>>
      tpu.wait_dma2 semaphore(%run_scoped3A : memref<!tpu.dma_semaphore, #tpu.memory_space<semaphore_mem>>) src(%arg31 : memref<512x16xf32, #tpu.memory_space<vmem>>) dst(%dma_wait3A_684 : memref<512x16xf32, #tpu.memory_space<hbm>>)
      tpu.yield
    }) : () -> ()
    %dma_wait3A_669 = arith.constant 25 : i32
    %dma_wait3A_670 = arith.constant 0 : i32
    %dma_wait3A_671 = arith.constant 0 : i32
    %dma_wait3A_672 = tpu.memref_slice %arg2[%dma_wait3A_669, %dma_wait3A_670, %dma_wait3A_671] : memref<26x100000x16xf32, #tpu.memory_space<hbm>> -> memref<1x100000x16xf32, #tpu.memory_space<hbm>>
    %dma_wait3A_673 = tpu.memref_squeeze %dma_wait3A_672 : memref<1x100000x16xf32, #tpu.memory_space<hbm>> -> memref<100000x16xf32, #tpu.memory_space<hbm>>
    %dma_wait3A_674 = arith.constant 0 : i32
    %dma_wait3A_675 = arith.constant 0 : i32
    %dma_wait3A_676 = tpu.memref_slice %dma_wait3A_673[%dma_wait3A_674, %dma_wait3A_675] : memref<100000x16xf32, #tpu.memory_space<hbm>> -> memref<100000x16xf32, #tpu.memory_space<hbm>>
    tpu.wait_indirect_dma semaphore(%arg35 : memref<!tpu.dma_semaphore, #tpu.memory_space<semaphore_mem>>) src(%dma_wait3A_676 : memref<100000x16xf32, #tpu.memory_space<hbm>>) dst(%arg32 : memref<512x16xf32, #tpu.memory_space<vmem>>)
    "tpu.region"() ({
      %run_scoped3A = tpu.sem_alloc : memref<!tpu.dma_semaphore, #tpu.memory_space<semaphore_mem>>
      %dma_start3A_677 = arith.constant 400 : i32
      %dma_start3A_678 = tpu.memref_slice %arg4[%mul3A_2, %dma_start3A_677] : memref<16384x416xf32, #tpu.memory_space<hbm>> -> memref<512x16xf32, #tpu.memory_space<hbm>>
      %dma_start3A_679 = arith.constant 400 : i32
      %dma_start3A_680 = tpu.memref_slice %arg4[%mul3A_2, %dma_start3A_679] : memref<16384x416xf32, #tpu.memory_space<hbm>> -> memref<512x16xf32, #tpu.memory_space<hbm>>
      tpu.enqueue_dma source(%arg32 : memref<512x16xf32, #tpu.memory_space<vmem>>) target(%dma_start3A_680 : memref<512x16xf32, #tpu.memory_space<hbm>>) target_semaphore(%run_scoped3A : memref<!tpu.dma_semaphore, #tpu.memory_space<semaphore_mem>>)
      %dma_wait3A_681 = arith.constant 400 : i32
      %dma_wait3A_682 = tpu.memref_slice %arg4[%mul3A_2, %dma_wait3A_681] : memref<16384x416xf32, #tpu.memory_space<hbm>> -> memref<512x16xf32, #tpu.memory_space<hbm>>
      %dma_wait3A_683 = arith.constant 400 : i32
      %dma_wait3A_684 = tpu.memref_slice %arg4[%mul3A_2, %dma_wait3A_683] : memref<16384x416xf32, #tpu.memory_space<hbm>> -> memref<512x16xf32, #tpu.memory_space<hbm>>
      tpu.wait_dma2 semaphore(%run_scoped3A : memref<!tpu.dma_semaphore, #tpu.memory_space<semaphore_mem>>) src(%arg32 : memref<512x16xf32, #tpu.memory_space<vmem>>) dst(%dma_wait3A_684 : memref<512x16xf32, #tpu.memory_space<hbm>>)
      tpu.yield
    }) : () -> ()
    return
  }
}

</mosaic_0001>

<sc_bundles>
// kernel: kernel.3.cloned.1.call-start
scs
__scs_entry_jumppad:
0x0: {  	(pc) =	sbr.rel $0x88, $3  }
0x1: {  	(tag) =	ssettag $0x0;
	lr =	simm.s32 $0x1  }
0x2: {  	[smem:$0x3F9F] =	sst lr;
	_ =	strace $0xD0000000  }
0x3: {  	_ = 	snop  }
0x4: {  	_ = 	snop  }
0x5: {  	_ = 	snop  }
0x6: {  	_ = 	snop  }
0x7: {  	_ = 	snop  }
__scs_overlays_trampoline_lowered:
0x8: {  	[smem:$0x3FAE] =	sst s0  }
0x9: {  	[smem:$0x3FAF] =	sst s1  }
0xa: {  	[smem:$0x3FB0] =	sst s2  }
0xb: {  	[smem:$0x3FB1] =	sst s3  }
0xc: {  	[smem:$0x3FB2] =	sst s4  }
0xd: {  	[smem:$0x3FB3] =	sst s5  }
0xe: {  	[smem:$0x3FB4] =	sst s6  }
0xf: {  	[smem:$0x3FB5] =	sst s7  }
0x10: {  	[smem:$0x3FB6] =	sst s8  }
0x11: {  	[smem:$0x3FB7] =	sst s9;
	s0 =	simm.s32 @!p0 $0x0  }
0x12: {  	s1 =	sld [smem:$0x3F9D];
	s0 =	simm.s32 @p0 $0x1  }
0x13: {  	[smem:$0x3FB8] =	sst s0;
	s0 =	simm.s32 @!p1 $0x0  }
0x14: {  	s2 =	sld [smem:$0x3F9C];
	s0 =	simm.s32 @p1 $0x1  }
0x15: {  	[smem:$0x3FB9] =	sst s0;
	s0 =	simm.s32 @!p2 $0x0  }
0x16: {  	s3 =	sld [smem:$0x3FDB];
	s0 =	simm.s32 @p2 $0x1  }
0x17: {  	s4 =	simm.s32 $0x1BF5;
	[smem:$0x3FBB] =	sst s0  }
0x18: {  	s0 =	sld [smem:$0x3F9E];
	_ =	swait.ge [sflag:s4], $0x0  }
0x19: {  	s7 =	sld [smem:$0x3F9F]  }
0x1a: {  	s8 =	sadd.s32 $0xFFFFE003, lr  }
0x1b: {  	s9 =	sadd.s32 $0xFFFFFEF7, lr;
	s5 =	simm.s32 $0xFFFFFFFF;
	p2 =	slt.u32 s8, $0xFFFFF086  }
0x1c: {  	p1 =	slt.u32 s9, $0xF7A;
	s5 =	simm.s32 @!p2 $0x0  }
0x1d: {  	s5 =	simm.s32 @p1 $0x1;
	p0 =	seq.s32 s7, s2  }
0x1e: {  	s7 =	smul.u32 @!p0 $0xF7A, s2;
	p2 =	seq.s32 @!p0 s5, $0x0  }
0x1f: {  	s9 =	smul.u32 $0xF7A, s1;
	s8 =	simm.s32 @!p0 $0x1BF5;
	p2 =	por !p2, p0  }
0x20: {  	[sflag:s8] =	ssyncset.s32 @!p0 $0xFFFFF086;
	s6 =	sadd.s32 @!p0 s3, s7;
	s7 =	simm.s32 @!p0 $0x108  }
0x21: {  	s3 =	sadd.s32 s3, s9;
	s6 =	sadd.s32 @!p0 $0x88, s6;
	s7 =	simm.s32 @p2 $0x1082  }
0x22: {  	[simem:s7], [sflag:s8] =	dma.local @!p0 [hbm:s6], $0xF7A  }
0x23: {  	s9 =	sor.u32 $0xD0000000, s2;
	s6 =	simm.s32 $0x108;
	_ =	swait.ge @!p0 [sflag:s8], $0x0  }
0x24: {  	s3 =	sadd.s32 $0x88, s3;
	s6 =	simm.s32 @!p1 $0x1082;
	[sflag:s4] =	ssyncset.s32 $0xFFFFF086  }
0x25: {  	[simem:s6], [sflag:s4] =	dma.local [hbm:s3], $0xF7A  }
0x26: {  	[smem:$0x3F9F] =	sst s1;
	(tag) =	ssettag s2;
	_ =	strace s9  }
0x27: {  	s1 =	sld [smem:$0x3FAF]  }
0x28: {  	s2 =	sld [smem:$0x3FB0]  }
0x29: {  	s4 =	sld [smem:$0x3FB2]  }
0x2a: {  	p0 =	seq.s32 s5, $0x0;
	s5 =	sld [smem:$0x3FB3]  }
0x2b: {  	s6 =	sld [smem:$0x3FB4]  }
0x2c: {  	s7 =	sld [smem:$0x3FB5]  }
0x2d: {  	s3 =	simm.s32 $0x108;
	s8 =	sld [smem:$0x3FB6]  }
0x2e: {  	s3 =	simm.s32 @!p0 $0x1082;
	s9 =	sld [smem:$0x3FB7]  }
0x2f: {  	lr =	sadd.s32 s0, s3;
	s0 =	sld [smem:$0x3FAE]  }
0x30: {  	s3 =	sld [smem:$0x3FB1]  }
0x31: {  	[smem:$0x3FBA] =	sst s10  }
0x32: {  	s10 =	sld [smem:$0x3FB8];
	_ =	sdelay $0x3  }
0x33: {  	p0 =	seq.s32 s10, $0x1;
	s10 =	sld [smem:$0x3FBA];
	_ =	sdelay $0x3  }
0x34: {  	[smem:$0x3FBA] =	sst s10  }
0x35: {  	s10 =	sld [smem:$0x3FB9];
	_ =	sdelay $0x3  }
0x36: {  	p1 =	seq.s32 s10, $0x1;
	s10 =	sld [smem:$0x3FBA];
	_ =	sdelay $0x3  }
0x37: {  	[smem:$0x3FBA] =	sst s10  }
0x38: {  	s10 =	sld [smem:$0x3FBB]  }
0x39: {  	_ = 	snop;
	(pc) =	sbr.ind lr, $3  }
0x3a: {  	_ = 	snop  }
0x3b: {  	_ = 	snop  }
0x3c: {  	p2 =	seq.s32 s10, $0x1;
	s10 =	sld [smem:$0x3FBA]  }
0x3d: {  	_ =	shalt  }
0x3e: {  	_ =	shalt  }
0x3f: {  	_ =	shalt  }
0x40: {  	_ =	shalt  }
0x41: {  	_ =	shalt  }
0x42: {  	_ =	shalt  }
0x43: {  	_ =	shalt  }
0x44: {  	_ =	shalt  }
0x45: {  	_ =	shalt  }
0x46: {  	_ =	shalt  }
0x47: {  	_ =	shalt  }
0x48: {  	_ =	shalt  }
0x49: {  	_ =	shalt  }
0x4a: {  	_ =	shalt  }
0x4b: {  	_ =	shalt  }
0x4c: {  	_ =	shalt  }
0x4d: {  	_ =	shalt  }
0x4e: {  	_ =	shalt  }
0x4f: {  	_ =	shalt  }
0x50: {  	_ =	shalt  }
0x51: {  	_ =	shalt  }
0x52: {  	_ =	shalt  }
0x53: {  	_ =	shalt  }
0x54: {  	_ =	shalt  }
0x55: {  	_ =	shalt  }
0x56: {  	_ =	shalt  }
0x57: {  	_ =	shalt  }
0x58: {  	_ =	shalt  }
0x59: {  	_ =	shalt  }
0x5a: {  	_ =	shalt  }
0x5b: {  	_ =	shalt  }
0x5c: {  	_ =	shalt  }
0x5d: {  	_ =	shalt  }
0x5e: {  	_ =	shalt  }
0x5f: {  	_ =	shalt  }
0x60: {  	_ =	shalt  }
0x61: {  	_ =	shalt  }
0x62: {  	_ =	shalt  }
0x63: {  	_ =	shalt  }
0x64: {  	_ =	shalt  }
0x65: {  	_ =	shalt  }
0x66: {  	_ =	shalt  }
0x67: {  	_ =	shalt  }
0x68: {  	_ =	shalt  }
0x69: {  	_ =	shalt  }
0x6a: {  	_ =	shalt  }
0x6b: {  	_ =	shalt  }
0x6c: {  	_ =	shalt  }
0x6d: {  	_ =	shalt  }
0x6e: {  	_ =	shalt  }
0x6f: {  	_ =	shalt  }
0x70: {  	_ =	shalt  }
0x71: {  	_ =	shalt  }
0x72: {  	_ =	shalt  }
0x73: {  	_ =	shalt  }
0x74: {  	_ =	shalt  }
0x75: {  	_ =	shalt  }
0x76: {  	_ =	shalt  }
0x77: {  	_ =	shalt  }
0x78: {  	_ =	shalt  }
0x79: {  	_ =	shalt  }
0x7a: {  	_ =	shalt  }
0x7b: {  	_ =	shalt  }
0x7c: {  	_ =	shalt  }
0x7d: {  	_ =	shalt  }
0x7e: {  	_ =	shalt  }
0x7f: {  	_ =	shalt  }
0x80: {  	_ =	shalt  }
0x81: {  	_ =	shalt  }
0x82: {  	_ =	shalt  }
0x83: {  	_ =	shalt  }
0x84: {  	_ =	shalt  }
0x85: {  	_ =	shalt  }
0x86: {  	_ =	shalt  }
0x87: {  	_ =	shalt  }
.Lfunc_end0:
.L_simem_size_0:
called_computation_lowered:
.L_overlay_start_0:
0x88: {  	s2 =	sld [smem:$0x3FD9]  }
0x89: {  	s3 =	sld [smem:$0x3FFE];
	_ =	sdelay $0x1  }
0x8a: {  	s1 =	srdreg.scid  }
0x8b: {  	s0 =	sand.u32 $0x1, s1  }
0x8c: {  	s17 =	sshll.u32 s0, $0xA;
	s2 =	sadd.s32 s3, s2  }
0x8d: {  	s2 =	sadd.s32 s2, s17  }
0x8e: {  	[smem:$0x3FC6] =	sst s2  }
0x8f: {  	_ = 	snop  }
0x90: {  	s2 =	sld [smem:$0x3FD0];
	(tm) =	ssettm $0x1  }
0x91: {  	s18 =	sld [smem:$0x3FFB];
	_ =	sdelay $0x3  }
0x92: {  	_ =	strace s18  }
0x93: {  	s3 =	sld [smem:$0x3FFC];
	_ =	sdelay $0x3  }
0x94: {  	_ =	strace s3  }
0x95: {  	s3 =	sld [smem:$0x3FFD];
	_ =	sdelay $0x3  }
0x96: {  	_ =	strace s3  }
0x97: {  	_ =	strace $0x8FFFFFFF  }
0x98: {  	s19 =	sld [smem:$0x3FDB];
	_ =	sdelay $0x1  }
0x99: {  	s4 =	simm.s32 $_scs_section_size  }
0x9a: {  	s5 =	simm.s32 $_size__tile_overlayer_lowered;
	s6 =	simm.s32 $_tile_overlayer_lowered  }
0x9b: {  	s22 =	simm.s32 $0x1BFF;
	s21 =	sshll.u32 s6, $0x1;
	s3 =	sadd.s32 s4, s19  }
0x9c: {  	s7 =	simm.s32 $0x0;
	s20 =	sshll.u32 s5, $0x1;
	s5 =	sadd.s32 s21, s3  }
0x9d: {  	[timem:s7], [sflag:s22] =	dma.local [hbm:s5], s20  }
0x9e: {  	_ =	swait.ge [sflag:s22], s20  }
0x9f: {  	s4 =	ssub.s32 $0x0, s20;
	[sflag:s22] =	ssyncset.done $0x0  }
0xa0: {  	[sflag:s22] =	ssyncadd.s32 s4;
	_ =	sdelay $0x1  }
0xa1: {  	s23 =	simm.s32 $0x1B8B  }
0xa2: {  	_ =	swait.ge [sflag:s23], $0x1  }
0xa3: {  	[sflag:s23] =	ssyncset.done $0x0  }
0xa4: {  	s25 =	simm.s32 $0x1B8E;
	s24 =	sld [smem:$0x3FFE];
	[sflag:s23] =	ssyncadd.s32 $0xFFFFFFFF  }
0xa5: {  	s26 =	simm.s32 $execute0_lowered;
	[smem:$0x3FD2] =	sst s25  }
0xa6: {  	s5 =	sshll.u32 s26, $0x1;
	_ =	strace $0x80000046;
	[dreg:$0x1] =	wrdreg $0xFFFFFFFF  }
0xa7: {  	s28 =	simm.s32 $_size_execute0_lowered;
	s3 =	sadd.s32 s3, s5;
	[dreg:$0x0] =	wrdreg $0x0  }
0xa8: {  	s5 =	sshll.u32 s28, $0x1;
	[dreg:$0x2] =	wrdreg s3  }
0xa9: {  	[dreg:$0x3] =	wrdreg s5  }
0xaa: {  	[dreg:$0x4] =	wrdreg $0xC0  }
0xab: {  	_ =	task [dreg:s7], $0x5FFFF  }
0xac: {  	[dreg:$0x1] =	wrdreg $0xFFFFFFFF  }
0xad: {  	[dreg:$0x0] =	wrdreg $0x60  }
0xae: {  	[dreg:$0x2] =	wrdreg s24  }
0xaf: {  	[dreg:$0x3] =	wrdreg s2  }
0xb0: {  	[dreg:$0x4] =	wrdreg $0x9  }
0xb1: {  	_ =	task.clear_ibuf [dreg:s7], $0x5FFFF;
	_ =	strace $0x90000046  }
0xb2: {  	s29 =	simm.s32 $0x9;
	_ =	strace $0x80000048  }
0xb3: {  	_ =	swait.ge [sflag:s29], $0x1  }
0xb4: {  	[sflag:s29] =	ssyncadd.s32 $0xFFFFFFFF  }
0xb5: {  	_ =	strace $0x90000048  }
0xb6: {  	_ =	sfence  }
0xb7: {  	s30 =	sld [smem:$0x0];
	_ =	sdelay $0x2  }
0xb8: {  	s31 =	sshll.u32 s1, $0xD;
	s1 =	sshrl.u32 s1, $0x2  }
0xb9: {  	s3 =	sand.u32 $0x4000, s31;
	s1 =	sadd.s32 s1, s30  }
0xba: {  	s0 =	sor.u32 s3, s0;
	s1 =	sshll.u32 s1, $0x11  }
0xbb: {  	s0 =	sor.u32 s1, s0  }
0xbc: {  	s0 =	sadd.s32 $0x8F2B, s0  }
0xbd: {  	[sflag:s0] =	ssyncadd.remote.s32 $0x1  }
0xbe: {  	_ =	sfence.sel $0xFFFF  }
0xbf: {  	[dreg:$0x0] =	wrdreg $0xFFFFFFFF;
	(pc) =	sbr.abs _section_cstart, $3  }
0xc0: {  	[dreg:$0x1] =	wrdreg $0xFFFFFFFF  }
0xc1: {  	_ =	task.clear_ibuf [dreg:s7], $0x2FFFF;
	_ =	strace $0x9FFFFFFF  }
0xc2: {  	(tm) =	ssettm $0x7FFFFFFF  }
0xc3: {  	_ =	shalt  }
tec
execute0_lowered:
.L_overlay_start_1:
0x0: {  	(tag) =	ssettag $0x1  }
0x1: {  	s1 =	srdreg.scid;
	s0 =	rddreg [dreg:$0x0]  }
0x2: {  	s3 =	stileid.u32;
	s2 =	rddreg [dreg:$0x1];
	s1 =	sand.u32 $0x1, s1  }
0x3: {  	s22 =	simm.s32 $0x0;
	s3 =	sshll.u32 s3, $0xA;
	s4 =	sshll.u32 s1, $0x9  }
0x4: {  	[smem:$0x7FF] =	sst s22;
	s3 =	sor.u32 s4, s3  }
0x5: {  	s5 =	sadd.s32 $0x27ACA00, s0;
	_ =	strace $0x80000047;
	s4 =	sshrl.u32 s3, $0x3  }
0x6: {  	[dreg:$0x3] =	wrdreg s5;
	s5 =	sadd.s32 $0x283F1C0, s0;
	s4 =	sadd.s32 s4, s0  }
0x7: {  	[smem:$0x7CF] =	sst s5;
	s28 =	sadd.s32 $0x600, s4  }
0x8: {  	s29 =	sadd.s32 $0xE00, s4;
	[dreg:$0x4] =	wrdreg s28  }
0x9: {  	s30 =	sadd.s32 $0x1600, s4;
	[dreg:$0x5] =	wrdreg s29  }
0xa: {  	s6 =	sadd.s32 $0x1E00, s4;
	[dreg:$0x6] =	wrdreg s30  }
0xb: {  	s7 =	sadd.s32 $0x2600, s4;
	[dreg:$0x7] =	wrdreg s6  }
0xc: {  	s8 =	sadd.s32 $0x2E00, s4;
	[dreg:$0x8] =	wrdreg s7  }
0xd: {  	s9 =	sadd.s32 $0x3600, s4;
	[dreg:$0x9] =	wrdreg s8  }
0xe: {  	s10 =	sadd.s32 $0x3E00, s4;
	[dreg:$0xa] =	wrdreg s9  }
0xf: {  	s11 =	sadd.s32 $0x4600, s4;
	[dreg:$0xb] =	wrdreg s10  }
0x10: {  	s12 =	sadd.s32 $0x4E00, s4;
	[dreg:$0xc] =	wrdreg s11  }
0x11: {  	s13 =	sadd.s32 $0x5600, s4;
	[dreg:$0xd] =	wrdreg s12  }
0x12: {  	s14 =	sadd.s32 $0x5E00, s4;
	[dreg:$0xe] =	wrdreg s13  }
0x13: {  	s15 =	sadd.s32 $0x6600, s4;
	[dreg:$0xf] =	wrdreg s14  }
0x14: {  	s16 =	sadd.s32 $0x6E00, s4;
	[dreg:$0x10] =	wrdreg s15  }
0x15: {  	s17 =	sadd.s32 $0x7600, s4;
	[dreg:$0x11] =	wrdreg s16  }
0x16: {  	s18 =	sadd.s32 $0x7E00, s4;
	[dreg:$0x12] =	wrdreg s17  }
0x17: {  	s19 =	sadd.s32 $0x8600, s4;
	[dreg:$0x13] =	wrdreg s18  }
0x18: {  	s20 =	sadd.s32 $0x8E00, s4;
	[dreg:$0x14] =	wrdreg s19  }
0x19: {  	s21 =	sadd.s32 $0x9600, s4;
	[dreg:$0x15] =	wrdreg s20  }
0x1a: {  	s23 =	sadd.s32 $0x9E00, s4;
	[dreg:$0x16] =	wrdreg s21  }
0x1b: {  	s24 =	sadd.s32 $0xA600, s4;
	[dreg:$0x17] =	wrdreg s23  }
0x1c: {  	s25 =	sadd.s32 $0xAE00, s4;
	[dreg:$0x18] =	wrdreg s24  }
0x1d: {  	s26 =	sadd.s32 $0xB600, s4;
	[dreg:$0x19] =	wrdreg s25  }
0x1e: {  	[dreg:$0x1a] =	wrdreg s26;
	s28 =	sadd.s32 $0xBE00, s4  }
0x1f: {  	s29 =	sadd.s32 $0xC600, s4;
	[dreg:$0x1b] =	wrdreg s28  }
0x20: {  	s3 =	smul.u32 $0x34, s3;
	s4 =	sadd.s32 $0xCE00, s4;
	[dreg:$0x1c] =	wrdreg s29  }
0x21: {  	s30 =	sadd.s32 $0x27DD740, s0;
	[dreg:$0x1d] =	wrdreg s4  }
0x22: {  	s17 =	sadd.s32 s2, s3;
	s3 =	sadd.s32 $0x280E480, s0;
	[dreg:$0x1e] =	wrdreg s30  }
0x23: {  	s7 =	sadd.s32 $0x286FF00, s0;
	[dreg:$0x1f] =	wrdreg s3  }
0x24: {  	s9 =	sadd.s32 $0x28A0C40, s0;
	[smem:$0x7D1] =	sst s7  }
0x25: {  	s11 =	sadd.s32 $0x28D1980, s0;
	[smem:$0x7D3] =	sst s9  }
0x26: {  	s13 =	sadd.s32 $0x29026C0, s0;
	[smem:$0x7D5] =	sst s11  }
0x27: {  	s15 =	sadd.s32 $0x2933400, s0;
	[smem:$0x7D7] =	sst s13  }
0x28: {  	s18 =	sadd.s32 $0x2964140, s0;
	[smem:$0x7D9] =	sst s15  }
0x29: {  	s20 =	sadd.s32 $0x2994E80, s0;
	[smem:$0x7DB] =	sst s18  }
0x2a: {  	s23 =	sadd.s32 $0x29C5BC0, s0;
	[smem:$0x7DD] =	sst s20  }
0x2b: {  	s25 =	sadd.s32 $0x29F6900, s0;
	[smem:$0x7DF] =	sst s23  }
0x2c: {  	s4 =	sadd.s32 $0x2, s17;
	[smem:$0x7E1] =	sst s25  }
0x2d: {  	s6 =	sadd.s32 $0x4, s17;
	[smem:$0x7CE] =	sst s4  }
0x2e: {  	s8 =	sadd.s32 $0x6, s17;
	[smem:$0x7D0] =	sst s6  }
0x2f: {  	s10 =	sadd.s32 $0x8, s17;
	[smem:$0x7D2] =	sst s8  }
0x30: {  	s12 =	sadd.s32 $0xA, s17;
	[smem:$0x7D4] =	sst s10  }
0x31: {  	s14 =	sadd.s32 $0xC, s17;
	[smem:$0x7D6] =	sst s12  }
0x32: {  	s16 =	sadd.s32 $0xE, s17;
	[smem:$0x7D8] =	sst s14  }
0x33: {  	s19 =	sadd.s32 $0x10, s17;
	[smem:$0x7DA] =	sst s16  }
0x34: {  	s21 =	sadd.s32 $0x12, s17;
	[smem:$0x7DC] =	sst s19  }
0x35: {  	s24 =	sadd.s32 $0x14, s17;
	[smem:$0x7DE] =	sst s21  }
0x36: {  	s26 =	sadd.s32 $0x16, s17;
	[smem:$0x7E0] =	sst s24  }
0x37: {  	s28 =	sadd.s32 $0x2A27640, s0;
	[smem:$0x7E2] =	sst s26  }
0x38: {  	s29 =	sadd.s32 $0x18, s17;
	[smem:$0x7E3] =	sst s28  }
0x39: {  	s30 =	sadd.s32 $0x2A58380, s0;
	[smem:$0x7E4] =	sst s29  }
0x3a: {  	s3 =	sadd.s32 $0x1A, s17;
	[smem:$0x7E5] =	sst s30  }
0x3b: {  	s5 =	sadd.s32 $0x1C, s17;
	[smem:$0x7E6] =	sst s3  }
0x3c: {  	s7 =	sadd.s32 $0x1E, s17;
	[smem:$0x7E8] =	sst s5  }
0x3d: {  	s9 =	sadd.s32 $0x20, s17;
	[smem:$0x7EA] =	sst s7  }
0x3e: {  	s11 =	sadd.s32 $0x22, s17;
	[smem:$0x7EC] =	sst s9  }
0x3f: {  	s13 =	sadd.s32 $0x24, s17;
	[smem:$0x7EE] =	sst s11  }
0x40: {  	s15 =	sadd.s32 $0x26, s17;
	s4 =	sadd.s32 $0x2A890C0, s0;
	[smem:$0x7F0] =	sst s13  }
0x41: {  	s18 =	sadd.s32 $0x28, s17;
	s6 =	sadd.s32 $0x2AB9E00, s0;
	[smem:$0x7F2] =	sst s15  }
0x42: {  	s20 =	sadd.s32 $0x2A, s17;
	s8 =	sadd.s32 $0x2AEAB40, s0;
	[smem:$0x7F4] =	sst s18  }
0x43: {  	s23 =	sadd.s32 $0x2C, s17;
	s10 =	sadd.s32 $0x2B1B880, s0;
	[smem:$0x7F6] =	sst s20  }
0x44: {  	s25 =	sadd.s32 $0x2E, s17;
	s12 =	sadd.s32 $0x2B4C5C0, s0;
	[smem:$0x7F8] =	sst s23  }
0x45: {  	s14 =	sadd.s32 $0x2B7D300, s0;
	[smem:$0x7FA] =	sst s25  }
0x46: {  	s16 =	sadd.s32 $0x2BAE040, s0;
	[smem:$0x7E7] =	sst s4  }
0x47: {  	s31 =	simm.s32 $0x600;
	s19 =	sadd.s32 $0x2BDED80, s0;
	[smem:$0x7E9] =	sst s6  }
0x48: {  	p0 =	por $0x0, $0x0;
	s21 =	sadd.s32 $0x2C0FAC0, s0;
	[smem:$0x7EB] =	sst s8  }
0x49: {  	s1 =	ssub.s32 $0x2, s1;
	s24 =	sadd.s32 $0x2C40800, s0;
	[smem:$0x7ED] =	sst s10  }
0x4a: {  	s2 =	simm.s32 $0x200;
	s0 =	sadd.s32 $0x2C71540, s0;
	[smem:$0x7EF] =	sst s12  }
0x4b: {  	s26 =	sshrl.u32 s1, $0x1;
	s28 =	sadd.s32 $0x30, s17;
	[smem:$0x7F1] =	sst s14  }
0x4c: {  	s29 =	sadd.s32 $0x32, s17;
	s25 =	simm.s32 $0x400;
	[smem:$0x7F3] =	sst s16  }
0x4d: {  	s23 =	simm.s32 $0xC00;
	s9 =	simm.s32 $0xE00;
	[smem:$0x7F5] =	sst s19  }
0x4e: {  	s13 =	simm.s32 $0x1400;
	[smem:$0x7F7] =	sst s21;
	s1 =	ssub.s32 s1, s26  }
0x4f: {  	s11 =	simm.s32 $0x1;
	[smem:$0x7F9] =	sst s24;
	s30 =	smax.u32 s1, $0x1  }
0x50: {  	s3 =	simm.s32 $0x5400;
	[smem:$0x7FB] =	sst s0;
	p1 =	sne.s32 s30, $0x1  }
.Ltmp0:
0x51: {  	s5 =	simm.s32 $0x10;
	[smem:$0x7FC] =	sst s28;
	(pc) =	sbr.rel @!p1 .LBB2_1-.Ltmp0, $4  }
0x52: {  	s7 =	simm.s32 $0x3;
	[smem:$0x7FD] =	sst s29;
	s24 =	simm.s32 $0x800  }
0x53: {  	s14 =	simm.s32 $0xA00;
	s0 =	simm.s32 $0x1000;
	s8 =	simm.s32 $0x3400  }
0x54: {  	s10 =	simm.s32 $0x2;
	s6 =	simm.s32 $0x1A0;
	s4 =	simm.s32 $0x4  }
0x55: {  	s16 =	rddreg [dreg:$0x4];
	s1 =	simm.s32 $0x1200;
	s12 =	sadd.s32 $0xFFFFFFFF, s30  }
0x56: {  	[tilespmem:s22], [sflag:$0x1] =	stream.linear.gather [hbm4b:s16+s22], $0x200, $0x38;
	[tilespmem:$0x7400] =	vst v63  }
0x57: {  	s15 =	rddreg [dreg:$0x5]  }
0x58: {  	[tilespmem:s2], [sflag:$0x1] =	stream.linear.gather [hbm4b:s15+s22], $0x200, $0x38;
	[tilespmem:$0x7400] =	vst v63  }
0x59: {  	s30 =	rddreg [dreg:$0x6]  }
0x5a: {  	[tilespmem:s25], [sflag:$0x1] =	stream.linear.gather [hbm4b:s30+s22], $0x200, $0x38;
	[tilespmem:$0x7400] =	vst v63  }
0x5b: {  	s18 =	rddreg [dreg:$0x7]  }
0x5c: {  	[tilespmem:s31], [sflag:$0x1] =	stream.linear.gather [hbm4b:s18+s22], $0x200, $0x38;
	[tilespmem:$0x7400] =	vst v63  }
0x5d: {  	s19 =	rddreg [dreg:$0x8]  }
0x5e: {  	[tilespmem:s24], [sflag:$0x1] =	stream.linear.gather [hbm4b:s19+s22], $0x200, $0x38;
	[tilespmem:$0x7400] =	vst v63  }
0x5f: {  	s20 =	rddreg [dreg:$0x9]  }
0x60: {  	[tilespmem:s14], [sflag:$0x1] =	stream.linear.gather [hbm4b:s20+s22], $0x200, $0x38;
	[tilespmem:$0x7400] =	vst v63  }
0x61: {  	s21 =	rddreg [dreg:$0xa]  }
0x62: {  	[tilespmem:s23], [sflag:$0x1] =	stream.linear.gather [hbm4b:s21+s22], $0x200, $0x38;
	[tilespmem:$0x7400] =	vst v63  }
0x63: {  	s26 =	rddreg [dreg:$0xb]  }
0x64: {  	[tilespmem:s9], [sflag:$0x1] =	stream.linear.gather [hbm4b:s26+s22], $0x200, $0x38;
	[tilespmem:$0x7400] =	vst v63  }
0x65: {  	s28 =	rddreg [dreg:$0xc]  }
0x66: {  	[tilespmem:s0], [sflag:$0x1] =	stream.linear.gather [hbm4b:s28+s22], $0x200, $0x38;
	[tilespmem:$0x7400] =	vst v63  }
0x67: {  	s29 =	rddreg [dreg:$0xd]  }
0x68: {  	[tilespmem:s1], [sflag:$0x1] =	stream.linear.gather [hbm4b:s29+s22], $0x200, $0x38;
	[tilespmem:$0x7400] =	vst v63  }
0x69: {  	s30 =	rddreg [dreg:$0xe]  }
0x6a: {  	[tilespmem:s13], [sflag:$0x1] =	stream.linear.gather [hbm4b:s30+s22], $0x200, $0x38;
	[tilespmem:$0x7400] =	vst v63  }
0x6b: {  	s18 =	rddreg [dreg:$0xf];
	s28 =	simm.s32 $0x1600  }
0x6c: {  	[tilespmem:s28], [sflag:$0x1] =	stream.linear.gather [hbm4b:s18+s22], $0x200, $0x38;
	[tilespmem:$0x7400] =	vst v63  }
0x6d: {  	s19 =	rddreg [dreg:$0x10];
	s26 =	simm.s32 $0x1800  }
0x6e: {  	[tilespmem:s26], [sflag:$0x1] =	stream.linear.gather [hbm4b:s19+s22], $0x200, $0x38;
	[tilespmem:$0x7400] =	vst v63  }
0x6f: {  	s20 =	rddreg [dreg:$0x11];
	s29 =	simm.s32 $0x1A00  }
0x70: {  	[tilespmem:s29], [sflag:$0x1] =	stream.linear.gather [hbm4b:s20+s22], $0x200, $0x38;
	[tilespmem:$0x7400] =	vst v63  }
0x71: {  	s21 =	rddreg [dreg:$0x12];
	s30 =	simm.s32 $0x1C00  }
0x72: {  	[tilespmem:s30], [sflag:$0x1] =	stream.linear.gather [hbm4b:s21+s22], $0x200, $0x38;
	[tilespmem:$0x7400] =	vst v63  }
0x73: {  	s18 =	rddreg [dreg:$0x13];
	s20 =	simm.s32 $0x1E00  }
0x74: {  	[tilespmem:s20], [sflag:$0x1] =	stream.linear.gather [hbm4b:s18+s22], $0x200, $0x38;
	[tilespmem:$0x7400] =	vst v63  }
0x75: {  	s19 =	rddreg [dreg:$0x14];
	s21 =	simm.s32 $0x2000  }
0x76: {  	[tilespmem:s21], [sflag:$0x1] =	stream.linear.gather [hbm4b:s19+s22], $0x200, $0x38;
	[tilespmem:$0x7400] =	vst v63  }
0x77: {  	s18 =	rddreg [dreg:$0x15];
	s19 =	simm.s32 $0x2200  }
0x78: {  	[tilespmem:s19], [sflag:$0x1] =	stream.linear.gather [hbm4b:s18+s22], $0x200, $0x38;
	[tilespmem:$0x7400] =	vst v63  }
0x79: {  	s16 =	rddreg [dreg:$0x16];
	s18 =	simm.s32 $0x2400  }
0x7a: {  	[tilespmem:s18], [sflag:$0x1] =	stream.linear.gather [hbm4b:s16+s22], $0x200, $0x38;
	[tilespmem:$0x7400] =	vst v63  }
0x7b: {  	s15 =	rddreg [dreg:$0x17];
	s18 =	simm.s32 $0x2600  }
0x7c: {  	[tilespmem:s18], [sflag:$0x1] =	stream.linear.gather [hbm4b:s15+s22], $0x200, $0x38;
	[tilespmem:$0x7400] =	vst v63  }
0x7d: {  	s16 =	rddreg [dreg:$0x18];
	s18 =	simm.s32 $0x2800  }
0x7e: {  	[tilespmem:s18], [sflag:$0x1] =	stream.linear.gather [hbm4b:s16+s22], $0x200, $0x38;
	[tilespmem:$0x7400] =	vst v63  }
0x7f: {  	s15 =	rddreg [dreg:$0x19];
	s18 =	simm.s32 $0x2A00  }
0x80: {  	[tilespmem:s18], [sflag:$0x1] =	stream.linear.gather [hbm4b:s15+s22], $0x200, $0x38;
	[tilespmem:$0x7400] =	vst v63  }
0x81: {  	s16 =	rddreg [dreg:$0x1a];
	s18 =	simm.s32 $0x2C00  }
0x82: {  	[tilespmem:s18], [sflag:$0x1] =	stream.linear.gather [hbm4b:s16+s22], $0x200, $0x38;
	[tilespmem:$0x7400] =	vst v63  }
0x83: {  	s15 =	rddreg [dreg:$0x1b];
	s18 =	simm.s32 $0x2E00  }
0x84: {  	[tilespmem:s18], [sflag:$0x1] =	stream.linear.gather [hbm4b:s15+s22], $0x200, $0x38;
	[tilespmem:$0x7400] =	vst v63  }
0x85: {  	s16 =	rddreg [dreg:$0x1c];
	s18 =	simm.s32 $0x3000  }
0x86: {  	[tilespmem:s18], [sflag:$0x1] =	stream.linear.gather [hbm4b:s16+s22], $0x200, $0x38;
	[tilespmem:$0x7400] =	vst v63  }
0x87: {  	s15 =	rddreg [dreg:$0x1d];
	s16 =	simm.s32 $0x3200  }
0x88: {  	[tilespmem:s16], [sflag:$0x1] =	stream.linear.gather [hbm4b:s15+s22], $0x200, $0x38;
	[tilespmem:$0x7400] =	vst v63  }
0x89: {  	_ =	swait.ge [sflag:s11], $0x200  }
0x8a: {  	[sflag:s11] =	ssyncset.done $0x0  }
0x8b: {  	s15 =	rddreg [dreg:$0x3];
	[sflag:s11] =	ssyncadd.s32 $0xFFFFFE00  }
0x8c: {  	[tilespmem:s8], [sflag:$0x2] =	stream.indirect.gather [hbm4b:s15+s2], $0x10, s22, s2, $0xb8;
	[tilespmem:$0x7400] =	vst v63  }
0x8d: {  	_ =	swait.ge [sflag:s11], $0x200  }
0x8e: {  	[sflag:s11] =	ssyncset.done $0x0  }
0x8f: {  	s15 =	rddreg [dreg:$0x1e];
	[sflag:s11] =	ssyncadd.s32 $0xFFFFFE00  }
0x90: {  	[tilespmem:s3], [sflag:$0x3] =	stream.indirect.gather [hbm4b:s15+s2], $0x10, s2, s2, $0xb8;
	[tilespmem:$0x7400] =	vst v63  }
0x91: {  	_ =	swait.ge [sflag:s10], $0x2000  }
0x92: {  	[sflag:s10] =	ssyncset.done $0x0  }
0x93: {  	[sflag:s10] =	ssyncadd.s32 $0xFFFFE000  }
0x94: {  	[hbm4b:s17+s5] =	stream.strided.scatter [tilespmem:s8], [sflag:$0x4], $0x2000, s6, s5, $0x38;
	[tilespmem:$0x7400] =	vst v63  }
0x95: {  	_ =	swait.ge [sflag:s4], $0x2000  }
0x96: {  	[sflag:s4] =	ssyncset.done $0x0  }
0x97: {  	[sflag:s4] =	ssyncadd.s32 $0xFFFFE000  }
0x98: {  	_ =	swait.ge [sflag:s11], $0x200  }
0x99: {  	[sflag:s11] =	ssyncset.done $0x0  }
0x9a: {  	s15 =	rddreg [dreg:$0x1f];
	[sflag:s11] =	ssyncadd.s32 $0xFFFFFE00  }
0x9b: {  	[tilespmem:s8], [sflag:$0x2] =	stream.indirect.gather [hbm4b:s15+s2], $0x10, s25, s2, $0xb8;
	[tilespmem:$0x7400] =	vst v63  }
0x9c: {  	_ =	swait.ge [sflag:s7], $0x2000  }
0x9d: {  	s25 =	sld [smem:$0x7CE]  }
0x9e: {  	[sflag:s7] =	ssyncset.done $0x0  }
0x9f: {  	[sflag:s7] =	ssyncadd.s32 $0xFFFFE000  }
0xa0: {  	[hbm4b:s25+s5] =	stream.strided.scatter [tilespmem:s3], [sflag:$0x4], $0x2000, s6, s5, $0x38;
	[tilespmem:$0x7400] =	vst v63  }
0xa1: {  	_ =	swait.ge [sflag:s4], $0x2000  }
0xa2: {  	[sflag:s4] =	ssyncset.done $0x0  }
0xa3: {  	[sflag:s4] =	ssyncadd.s32 $0xFFFFE000  }
0xa4: {  	_ =	swait.ge [sflag:s11], $0x200  }
0xa5: {  	s25 =	sld [smem:$0x7CF]  }
0xa6: {  	[sflag:s11] =	ssyncset.done $0x0  }
0xa7: {  	[sflag:s11] =	ssyncadd.s32 $0xFFFFFE00  }
0xa8: {  	[tilespmem:s3], [sflag:$0x3] =	stream.indirect.gather [hbm4b:s25+s2], $0x10, s31, s2, $0xb8;
	[tilespmem:$0x7400] =	vst v63  }
0xa9: {  	_ =	swait.ge [sflag:s10], $0x2000  }
0xaa: {  	s31 =	sld [smem:$0x7D0]  }
0xab: {  	[sflag:s10] =	ssyncset.done $0x0  }
0xac: {  	[sflag:s10] =	ssyncadd.s32 $0xFFFFE000  }
0xad: {  	[hbm4b:s31+s5] =	stream.strided.scatter [tilespmem:s8], [sflag:$0x4], $0x2000, s6, s5, $0x38;
	[tilespmem:$0x7400] =	vst v63  }
0xae: {  	_ =	swait.ge [sflag:s4], $0x2000  }
0xaf: {  	[sflag:s4] =	ssyncset.done $0x0  }
0xb0: {  	[sflag:s4] =	ssyncadd.s32 $0xFFFFE000  }
0xb1: {  	_ =	swait.ge [sflag:s11], $0x200  }
0xb2: {  	s25 =	sld [smem:$0x7D1]  }
0xb3: {  	[sflag:s11] =	ssyncset.done $0x0  }
0xb4: {  	[sflag:s11] =	ssyncadd.s32 $0xFFFFFE00  }
0xb5: {  	[tilespmem:s8], [sflag:$0x2] =	stream.indirect.gather [hbm4b:s25+s2], $0x10, s24, s2, $0xb8;
	[tilespmem:$0x7400] =	vst v63  }
0xb6: {  	_ =	swait.ge [sflag:s7], $0x2000  }
0xb7: {  	s31 =	sld [smem:$0x7D2]  }
0xb8: {  	[sflag:s7] =	ssyncset.done $0x0  }
0xb9: {  	[sflag:s7] =	ssyncadd.s32 $0xFFFFE000  }
0xba: {  	[hbm4b:s31+s5] =	stream.strided.scatter [tilespmem:s3], [sflag:$0x4], $0x2000, s6, s5, $0x38;
	[tilespmem:$0x7400] =	vst v63  }
0xbb: {  	_ =	swait.ge [sflag:s4], $0x2000  }
0xbc: {  	[sflag:s4] =	ssyncset.done $0x0  }
0xbd: {  	[sflag:s4] =	ssyncadd.s32 $0xFFFFE000  }
0xbe: {  	_ =	swait.ge [sflag:s11], $0x200  }
0xbf: {  	s24 =	sld [smem:$0x7D3]  }
0xc0: {  	[sflag:s11] =	ssyncset.done $0x0  }
0xc1: {  	[sflag:s11] =	ssyncadd.s32 $0xFFFFFE00  }
0xc2: {  	[tilespmem:s3], [sflag:$0x3] =	stream.indirect.gather [hbm4b:s24+s2], $0x10, s14, s2, $0xb8;
	[tilespmem:$0x7400] =	vst v63  }
0xc3: {  	_ =	swait.ge [sflag:s10], $0x2000  }
0xc4: {  	s25 =	sld [smem:$0x7D4]  }
0xc5: {  	[sflag:s10] =	ssyncset.done $0x0  }
0xc6: {  	[sflag:s10] =	ssyncadd.s32 $0xFFFFE000  }
0xc7: {  	[hbm4b:s25+s5] =	stream.strided.scatter [tilespmem:s8], [sflag:$0x4], $0x2000, s6, s5, $0x38;
	[tilespmem:$0x7400] =	vst v63  }
0xc8: {  	_ =	swait.ge [sflag:s4], $0x2000  }
0xc9: {  	[sflag:s4] =	ssyncset.done $0x0  }
0xca: {  	[sflag:s4] =	ssyncadd.s32 $0xFFFFE000  }
0xcb: {  	_ =	swait.ge [sflag:s11], $0x200  }
0xcc: {  	s31 =	sld [smem:$0x7D5]  }
0xcd: {  	[sflag:s11] =	ssyncset.done $0x0  }
0xce: {  	[sflag:s11] =	ssyncadd.s32 $0xFFFFFE00  }
0xcf: {  	[tilespmem:s8], [sflag:$0x2] =	stream.indirect.gather [hbm4b:s31+s2], $0x10, s23, s2, $0xb8;
	[tilespmem:$0x7400] =	vst v63  }
0xd0: {  	_ =	swait.ge [sflag:s7], $0x2000  }
0xd1: {  	s14 =	sld [smem:$0x7D6]  }
0xd2: {  	[sflag:s7] =	ssyncset.done $0x0  }
0xd3: {  	[sflag:s7] =	ssyncadd.s32 $0xFFFFE000  }
0xd4: {  	[hbm4b:s14+s5] =	stream.strided.scatter [tilespmem:s3], [sflag:$0x4], $0x2000, s6, s5, $0x38;
	[tilespmem:$0x7400] =	vst v63  }
0xd5: {  	_ =	swait.ge [sflag:s4], $0x2000  }
0xd6: {  	[sflag:s4] =	ssyncset.done $0x0  }
0xd7: {  	[sflag:s4] =	ssyncadd.s32 $0xFFFFE000  }
0xd8: {  	_ =	swait.ge [sflag:s11], $0x200  }
0xd9: {  	s23 =	sld [smem:$0x7D7]  }
0xda: {  	[sflag:s11] =	ssyncset.done $0x0  }
0xdb: {  	[sflag:s11] =	ssyncadd.s32 $0xFFFFFE00  }
0xdc: {  	[tilespmem:s3], [sflag:$0x3] =	stream.indirect.gather [hbm4b:s23+s2], $0x10, s9, s2, $0xb8;
	[tilespmem:$0x7400] =	vst v63  }
0xdd: {  	_ =	swait.ge [sflag:s10], $0x2000  }
0xde: {  	s24 =	sld [smem:$0x7D8]  }
0xdf: {  	[sflag:s10] =	ssyncset.done $0x0  }
0xe0: {  	[sflag:s10] =	ssyncadd.s32 $0xFFFFE000  }
0xe1: {  	[hbm4b:s24+s5] =	stream.strided.scatter [tilespmem:s8], [sflag:$0x4], $0x2000, s6, s5, $0x38;
	[tilespmem:$0x7400] =	vst v63  }
0xe2: {  	_ =	swait.ge [sflag:s4], $0x2000  }
0xe3: {  	[sflag:s4] =	ssyncset.done $0x0  }
0xe4: {  	[sflag:s4] =	ssyncadd.s32 $0xFFFFE000  }
0xe5: {  	_ =	swait.ge [sflag:s11], $0x200  }
0xe6: {  	s25 =	sld [smem:$0x7D9]  }
0xe7: {  	[sflag:s11] =	ssyncset.done $0x0  }
0xe8: {  	[sflag:s11] =	ssyncadd.s32 $0xFFFFFE00  }
0xe9: {  	[tilespmem:s8], [sflag:$0x2] =	stream.indirect.gather [hbm4b:s25+s2], $0x10, s0, s2, $0xb8;
	[tilespmem:$0x7400] =	vst v63  }
0xea: {  	_ =	swait.ge [sflag:s7], $0x2000  }
0xeb: {  	s31 =	sld [smem:$0x7DA]  }
0xec: {  	[sflag:s7] =	ssyncset.done $0x0  }
0xed: {  	[sflag:s7] =	ssyncadd.s32 $0xFFFFE000  }
0xee: {  	[hbm4b:s31+s5] =	stream.strided.scatter [tilespmem:s3], [sflag:$0x4], $0x2000, s6, s5, $0x38;
	[tilespmem:$0x7400] =	vst v63  }
0xef: {  	_ =	swait.ge [sflag:s4], $0x2000  }
0xf0: {  	[sflag:s4] =	ssyncset.done $0x0  }
0xf1: {  	[sflag:s4] =	ssyncadd.s32 $0xFFFFE000  }
0xf2: {  	_ =	swait.ge [sflag:s11], $0x200  }
0xf3: {  	s0 =	sld [smem:$0x7DB]  }
0xf4: {  	[sflag:s11] =	ssyncset.done $0x0  }
0xf5: {  	[sflag:s11] =	ssyncadd.s32 $0xFFFFFE00  }
0xf6: {  	[tilespmem:s3], [sflag:$0x3] =	stream.indirect.gather [hbm4b:s0+s2], $0x10, s1, s2, $0xb8;
	[tilespmem:$0x7400] =	vst v63  }
0xf7: {  	_ =	swait.ge [sflag:s10], $0x2000  }
0xf8: {  	s1 =	sld [smem:$0x7DC]  }
0xf9: {  	[sflag:s10] =	ssyncset.done $0x0  }
0xfa: {  	[sflag:s10] =	ssyncadd.s32 $0xFFFFE000  }
0xfb: {  	[hbm4b:s1+s5] =	stream.strided.scatter [tilespmem:s8], [sflag:$0x4], $0x2000, s6, s5, $0x38;
	[tilespmem:$0x7400] =	vst v63  }
0xfc: {  	_ =	swait.ge [sflag:s4], $0x2000  }
0xfd: {  	[sflag:s4] =	ssyncset.done $0x0  }
0xfe: {  	[sflag:s4] =	ssyncadd.s32 $0xFFFFE000  }
0xff: {  	_ =	swait.ge [sflag:s11], $0x200  }
0x100: {  	s9 =	sld [smem:$0x7DD]  }
0x101: {  	[sflag:s11] =	ssyncset.done $0x0  }
0x102: {  	[sflag:s11] =	ssyncadd.s32 $0xFFFFFE00  }
0x103: {  	[tilespmem:s8], [sflag:$0x2] =	stream.indirect.gather [hbm4b:s9+s2], $0x10, s13, s2, $0xb8;
	[tilespmem:$0x7400] =	vst v63  }
0x104: {  	_ =	swait.ge [sflag:s7], $0x2000  }
0x105: {  	s14 =	sld [smem:$0x7DE]  }
0x106: {  	[sflag:s7] =	ssyncset.done $0x0  }
0x107: {  	[sflag:s7] =	ssyncadd.s32 $0xFFFFE000  }
0x108: {  	[hbm4b:s14+s5] =	stream.strided.scatter [tilespmem:s3], [sflag:$0x4], $0x2000, s6, s5, $0x38;
	[tilespmem:$0x7400] =	vst v63  }
0x109: {  	_ =	swait.ge [sflag:s4], $0x2000  }
0x10a: {  	[sflag:s4] =	ssyncset.done $0x0  }
0x10b: {  	[sflag:s4] =	ssyncadd.s32 $0xFFFFE000  }
0x10c: {  	_ =	swait.ge [sflag:s11], $0x200  }
0x10d: {  	s23 =	sld [smem:$0x7DF]  }
0x10e: {  	[sflag:s11] =	ssyncset.done $0x0  }
0x10f: {  	[sflag:s11] =	ssyncadd.s32 $0xFFFFFE00  }
0x110: {  	[tilespmem:s3], [sflag:$0x3] =	stream.indirect.gather [hbm4b:s23+s2], $0x10, s28, s2, $0xb8;
	[tilespmem:$0x7400] =	vst v63  }
0x111: {  	_ =	swait.ge [sflag:s10], $0x2000  }
0x112: {  	s24 =	sld [smem:$0x7E0]  }
0x113: {  	[sflag:s10] =	ssyncset.done $0x0  }
0x114: {  	[sflag:s10] =	ssyncadd.s32 $0xFFFFE000  }
0x115: {  	[hbm4b:s24+s5] =	stream.strided.scatter [tilespmem:s8], [sflag:$0x4], $0x2000, s6, s5, $0x38;
	[tilespmem:$0x7400] =	vst v63  }
0x116: {  	_ =	swait.ge [sflag:s4], $0x2000  }
0x117: {  	[sflag:s4] =	ssyncset.done $0x0  }
0x118: {  	[sflag:s4] =	ssyncadd.s32 $0xFFFFE000  }
0x119: {  	_ =	swait.ge [sflag:s11], $0x200  }
0x11a: {  	s25 =	sld [smem:$0x7E1]  }
0x11b: {  	[sflag:s11] =	ssyncset.done $0x0  }
0x11c: {  	[sflag:s11] =	ssyncadd.s32 $0xFFFFFE00  }
0x11d: {  	[tilespmem:s8], [sflag:$0x2] =	stream.indirect.gather [hbm4b:s25+s2], $0x10, s26, s2, $0xb8;
	[tilespmem:$0x7400] =	vst v63  }
0x11e: {  	_ =	swait.ge [sflag:s7], $0x2000  }
0x11f: {  	s26 =	sld [smem:$0x7E2]  }
0x120: {  	[sflag:s7] =	ssyncset.done $0x0  }
0x121: {  	[sflag:s7] =	ssyncadd.s32 $0xFFFFE000  }
0x122: {  	[hbm4b:s26+s5] =	stream.strided.scatter [tilespmem:s3], [sflag:$0x4], $0x2000, s6, s5, $0x38;
	[tilespmem:$0x7400] =	vst v63  }
0x123: {  	_ =	swait.ge [sflag:s4], $0x2000  }
0x124: {  	[sflag:s4] =	ssyncset.done $0x0  }
0x125: {  	[sflag:s4] =	ssyncadd.s32 $0xFFFFE000  }
0x126: {  	_ =	swait.ge [sflag:s11], $0x200  }
0x127: {  	s28 =	sld [smem:$0x7E3]  }
0x128: {  	[sflag:s11] =	ssyncset.done $0x0  }
0x129: {  	[sflag:s11] =	ssyncadd.s32 $0xFFFFFE00  }
0x12a: {  	[tilespmem:s3], [sflag:$0x3] =	stream.indirect.gather [hbm4b:s28+s2], $0x10, s29, s2, $0xb8;
	[tilespmem:$0x7400] =	vst v63  }
0x12b: {  	_ =	swait.ge [sflag:s10], $0x2000  }
0x12c: {  	s29 =	sld [smem:$0x7E4]  }
0x12d: {  	[sflag:s10] =	ssyncset.done $0x0  }
0x12e: {  	[sflag:s10] =	ssyncadd.s32 $0xFFFFE000  }
0x12f: {  	[hbm4b:s29+s5] =	stream.strided.scatter [tilespmem:s8], [sflag:$0x4], $0x2000, s6, s5, $0x38;
	[tilespmem:$0x7400] =	vst v63  }
0x130: {  	_ =	swait.ge [sflag:s4], $0x2000  }
0x131: {  	[sflag:s4] =	ssyncset.done $0x0  }
0x132: {  	[sflag:s4] =	ssyncadd.s32 $0xFFFFE000  }
0x133: {  	_ =	swait.ge [sflag:s11], $0x200  }
0x134: {  	s31 =	sld [smem:$0x7E5]  }
0x135: {  	[sflag:s11] =	ssyncset.done $0x0  }
0x136: {  	[sflag:s11] =	ssyncadd.s32 $0xFFFFFE00  }
0x137: {  	[tilespmem:s8], [sflag:$0x2] =	stream.indirect.gather [hbm4b:s31+s2], $0x10, s30, s2, $0xb8;
	[tilespmem:$0x7400] =	vst v63  }
0x138: {  	_ =	swait.ge [sflag:s7], $0x2000  }
0x139: {  	s0 =	sld [smem:$0x7E6]  }
0x13a: {  	[sflag:s7] =	ssyncset.done $0x0  }
0x13b: {  	[sflag:s7] =	ssyncadd.s32 $0xFFFFE000  }
0x13c: {  	[hbm4b:s0+s5] =	stream.strided.scatter [tilespmem:s3], [sflag:$0x4], $0x2000, s6, s5, $0x38;
	[tilespmem:$0x7400] =	vst v63  }
0x13d: {  	_ =	swait.ge [sflag:s4], $0x2000  }
0x13e: {  	[sflag:s4] =	ssyncset.done $0x0  }
0x13f: {  	[sflag:s4] =	ssyncadd.s32 $0xFFFFE000  }
0x140: {  	_ =	swait.ge [sflag:s11], $0x200  }
0x141: {  	s1 =	sld [smem:$0x7E7]  }
0x142: {  	[sflag:s11] =	ssyncset.done $0x0  }
0x143: {  	[sflag:s11] =	ssyncadd.s32 $0xFFFFFE00  }
0x144: {  	[tilespmem:s3], [sflag:$0x3] =	stream.indirect.gather [hbm4b:s1+s2], $0x10, s20, s2, $0xb8;
	[tilespmem:$0x7400] =	vst v63  }
0x145: {  	_ =	swait.ge [sflag:s10], $0x2000  }
0x146: {  	s9 =	sld [smem:$0x7E8]  }
0x147: {  	[sflag:s10] =	ssyncset.done $0x0  }
0x148: {  	[sflag:s10] =	ssyncadd.s32 $0xFFFFE000  }
0x149: {  	[hbm4b:s9+s5] =	stream.strided.scatter [tilespmem:s8], [sflag:$0x4], $0x2000, s6, s5, $0x38;
	[tilespmem:$0x7400] =	vst v63  }
0x14a: {  	_ =	swait.ge [sflag:s4], $0x2000  }
0x14b: {  	[sflag:s4] =	ssyncset.done $0x0  }
0x14c: {  	[sflag:s4] =	ssyncadd.s32 $0xFFFFE000  }
0x14d: {  	_ =	swait.ge [sflag:s11], $0x200  }
0x14e: {  	s13 =	sld [smem:$0x7E9]  }
0x14f: {  	[sflag:s11] =	ssyncset.done $0x0  }
0x150: {  	[sflag:s11] =	ssyncadd.s32 $0xFFFFFE00  }
0x151: {  	[tilespmem:s8], [sflag:$0x2] =	stream.indirect.gather [hbm4b:s13+s2], $0x10, s21, s2, $0xb8;
	[tilespmem:$0x7400] =	vst v63  }
0x152: {  	_ =	swait.ge [sflag:s7], $0x2000  }
0x153: {  	s14 =	sld [smem:$0x7EA]  }
0x154: {  	[sflag:s7] =	ssyncset.done $0x0  }
0x155: {  	[sflag:s7] =	ssyncadd.s32 $0xFFFFE000  }
0x156: {  	[hbm4b:s14+s5] =	stream.strided.scatter [tilespmem:s3], [sflag:$0x4], $0x2000, s6, s5, $0x38;
	[tilespmem:$0x7400] =	vst v63  }
0x157: {  	_ =	swait.ge [sflag:s4], $0x2000  }
0x158: {  	[sflag:s4] =	ssyncset.done $0x0  }
0x159: {  	[sflag:s4] =	ssyncadd.s32 $0xFFFFE000  }
0x15a: {  	_ =	swait.ge [sflag:s11], $0x200  }
0x15b: {  	s20 =	sld [smem:$0x7EB]  }
0x15c: {  	[sflag:s11] =	ssyncset.done $0x0  }
0x15d: {  	[sflag:s11] =	ssyncadd.s32 $0xFFFFFE00  }
0x15e: {  	[tilespmem:s3], [sflag:$0x3] =	stream.indirect.gather [hbm4b:s20+s2], $0x10, s19, s2, $0xb8;
	[tilespmem:$0x7400] =	vst v63  }
0x15f: {  	_ =	swait.ge [sflag:s10], $0x2000  }
0x160: {  	s21 =	sld [smem:$0x7EC]  }
0x161: {  	[sflag:s10] =	ssyncset.done $0x0  }
0x162: {  	[sflag:s10] =	ssyncadd.s32 $0xFFFFE000  }
0x163: {  	[hbm4b:s21+s5] =	stream.strided.scatter [tilespmem:s8], [sflag:$0x4], $0x2000, s6, s5, $0x38;
	[tilespmem:$0x7400] =	vst v63  }
0x164: {  	_ =	swait.ge [sflag:s4], $0x2000  }
0x165: {  	[sflag:s4] =	ssyncset.done $0x0  }
0x166: {  	[sflag:s4] =	ssyncadd.s32 $0xFFFFE000  }
0x167: {  	_ =	swait.ge [sflag:s11], $0x200  }
0x168: {  	s23 =	sld [smem:$0x7ED]  }
0x169: {  	[sflag:s11] =	ssyncset.done $0x0  }
0x16a: {  	s24 =	simm.s32 $0x2400;
	[sflag:s11] =	ssyncadd.s32 $0xFFFFFE00  }
0x16b: {  	[tilespmem:s8], [sflag:$0x2] =	stream.indirect.gather [hbm4b:s23+s2], $0x10, s24, s2, $0xb8;
	[tilespmem:$0x7400] =	vst v63  }
0x16c: {  	_ =	swait.ge [sflag:s7], $0x2000  }
0x16d: {  	s25 =	sld [smem:$0x7EE]  }
0x16e: {  	[sflag:s7] =	ssyncset.done $0x0  }
0x16f: {  	[sflag:s7] =	ssyncadd.s32 $0xFFFFE000  }
0x170: {  	[hbm4b:s25+s5] =	stream.strided.scatter [tilespmem:s3], [sflag:$0x4], $0x2000, s6, s5, $0x38;
	[tilespmem:$0x7400] =	vst v63  }
0x171: {  	_ =	swait.ge [sflag:s4], $0x2000  }
0x172: {  	[sflag:s4] =	ssyncset.done $0x0  }
0x173: {  	[sflag:s4] =	ssyncadd.s32 $0xFFFFE000  }
0x174: {  	_ =	swait.ge [sflag:s11], $0x200  }
0x175: {  	s26 =	sld [smem:$0x7EF]  }
0x176: {  	[sflag:s11] =	ssyncset.done $0x0  }
0x177: {  	s28 =	simm.s32 $0x2600;
	[sflag:s11] =	ssyncadd.s32 $0xFFFFFE00  }
0x178: {  	[tilespmem:s3], [sflag:$0x3] =	stream.indirect.gather [hbm4b:s26+s2], $0x10, s28, s2, $0xb8;
	[tilespmem:$0x7400] =	vst v63  }
0x179: {  	_ =	swait.ge [sflag:s10], $0x2000  }
0x17a: {  	s29 =	sld [smem:$0x7F0]  }
0x17b: {  	[sflag:s10] =	ssyncset.done $0x0  }
0x17c: {  	[sflag:s10] =	ssyncadd.s32 $0xFFFFE000  }
0x17d: {  	[hbm4b:s29+s5] =	stream.strided.scatter [tilespmem:s8], [sflag:$0x4], $0x2000, s6, s5, $0x38;
	[tilespmem:$0x7400] =	vst v63  }
0x17e: {  	_ =	swait.ge [sflag:s4], $0x2000  }
0x17f: {  	[sflag:s4] =	ssyncset.done $0x0  }
0x180: {  	[sflag:s4] =	ssyncadd.s32 $0xFFFFE000  }
0x181: {  	_ =	swait.ge [sflag:s11], $0x200  }
0x182: {  	s30 =	sld [smem:$0x7F1]  }
0x183: {  	[sflag:s11] =	ssyncset.done $0x0  }
0x184: {  	s31 =	simm.s32 $0x2800;
	[sflag:s11] =	ssyncadd.s32 $0xFFFFFE00  }
0x185: {  	[tilespmem:s8], [sflag:$0x2] =	stream.indirect.gather [hbm4b:s30+s2], $0x10, s31, s2, $0xb8;
	[tilespmem:$0x7400] =	vst v63  }
0x186: {  	_ =	swait.ge [sflag:s7], $0x2000  }
0x187: {  	s1 =	sld [smem:$0x7F2]  }
0x188: {  	[sflag:s7] =	ssyncset.done $0x0  }
0x189: {  	[sflag:s7] =	ssyncadd.s32 $0xFFFFE000  }
0x18a: {  	[hbm4b:s1+s5] =	stream.strided.scatter [tilespmem:s3], [sflag:$0x4], $0x2000, s6, s5, $0x38;
	[tilespmem:$0x7400] =	vst v63  }
0x18b: {  	_ =	swait.ge [sflag:s4], $0x2000  }
0x18c: {  	[sflag:s4] =	ssyncset.done $0x0  }
0x18d: {  	[sflag:s4] =	ssyncadd.s32 $0xFFFFE000  }
0x18e: {  	_ =	swait.ge [sflag:s11], $0x200  }
0x18f: {  	s9 =	sld [smem:$0x7F3]  }
0x190: {  	[sflag:s11] =	ssyncset.done $0x0  }
0x191: {  	s13 =	simm.s32 $0x2A00;
	[sflag:s11] =	ssyncadd.s32 $0xFFFFFE00  }
0x192: {  	[tilespmem:s3], [sflag:$0x3] =	stream.indirect.gather [hbm4b:s9+s2], $0x10, s13, s2, $0xb8;
	[tilespmem:$0x7400] =	vst v63  }
0x193: {  	_ =	swait.ge [sflag:s10], $0x2000  }
0x194: {  	s14 =	sld [smem:$0x7F4]  }
0x195: {  	[sflag:s10] =	ssyncset.done $0x0  }
0x196: {  	[sflag:s10] =	ssyncadd.s32 $0xFFFFE000  }
0x197: {  	[hbm4b:s14+s5] =	stream.strided.scatter [tilespmem:s8], [sflag:$0x4], $0x2000, s6, s5, $0x38;
	[tilespmem:$0x7400] =	vst v63  }
0x198: {  	_ =	swait.ge [sflag:s4], $0x2000  }
0x199: {  	[sflag:s4] =	ssyncset.done $0x0  }
0x19a: {  	[sflag:s4] =	ssyncadd.s32 $0xFFFFE000  }
0x19b: {  	_ =	swait.ge [sflag:s11], $0x200  }
0x19c: {  	s19 =	sld [smem:$0x7F5]  }
0x19d: {  	[sflag:s11] =	ssyncset.done $0x0  }
0x19e: {  	s20 =	simm.s32 $0x2C00;
	[sflag:s11] =	ssyncadd.s32 $0xFFFFFE00  }
0x19f: {  	[tilespmem:s8], [sflag:$0x2] =	stream.indirect.gather [hbm4b:s19+s2], $0x10, s20, s2, $0xb8;
	[tilespmem:$0x7400] =	vst v63  }
0x1a0: {  	_ =	swait.ge [sflag:s7], $0x2000  }
0x1a1: {  	s21 =	sld [smem:$0x7F6]  }
0x1a2: {  	[sflag:s7] =	ssyncset.done $0x0  }
0x1a3: {  	[sflag:s7] =	ssyncadd.s32 $0xFFFFE000  }
0x1a4: {  	[hbm4b:s21+s5] =	stream.strided.scatter [tilespmem:s3], [sflag:$0x4], $0x2000, s6, s5, $0x38;
	[tilespmem:$0x7400] =	vst v63  }
0x1a5: {  	_ =	swait.ge [sflag:s4], $0x2000  }
0x1a6: {  	[sflag:s4] =	ssyncset.done $0x0  }
0x1a7: {  	[sflag:s4] =	ssyncadd.s32 $0xFFFFE000  }
0x1a8: {  	_ =	swait.ge [sflag:s11], $0x200  }
0x1a9: {  	s23 =	sld [smem:$0x7F7]  }
0x1aa: {  	[sflag:s11] =	ssyncset.done $0x0  }
0x1ab: {  	s24 =	simm.s32 $0x2E00;
	[sflag:s11] =	ssyncadd.s32 $0xFFFFFE00  }
0x1ac: {  	[tilespmem:s3], [sflag:$0x3] =	stream.indirect.gather [hbm4b:s23+s2], $0x10, s24, s2, $0xb8;
	[tilespmem:$0x7400] =	vst v63  }
0x1ad: {  	_ =	swait.ge [sflag:s10], $0x2000  }
0x1ae: {  	s25 =	sld [smem:$0x7F8]  }
0x1af: {  	[sflag:s10] =	ssyncset.done $0x0  }
0x1b0: {  	[sflag:s10] =	ssyncadd.s32 $0xFFFFE000  }
0x1b1: {  	[hbm4b:s25+s5] =	stream.strided.scatter [tilespmem:s8], [sflag:$0x4], $0x2000, s6, s5, $0x38;
	[tilespmem:$0x7400] =	vst v63  }
0x1b2: {  	_ =	swait.ge [sflag:s4], $0x2000  }
0x1b3: {  	[sflag:s4] =	ssyncset.done $0x0  }
0x1b4: {  	[sflag:s4] =	ssyncadd.s32 $0xFFFFE000  }
0x1b5: {  	_ =	swait.ge [sflag:s11], $0x200  }
0x1b6: {  	s26 =	sld [smem:$0x7F9]  }
0x1b7: {  	[sflag:s11] =	ssyncset.done $0x0  }
0x1b8: {  	s18 =	simm.s32 $0x3000;
	[sflag:s11] =	ssyncadd.s32 $0xFFFFFE00  }
0x1b9: {  	[tilespmem:s8], [sflag:$0x2] =	stream.indirect.gather [hbm4b:s26+s2], $0x10, s18, s2, $0xb8;
	[tilespmem:$0x7400] =	vst v63  }
0x1ba: {  	_ =	swait.ge [sflag:s7], $0x2000  }
0x1bb: {  	s28 =	sld [smem:$0x7FA]  }
0x1bc: {  	[sflag:s7] =	ssyncset.done $0x0  }
0x1bd: {  	[sflag:s7] =	ssyncadd.s32 $0xFFFFE000  }
0x1be: {  	[hbm4b:s28+s5] =	stream.strided.scatter [tilespmem:s3], [sflag:$0x4], $0x2000, s6, s5, $0x38;
	[tilespmem:$0x7400] =	vst v63  }
0x1bf: {  	_ =	swait.ge [sflag:s4], $0x2000  }
0x1c0: {  	[sflag:s4] =	ssyncset.done $0x0  }
0x1c1: {  	[sflag:s4] =	ssyncadd.s32 $0xFFFFE000  }
0x1c2: {  	_ =	swait.ge [sflag:s11], $0x200  }
0x1c3: {  	s29 =	sld [smem:$0x7FB]  }
0x1c4: {  	[sflag:s11] =	ssyncset.done $0x0  }
0x1c5: {  	[sflag:s11] =	ssyncadd.s32 $0xFFFFFE00  }
0x1c6: {  	[tilespmem:s3], [sflag:$0x3] =	stream.indirect.gather [hbm4b:s29+s2], $0x10, s16, s2, $0xb8;
	[tilespmem:$0x7400] =	vst v63  }
0x1c7: {  	_ =	swait.ge [sflag:s10], $0x2000  }
0x1c8: {  	s30 =	sld [smem:$0x7FC]  }
0x1c9: {  	[sflag:s10] =	ssyncset.done $0x0  }
0x1ca: {  	[sflag:s10] =	ssyncadd.s32 $0xFFFFE000  }
0x1cb: {  	[hbm4b:s30+s5] =	stream.strided.scatter [tilespmem:s8], [sflag:$0x4], $0x2000, s6, s5, $0x38;
	[tilespmem:$0x7400] =	vst v63  }
0x1cc: {  	_ =	swait.ge [sflag:s4], $0x2000  }
0x1cd: {  	[sflag:s4] =	ssyncset.done $0x0  }
0x1ce: {  	[sflag:s4] =	ssyncadd.s32 $0xFFFFE000  }
0x1cf: {  	_ =	swait.ge [sflag:s7], $0x2000  }
0x1d0: {  	p1 =	sne.s32 s12, $0x1;
	s31 =	sld [smem:$0x7FD]  }
.Ltmp1:
0x1d1: {  	[sflag:s7] =	ssyncset.done $0x0;
	(pc) =	sbr.rel @!p1 .LBB2_7-.Ltmp1, $4  }
0x1d2: {  	[sflag:s7] =	ssyncadd.s32 $0xFFFFE000  }
0x1d3: {  	[hbm4b:s31+s5] =	stream.strided.scatter [tilespmem:s3], [sflag:$0x4], $0x2000, s6, s5, $0x38;
	[tilespmem:$0x7400] =	vst v63  }
0x1d4: {  	p0 =	por $0x1, $0x1;
	_ =	swait.ge [sflag:s4], $0x2000  }
0x1d5: {  	s15 =	sadd.s32 $0xFFFFFFFF, s12;
	s16 =	rddreg [dreg:$0x4];
	[sflag:s4] =	ssyncset.done $0x0  }
0x1d6: {  	s12 =	simm.s32 $0x400;
	s24 =	simm.s32 $0x600;
	s23 =	simm.s32 $0x800  }
0x1d7: {  	s9 =	simm.s32 $0xA00;
	s26 =	simm.s32 $0xE00;
	s25 =	simm.s32 $0x1000  }
0x1d8: {  	s1 =	simm.s32 $0x1200;
	s14 =	simm.s32 $0x1400;
	s29 =	simm.s32 $0x1600  }
0x1d9: {  	s28 =	simm.s32 $0x1800;
	s30 =	simm.s32 $0x1A00;
	s31 =	simm.s32 $0x1C00  }
0x1da: {  	s20 =	simm.s32 $0x1E00;
	s21 =	simm.s32 $0x2000;
	s19 =	simm.s32 $0x2200  }
.LBB2_4:
0x1db: {  	[sflag:s4] =	ssyncadd.s32 $0xFFFFE000  }
0x1dc: {  	[tilespmem:s22], [sflag:$0x1] =	stream.linear.gather [hbm4b:s16+s22], $0x200, $0x38;
	[tilespmem:$0x7400] =	vst v63  }
0x1dd: {  	s0 =	rddreg [dreg:$0x5]  }
0x1de: {  	[tilespmem:s2], [sflag:$0x1] =	stream.linear.gather [hbm4b:s0+s22], $0x200, $0x38;
	[tilespmem:$0x7400] =	vst v63  }
0x1df: {  	s18 =	rddreg [dreg:$0x6]  }
0x1e0: {  	[tilespmem:s12], [sflag:$0x1] =	stream.linear.gather [hbm4b:s18+s22], $0x200, $0x38;
	[tilespmem:$0x7400] =	vst v63  }
0x1e1: {  	s0 =	rddreg [dreg:$0x7]  }
0x1e2: {  	[tilespmem:s24], [sflag:$0x1] =	stream.linear.gather [hbm4b:s0+s22], $0x200, $0x38;
	[tilespmem:$0x7400] =	vst v63  }
0x1e3: {  	s18 =	rddreg [dreg:$0x8]  }
0x1e4: {  	[tilespmem:s23], [sflag:$0x1] =	stream.linear.gather [hbm4b:s18+s22], $0x200, $0x38;
	[tilespmem:$0x7400] =	vst v63  }
0x1e5: {  	s0 =	rddreg [dreg:$0x9]  }
0x1e6: {  	[tilespmem:s9], [sflag:$0x1] =	stream.linear.gather [hbm4b:s0+s22], $0x200, $0x38;
	[tilespmem:$0x7400] =	vst v63  }
0x1e7: {  	s16 =	rddreg [dreg:$0xa];
	s0 =	simm.s32 $0xC00  }
0x1e8: {  	[tilespmem:s0], [sflag:$0x1] =	stream.linear.gather [hbm4b:s16+s22], $0x200, $0x38;
	[tilespmem:$0x7400] =	vst v63  }
0x1e9: {  	s18 =	rddreg [dreg:$0xb]  }
0x1ea: {  	[tilespmem:s26], [sflag:$0x1] =	stream.linear.gather [hbm4b:s18+s22], $0x200, $0x38;
	[tilespmem:$0x7400] =	vst v63  }
0x1eb: {  	s16 =	rddreg [dreg:$0xc]  }
0x1ec: {  	[tilespmem:s25], [sflag:$0x1] =	stream.linear.gather [hbm4b:s16+s22], $0x200, $0x38;
	[tilespmem:$0x7400] =	vst v63  }
0x1ed: {  	s18 =	rddreg [dreg:$0xd]  }
0x1ee: {  	[tilespmem:s1], [sflag:$0x1] =	stream.linear.gather [hbm4b:s18+s22], $0x200, $0x38;
	[tilespmem:$0x7400] =	vst v63  }
0x1ef: {  	s16 =	rddreg [dreg:$0xe]  }
0x1f0: {  	[tilespmem:s14], [sflag:$0x1] =	stream.linear.gather [hbm4b:s16+s22], $0x200, $0x38;
	[tilespmem:$0x7400] =	vst v63  }
0x1f1: {  	s18 =	rddreg [dreg:$0xf]  }
0x1f2: {  	[tilespmem:s29], [sflag:$0x1] =	stream.linear.gather [hbm4b:s18+s22], $0x200, $0x38;
	[tilespmem:$0x7400] =	vst v63  }
0x1f3: {  	s16 =	rddreg [dreg:$0x10]  }
0x1f4: {  	[tilespmem:s28], [sflag:$0x1] =	stream.linear.gather [hbm4b:s16+s22], $0x200, $0x38;
	[tilespmem:$0x7400] =	vst v63  }
0x1f5: {  	s18 =	rddreg [dreg:$0x11]  }
0x1f6: {  	[tilespmem:s30], [sflag:$0x1] =	stream.linear.gather [hbm4b:s18+s22], $0x200, $0x38;
	[tilespmem:$0x7400] =	vst v63  }
0x1f7: {  	s16 =	rddreg [dreg:$0x12]  }
0x1f8: {  	[tilespmem:s31], [sflag:$0x1] =	stream.linear.gather [hbm4b:s16+s22], $0x200, $0x38;
	[tilespmem:$0x7400] =	vst v63  }
0x1f9: {  	s18 =	rddreg [dreg:$0x13]  }
0x1fa: {  	[tilespmem:s20], [sflag:$0x1] =	stream.linear.gather [hbm4b:s18+s22], $0x200, $0x38;
	[tilespmem:$0x7400] =	vst v63  }
0x1fb: {  	s16 =	rddreg [dreg:$0x14]  }
0x1fc: {  	[tilespmem:s21], [sflag:$0x1] =	stream.linear.gather [hbm4b:s16+s22], $0x200, $0x38;
	[tilespmem:$0x7400] =	vst v63  }
0x1fd: {  	s18 =	rddreg [dreg:$0x15]  }
0x1fe: {  	[tilespmem:s19], [sflag:$0x1] =	stream.linear.gather [hbm4b:s18+s22], $0x200, $0x38;
	[tilespmem:$0x7400] =	vst v63  }
0x1ff: {  	s16 =	rddreg [dreg:$0x16];
	s18 =	simm.s32 $0x2400  }
0x200: {  	[tilespmem:s18], [sflag:$0x1] =	stream.linear.gather [hbm4b:s16+s22], $0x200, $0x38;
	[tilespmem:$0x7400] =	vst v63  }
0x201: {  	s13 =	smov.u32 s17;
	s17 =	rddreg [dreg:$0x17];
	s18 =	simm.s32 $0x2600  }
0x202: {  	[tilespmem:s18], [sflag:$0x1] =	stream.linear.gather [hbm4b:s17+s22], $0x200, $0x38;
	[tilespmem:$0x7400] =	vst v63  }
0x203: {  	s16 =	rddreg [dreg:$0x18];
	s18 =	simm.s32 $0x2800  }
0x204: {  	[tilespmem:s18], [sflag:$0x1] =	stream.linear.gather [hbm4b:s16+s22], $0x200, $0x38;
	[tilespmem:$0x7400] =	vst v63  }
0x205: {  	s17 =	rddreg [dreg:$0x19];
	s18 =	simm.s32 $0x2A00  }
0x206: {  	[tilespmem:s18], [sflag:$0x1] =	stream.linear.gather [hbm4b:s17+s22], $0x200, $0x38;
	[tilespmem:$0x7400] =	vst v63  }
0x207: {  	s16 =	rddreg [dreg:$0x1a];
	s18 =	simm.s32 $0x2C00  }
0x208: {  	[tilespmem:s18], [sflag:$0x1] =	stream.linear.gather [hbm4b:s16+s22], $0x200, $0x38;
	[tilespmem:$0x7400] =	vst v63  }
0x209: {  	s17 =	rddreg [dreg:$0x1b];
	s18 =	simm.s32 $0x2E00  }
0x20a: {  	[tilespmem:s18], [sflag:$0x1] =	stream.linear.gather [hbm4b:s17+s22], $0x200, $0x38;
	[tilespmem:$0x7400] =	vst v63  }
0x20b: {  	s16 =	rddreg [dreg:$0x1c];
	s18 =	simm.s32 $0x3000  }
0x20c: {  	[tilespmem:s18], [sflag:$0x1] =	stream.linear.gather [hbm4b:s16+s22], $0x200, $0x38;
	[tilespmem:$0x7400] =	vst v63  }
0x20d: {  	s17 =	rddreg [dreg:$0x1d];
	s16 =	simm.s32 $0x3200  }
0x20e: {  	[tilespmem:s16], [sflag:$0x1] =	stream.linear.gather [hbm4b:s17+s22], $0x200, $0x38;
	[tilespmem:$0x7400] =	vst v63  }
0x20f: {  	_ =	swait.ge [sflag:s11], $0x200  }
0x210: {  	[sflag:s11] =	ssyncset.done $0x0  }
0x211: {  	s16 =	rddreg [dreg:$0x3];
	[sflag:s11] =	ssyncadd.s32 $0xFFFFFE00  }
0x212: {  	[tilespmem:s8], [sflag:$0x2] =	stream.indirect.gather [hbm4b:s16+s2], $0x10, s22, s2, $0xb8;
	[tilespmem:$0x7400] =	vst v63  }
0x213: {  	_ =	swait.ge [sflag:s11], $0x200  }
0x214: {  	[sflag:s11] =	ssyncset.done $0x0  }
0x215: {  	s16 =	rddreg [dreg:$0x1e];
	[sflag:s11] =	ssyncadd.s32 $0xFFFFFE00  }
0x216: {  	[tilespmem:s3], [sflag:$0x3] =	stream.indirect.gather [hbm4b:s16+s2], $0x10, s2, s2, $0xb8;
	[tilespmem:$0x7400] =	vst v63  }
0x217: {  	_ =	swait.ge [sflag:s10], $0x2000  }
0x218: {  	[sflag:s10] =	ssyncset.done $0x0  }
0x219: {  	[sflag:s10] =	ssyncadd.s32 $0xFFFFE000  }
0x21a: {  	[hbm4b:s13+s5] =	stream.strided.scatter [tilespmem:s8], [sflag:$0x4], $0x2000, s6, s5, $0x38;
	[tilespmem:$0x7400] =	vst v63  }
0x21b: {  	_ =	swait.ge [sflag:s4], $0x2000  }
0x21c: {  	[sflag:s4] =	ssyncset.done $0x0  }
0x21d: {  	[sflag:s4] =	ssyncadd.s32 $0xFFFFE000  }
0x21e: {  	_ =	swait.ge [sflag:s11], $0x200  }
0x21f: {  	[sflag:s11] =	ssyncset.done $0x0  }
0x220: {  	s16 =	rddreg [dreg:$0x1f];
	[sflag:s11] =	ssyncadd.s32 $0xFFFFFE00  }
0x221: {  	[tilespmem:s8], [sflag:$0x2] =	stream.indirect.gather [hbm4b:s16+s2], $0x10, s12, s2, $0xb8;
	[tilespmem:$0x7400] =	vst v63  }
0x222: {  	_ =	swait.ge [sflag:s7], $0x2000  }
0x223: {  	s16 =	sld [smem:$0x7CE]  }
0x224: {  	[sflag:s7] =	ssyncset.done $0x0  }
0x225: {  	[sflag:s7] =	ssyncadd.s32 $0xFFFFE000  }
0x226: {  	[hbm4b:s16+s5] =	stream.strided.scatter [tilespmem:s3], [sflag:$0x4], $0x2000, s6, s5, $0x38;
	[tilespmem:$0x7400] =	vst v63  }
0x227: {  	_ =	swait.ge [sflag:s4], $0x2000  }
0x228: {  	[sflag:s4] =	ssyncset.done $0x0  }
0x229: {  	[sflag:s4] =	ssyncadd.s32 $0xFFFFE000  }
0x22a: {  	_ =	swait.ge [sflag:s11], $0x200  }
0x22b: {  	s16 =	sld [smem:$0x7CF]  }
0x22c: {  	[sflag:s11] =	ssyncset.done $0x0  }
0x22d: {  	[sflag:s11] =	ssyncadd.s32 $0xFFFFFE00  }
0x22e: {  	[tilespmem:s3], [sflag:$0x3] =	stream.indirect.gather [hbm4b:s16+s2], $0x10, s24, s2, $0xb8;
	[tilespmem:$0x7400] =	vst v63  }
0x22f: {  	_ =	swait.ge [sflag:s10], $0x2000  }
0x230: {  	s16 =	sld [smem:$0x7D0]  }
0x231: {  	[sflag:s10] =	ssyncset.done $0x0  }
0x232: {  	[sflag:s10] =	ssyncadd.s32 $0xFFFFE000  }
0x233: {  	[hbm4b:s16+s5] =	stream.strided.scatter [tilespmem:s8], [sflag:$0x4], $0x2000, s6, s5, $0x38;
	[tilespmem:$0x7400] =	vst v63  }
0x234: {  	_ =	swait.ge [sflag:s4], $0x2000  }
0x235: {  	[sflag:s4] =	ssyncset.done $0x0  }
0x236: {  	[sflag:s4] =	ssyncadd.s32 $0xFFFFE000  }
0x237: {  	_ =	swait.ge [sflag:s11], $0x200  }
0x238: {  	s16 =	sld [smem:$0x7D1]  }
0x239: {  	[sflag:s11] =	ssyncset.done $0x0  }
0x23a: {  	[sflag:s11] =	ssyncadd.s32 $0xFFFFFE00  }
0x23b: {  	[tilespmem:s8], [sflag:$0x2] =	stream.indirect.gather [hbm4b:s16+s2], $0x10, s23, s2, $0xb8;
	[tilespmem:$0x7400] =	vst v63  }
0x23c: {  	_ =	swait.ge [sflag:s7], $0x2000  }
0x23d: {  	s16 =	sld [smem:$0x7D2]  }
0x23e: {  	[sflag:s7] =	ssyncset.done $0x0  }
0x23f: {  	[sflag:s7] =	ssyncadd.s32 $0xFFFFE000  }
0x240: {  	[hbm4b:s16+s5] =	stream.strided.scatter [tilespmem:s3], [sflag:$0x4], $0x2000, s6, s5, $0x38;
	[tilespmem:$0x7400] =	vst v63  }
0x241: {  	_ =	swait.ge [sflag:s4], $0x2000  }
0x242: {  	[sflag:s4] =	ssyncset.done $0x0  }
0x243: {  	[sflag:s4] =	ssyncadd.s32 $0xFFFFE000  }
0x244: {  	_ =	swait.ge [sflag:s11], $0x200  }
0x245: {  	s16 =	sld [smem:$0x7D3]  }
0x246: {  	[sflag:s11] =	ssyncset.done $0x0  }
0x247: {  	[sflag:s11] =	ssyncadd.s32 $0xFFFFFE00  }
0x248: {  	[tilespmem:s3], [sflag:$0x3] =	stream.indirect.gather [hbm4b:s16+s2], $0x10, s9, s2, $0xb8;
	[tilespmem:$0x7400] =	vst v63  }
0x249: {  	_ =	swait.ge [sflag:s10], $0x2000  }
0x24a: {  	s16 =	sld [smem:$0x7D4]  }
0x24b: {  	[sflag:s10] =	ssyncset.done $0x0  }
0x24c: {  	[sflag:s10] =	ssyncadd.s32 $0xFFFFE000  }
0x24d: {  	[hbm4b:s16+s5] =	stream.strided.scatter [tilespmem:s8], [sflag:$0x4], $0x2000, s6, s5, $0x38;
	[tilespmem:$0x7400] =	vst v63  }
0x24e: {  	_ =	swait.ge [sflag:s4], $0x2000  }
0x24f: {  	[sflag:s4] =	ssyncset.done $0x0  }
0x250: {  	[sflag:s4] =	ssyncadd.s32 $0xFFFFE000  }
0x251: {  	_ =	swait.ge [sflag:s11], $0x200  }
0x252: {  	s16 =	sld [smem:$0x7D5]  }
0x253: {  	[sflag:s11] =	ssyncset.done $0x0  }
0x254: {  	[sflag:s11] =	ssyncadd.s32 $0xFFFFFE00  }
0x255: {  	[tilespmem:s8], [sflag:$0x2] =	stream.indirect.gather [hbm4b:s16+s2], $0x10, s0, s2, $0xb8;
	[tilespmem:$0x7400] =	vst v63  }
0x256: {  	_ =	swait.ge [sflag:s7], $0x2000  }
0x257: {  	s0 =	sld [smem:$0x7D6]  }
0x258: {  	[sflag:s7] =	ssyncset.done $0x0  }
0x259: {  	[sflag:s7] =	ssyncadd.s32 $0xFFFFE000  }
0x25a: {  	[hbm4b:s0+s5] =	stream.strided.scatter [tilespmem:s3], [sflag:$0x4], $0x2000, s6, s5, $0x38;
	[tilespmem:$0x7400] =	vst v63  }
0x25b: {  	_ =	swait.ge [sflag:s4], $0x2000  }
0x25c: {  	[sflag:s4] =	ssyncset.done $0x0  }
0x25d: {  	[sflag:s4] =	ssyncadd.s32 $0xFFFFE000  }
0x25e: {  	_ =	swait.ge [sflag:s11], $0x200  }
0x25f: {  	s0 =	sld [smem:$0x7D7]  }
0x260: {  	[sflag:s11] =	ssyncset.done $0x0  }
0x261: {  	[sflag:s11] =	ssyncadd.s32 $0xFFFFFE00  }
0x262: {  	[tilespmem:s3], [sflag:$0x3] =	stream.indirect.gather [hbm4b:s0+s2], $0x10, s26, s2, $0xb8;
	[tilespmem:$0x7400] =	vst v63  }
0x263: {  	_ =	swait.ge [sflag:s10], $0x2000  }
0x264: {  	s0 =	sld [smem:$0x7D8]  }
0x265: {  	[sflag:s10] =	ssyncset.done $0x0  }
0x266: {  	[sflag:s10] =	ssyncadd.s32 $0xFFFFE000  }
0x267: {  	[hbm4b:s0+s5] =	stream.strided.scatter [tilespmem:s8], [sflag:$0x4], $0x2000, s6, s5, $0x38;
	[tilespmem:$0x7400] =	vst v63  }
0x268: {  	_ =	swait.ge [sflag:s4], $0x2000  }
0x269: {  	[sflag:s4] =	ssyncset.done $0x0  }
0x26a: {  	[sflag:s4] =	ssyncadd.s32 $0xFFFFE000  }
0x26b: {  	_ =	swait.ge [sflag:s11], $0x200  }
0x26c: {  	s0 =	sld [smem:$0x7D9]  }
0x26d: {  	[sflag:s11] =	ssyncset.done $0x0  }
0x26e: {  	[sflag:s11] =	ssyncadd.s32 $0xFFFFFE00  }
0x26f: {  	[tilespmem:s8], [sflag:$0x2] =	stream.indirect.gather [hbm4b:s0+s2], $0x10, s25, s2, $0xb8;
	[tilespmem:$0x7400] =	vst v63  }
0x270: {  	_ =	swait.ge [sflag:s7], $0x2000  }
0x271: {  	s0 =	sld [smem:$0x7DA]  }
0x272: {  	[sflag:s7] =	ssyncset.done $0x0  }
0x273: {  	[sflag:s7] =	ssyncadd.s32 $0xFFFFE000  }
0x274: {  	[hbm4b:s0+s5] =	stream.strided.scatter [tilespmem:s3], [sflag:$0x4], $0x2000, s6, s5, $0x38;
	[tilespmem:$0x7400] =	vst v63  }
0x275: {  	_ =	swait.ge [sflag:s4], $0x2000  }
0x276: {  	[sflag:s4] =	ssyncset.done $0x0  }
0x277: {  	[sflag:s4] =	ssyncadd.s32 $0xFFFFE000  }
0x278: {  	_ =	swait.ge [sflag:s11], $0x200  }
0x279: {  	s0 =	sld [smem:$0x7DB]  }
0x27a: {  	[sflag:s11] =	ssyncset.done $0x0  }
0x27b: {  	[sflag:s11] =	ssyncadd.s32 $0xFFFFFE00  }
0x27c: {  	[tilespmem:s3], [sflag:$0x3] =	stream.indirect.gather [hbm4b:s0+s2], $0x10, s1, s2, $0xb8;
	[tilespmem:$0x7400] =	vst v63  }
0x27d: {  	_ =	swait.ge [sflag:s10], $0x2000  }
0x27e: {  	s0 =	sld [smem:$0x7DC]  }
0x27f: {  	[sflag:s10] =	ssyncset.done $0x0  }
0x280: {  	[sflag:s10] =	ssyncadd.s32 $0xFFFFE000  }
0x281: {  	[hbm4b:s0+s5] =	stream.strided.scatter [tilespmem:s8], [sflag:$0x4], $0x2000, s6, s5, $0x38;
	[tilespmem:$0x7400] =	vst v63  }
0x282: {  	_ =	swait.ge [sflag:s4], $0x2000  }
0x283: {  	[sflag:s4] =	ssyncset.done $0x0  }
0x284: {  	[sflag:s4] =	ssyncadd.s32 $0xFFFFE000  }
0x285: {  	_ =	swait.ge [sflag:s11], $0x200  }
0x286: {  	s0 =	sld [smem:$0x7DD]  }
0x287: {  	[sflag:s11] =	ssyncset.done $0x0  }
0x288: {  	[sflag:s11] =	ssyncadd.s32 $0xFFFFFE00  }
0x289: {  	[tilespmem:s8], [sflag:$0x2] =	stream.indirect.gather [hbm4b:s0+s2], $0x10, s14, s2, $0xb8;
	[tilespmem:$0x7400] =	vst v63  }
0x28a: {  	_ =	swait.ge [sflag:s7], $0x2000  }
0x28b: {  	s0 =	sld [smem:$0x7DE]  }
0x28c: {  	[sflag:s7] =	ssyncset.done $0x0  }
0x28d: {  	[sflag:s7] =	ssyncadd.s32 $0xFFFFE000  }
0x28e: {  	[hbm4b:s0+s5] =	stream.strided.scatter [tilespmem:s3], [sflag:$0x4], $0x2000, s6, s5, $0x38;
	[tilespmem:$0x7400] =	vst v63  }
0x28f: {  	_ =	swait.ge [sflag:s4], $0x2000  }
0x290: {  	[sflag:s4] =	ssyncset.done $0x0  }
0x291: {  	[sflag:s4] =	ssyncadd.s32 $0xFFFFE000  }
0x292: {  	_ =	swait.ge [sflag:s11], $0x200  }
0x293: {  	s0 =	sld [smem:$0x7DF]  }
0x294: {  	[sflag:s11] =	ssyncset.done $0x0  }
0x295: {  	[sflag:s11] =	ssyncadd.s32 $0xFFFFFE00  }
0x296: {  	[tilespmem:s3], [sflag:$0x3] =	stream.indirect.gather [hbm4b:s0+s2], $0x10, s29, s2, $0xb8;
	[tilespmem:$0x7400] =	vst v63  }
0x297: {  	_ =	swait.ge [sflag:s10], $0x2000  }
0x298: {  	s0 =	sld [smem:$0x7E0]  }
0x299: {  	[sflag:s10] =	ssyncset.done $0x0  }
0x29a: {  	[sflag:s10] =	ssyncadd.s32 $0xFFFFE000  }
0x29b: {  	[hbm4b:s0+s5] =	stream.strided.scatter [tilespmem:s8], [sflag:$0x4], $0x2000, s6, s5, $0x38;
	[tilespmem:$0x7400] =	vst v63  }
0x29c: {  	_ =	swait.ge [sflag:s4], $0x2000  }
0x29d: {  	[sflag:s4] =	ssyncset.done $0x0  }
0x29e: {  	[sflag:s4] =	ssyncadd.s32 $0xFFFFE000  }
0x29f: {  	_ =	swait.ge [sflag:s11], $0x200  }
0x2a0: {  	s0 =	sld [smem:$0x7E1]  }
0x2a1: {  	[sflag:s11] =	ssyncset.done $0x0  }
0x2a2: {  	[sflag:s11] =	ssyncadd.s32 $0xFFFFFE00  }
0x2a3: {  	[tilespmem:s8], [sflag:$0x2] =	stream.indirect.gather [hbm4b:s0+s2], $0x10, s28, s2, $0xb8;
	[tilespmem:$0x7400] =	vst v63  }
0x2a4: {  	_ =	swait.ge [sflag:s7], $0x2000  }
0x2a5: {  	s0 =	sld [smem:$0x7E2]  }
0x2a6: {  	[sflag:s7] =	ssyncset.done $0x0  }
0x2a7: {  	[sflag:s7] =	ssyncadd.s32 $0xFFFFE000  }
0x2a8: {  	[hbm4b:s0+s5] =	stream.strided.scatter [tilespmem:s3], [sflag:$0x4], $0x2000, s6, s5, $0x38;
	[tilespmem:$0x7400] =	vst v63  }
0x2a9: {  	_ =	swait.ge [sflag:s4], $0x2000  }
0x2aa: {  	[sflag:s4] =	ssyncset.done $0x0  }
0x2ab: {  	[sflag:s4] =	ssyncadd.s32 $0xFFFFE000  }
0x2ac: {  	_ =	swait.ge [sflag:s11], $0x200  }
0x2ad: {  	s0 =	sld [smem:$0x7E3]  }
0x2ae: {  	[sflag:s11] =	ssyncset.done $0x0  }
0x2af: {  	[sflag:s11] =	ssyncadd.s32 $0xFFFFFE00  }
0x2b0: {  	[tilespmem:s3], [sflag:$0x3] =	stream.indirect.gather [hbm4b:s0+s2], $0x10, s30, s2, $0xb8;
	[tilespmem:$0x7400] =	vst v63  }
0x2b1: {  	_ =	swait.ge [sflag:s10], $0x2000  }
0x2b2: {  	s0 =	sld [smem:$0x7E4]  }
0x2b3: {  	[sflag:s10] =	ssyncset.done $0x0  }
0x2b4: {  	[sflag:s10] =	ssyncadd.s32 $0xFFFFE000  }
0x2b5: {  	[hbm4b:s0+s5] =	stream.strided.scatter [tilespmem:s8], [sflag:$0x4], $0x2000, s6, s5, $0x38;
	[tilespmem:$0x7400] =	vst v63  }
0x2b6: {  	_ =	swait.ge [sflag:s4], $0x2000  }
0x2b7: {  	[sflag:s4] =	ssyncset.done $0x0  }
0x2b8: {  	[sflag:s4] =	ssyncadd.s32 $0xFFFFE000  }
0x2b9: {  	_ =	swait.ge [sflag:s11], $0x200  }
0x2ba: {  	s0 =	sld [smem:$0x7E5]  }
0x2bb: {  	[sflag:s11] =	ssyncset.done $0x0  }
0x2bc: {  	[sflag:s11] =	ssyncadd.s32 $0xFFFFFE00  }
0x2bd: {  	[tilespmem:s8], [sflag:$0x2] =	stream.indirect.gather [hbm4b:s0+s2], $0x10, s31, s2, $0xb8;
	[tilespmem:$0x7400] =	vst v63  }
0x2be: {  	_ =	swait.ge [sflag:s7], $0x2000  }
0x2bf: {  	s0 =	sld [smem:$0x7E6]  }
0x2c0: {  	[sflag:s7] =	ssyncset.done $0x0  }
0x2c1: {  	[sflag:s7] =	ssyncadd.s32 $0xFFFFE000  }
0x2c2: {  	[hbm4b:s0+s5] =	stream.strided.scatter [tilespmem:s3], [sflag:$0x4], $0x2000, s6, s5, $0x38;
	[tilespmem:$0x7400] =	vst v63  }
0x2c3: {  	_ =	swait.ge [sflag:s4], $0x2000  }
0x2c4: {  	[sflag:s4] =	ssyncset.done $0x0  }
0x2c5: {  	[sflag:s4] =	ssyncadd.s32 $0xFFFFE000  }
0x2c6: {  	_ =	swait.ge [sflag:s11], $0x200  }
0x2c7: {  	s0 =	sld [smem:$0x7E7]  }
0x2c8: {  	[sflag:s11] =	ssyncset.done $0x0  }
0x2c9: {  	[sflag:s11] =	ssyncadd.s32 $0xFFFFFE00  }
0x2ca: {  	[tilespmem:s3], [sflag:$0x3] =	stream.indirect.gather [hbm4b:s0+s2], $0x10, s20, s2, $0xb8;
	[tilespmem:$0x7400] =	vst v63  }
0x2cb: {  	_ =	swait.ge [sflag:s10], $0x2000  }
0x2cc: {  	s0 =	sld [smem:$0x7E8]  }
0x2cd: {  	[sflag:s10] =	ssyncset.done $0x0  }
0x2ce: {  	[sflag:s10] =	ssyncadd.s32 $0xFFFFE000  }
0x2cf: {  	[hbm4b:s0+s5] =	stream.strided.scatter [tilespmem:s8], [sflag:$0x4], $0x2000, s6, s5, $0x38;
	[tilespmem:$0x7400] =	vst v63  }
0x2d0: {  	_ =	swait.ge [sflag:s4], $0x2000  }
0x2d1: {  	[sflag:s4] =	ssyncset.done $0x0  }
0x2d2: {  	[sflag:s4] =	ssyncadd.s32 $0xFFFFE000  }
0x2d3: {  	_ =	swait.ge [sflag:s11], $0x200  }
0x2d4: {  	s0 =	sld [smem:$0x7E9]  }
0x2d5: {  	[sflag:s11] =	ssyncset.done $0x0  }
0x2d6: {  	[sflag:s11] =	ssyncadd.s32 $0xFFFFFE00  }
0x2d7: {  	[tilespmem:s8], [sflag:$0x2] =	stream.indirect.gather [hbm4b:s0+s2], $0x10, s21, s2, $0xb8;
	[tilespmem:$0x7400] =	vst v63  }
0x2d8: {  	_ =	swait.ge [sflag:s7], $0x2000  }
0x2d9: {  	s0 =	sld [smem:$0x7EA]  }
0x2da: {  	[sflag:s7] =	ssyncset.done $0x0  }
0x2db: {  	[sflag:s7] =	ssyncadd.s32 $0xFFFFE000  }
0x2dc: {  	[hbm4b:s0+s5] =	stream.strided.scatter [tilespmem:s3], [sflag:$0x4], $0x2000, s6, s5, $0x38;
	[tilespmem:$0x7400] =	vst v63  }
0x2dd: {  	_ =	swait.ge [sflag:s4], $0x2000  }
0x2de: {  	[sflag:s4] =	ssyncset.done $0x0  }
0x2df: {  	[sflag:s4] =	ssyncadd.s32 $0xFFFFE000  }
0x2e0: {  	_ =	swait.ge [sflag:s11], $0x200  }
0x2e1: {  	s0 =	sld [smem:$0x7EB]  }
0x2e2: {  	[sflag:s11] =	ssyncset.done $0x0  }
0x2e3: {  	[sflag:s11] =	ssyncadd.s32 $0xFFFFFE00  }
0x2e4: {  	[tilespmem:s3], [sflag:$0x3] =	stream.indirect.gather [hbm4b:s0+s2], $0x10, s19, s2, $0xb8;
	[tilespmem:$0x7400] =	vst v63  }
0x2e5: {  	_ =	swait.ge [sflag:s10], $0x2000  }
0x2e6: {  	s0 =	sld [smem:$0x7EC]  }
0x2e7: {  	[sflag:s10] =	ssyncset.done $0x0  }
0x2e8: {  	[sflag:s10] =	ssyncadd.s32 $0xFFFFE000  }
0x2e9: {  	[hbm4b:s0+s5] =	stream.strided.scatter [tilespmem:s8], [sflag:$0x4], $0x2000, s6, s5, $0x38;
	[tilespmem:$0x7400] =	vst v63  }
0x2ea: {  	_ =	swait.ge [sflag:s4], $0x2000  }
0x2eb: {  	[sflag:s4] =	ssyncset.done $0x0  }
0x2ec: {  	[sflag:s4] =	ssyncadd.s32 $0xFFFFE000  }
0x2ed: {  	_ =	swait.ge [sflag:s11], $0x200  }
0x2ee: {  	s16 =	sld [smem:$0x7ED]  }
0x2ef: {  	[sflag:s11] =	ssyncset.done $0x0  }
0x2f0: {  	s0 =	simm.s32 $0x2400;
	[sflag:s11] =	ssyncadd.s32 $0xFFFFFE00  }
0x2f1: {  	[tilespmem:s8], [sflag:$0x2] =	stream.indirect.gather [hbm4b:s16+s2], $0x10, s0, s2, $0xb8;
	[tilespmem:$0x7400] =	vst v63  }
0x2f2: {  	_ =	swait.ge [sflag:s7], $0x2000  }
0x2f3: {  	s0 =	sld [smem:$0x7EE]  }
0x2f4: {  	[sflag:s7] =	ssyncset.done $0x0  }
0x2f5: {  	[sflag:s7] =	ssyncadd.s32 $0xFFFFE000  }
0x2f6: {  	[hbm4b:s0+s5] =	stream.strided.scatter [tilespmem:s3], [sflag:$0x4], $0x2000, s6, s5, $0x38;
	[tilespmem:$0x7400] =	vst v63  }
0x2f7: {  	_ =	swait.ge [sflag:s4], $0x2000  }
0x2f8: {  	[sflag:s4] =	ssyncset.done $0x0  }
0x2f9: {  	[sflag:s4] =	ssyncadd.s32 $0xFFFFE000  }
0x2fa: {  	_ =	swait.ge [sflag:s11], $0x200  }
0x2fb: {  	s16 =	sld [smem:$0x7EF]  }
0x2fc: {  	[sflag:s11] =	ssyncset.done $0x0  }
0x2fd: {  	s0 =	simm.s32 $0x2600;
	[sflag:s11] =	ssyncadd.s32 $0xFFFFFE00  }
0x2fe: {  	[tilespmem:s3], [sflag:$0x3] =	stream.indirect.gather [hbm4b:s16+s2], $0x10, s0, s2, $0xb8;
	[tilespmem:$0x7400] =	vst v63  }
0x2ff: {  	_ =	swait.ge [sflag:s10], $0x2000  }
0x300: {  	s0 =	sld [smem:$0x7F0]  }
0x301: {  	[sflag:s10] =	ssyncset.done $0x0  }
0x302: {  	[sflag:s10] =	ssyncadd.s32 $0xFFFFE000  }
0x303: {  	[hbm4b:s0+s5] =	stream.strided.scatter [tilespmem:s8], [sflag:$0x4], $0x2000, s6, s5, $0x38;
	[tilespmem:$0x7400] =	vst v63  }
0x304: {  	_ =	swait.ge [sflag:s4], $0x2000  }
0x305: {  	[sflag:s4] =	ssyncset.done $0x0  }
0x306: {  	[sflag:s4] =	ssyncadd.s32 $0xFFFFE000  }
0x307: {  	_ =	swait.ge [sflag:s11], $0x200  }
0x308: {  	s16 =	sld [smem:$0x7F1]  }
0x309: {  	[sflag:s11] =	ssyncset.done $0x0  }
0x30a: {  	s0 =	simm.s32 $0x2800;
	[sflag:s11] =	ssyncadd.s32 $0xFFFFFE00  }
0x30b: {  	[tilespmem:s8], [sflag:$0x2] =	stream.indirect.gather [hbm4b:s16+s2], $0x10, s0, s2, $0xb8;
	[tilespmem:$0x7400] =	vst v63  }
0x30c: {  	_ =	swait.ge [sflag:s7], $0x2000  }
0x30d: {  	s0 =	sld [smem:$0x7F2]  }
0x30e: {  	[sflag:s7] =	ssyncset.done $0x0  }
0x30f: {  	[sflag:s7] =	ssyncadd.s32 $0xFFFFE000  }
0x310: {  	[hbm4b:s0+s5] =	stream.strided.scatter [tilespmem:s3], [sflag:$0x4], $0x2000, s6, s5, $0x38;
	[tilespmem:$0x7400] =	vst v63  }
0x311: {  	_ =	swait.ge [sflag:s4], $0x2000  }
0x312: {  	[sflag:s4] =	ssyncset.done $0x0  }
0x313: {  	[sflag:s4] =	ssyncadd.s32 $0xFFFFE000  }
0x314: {  	_ =	swait.ge [sflag:s11], $0x200  }
0x315: {  	s16 =	sld [smem:$0x7F3]  }
0x316: {  	[sflag:s11] =	ssyncset.done $0x0  }
0x317: {  	s0 =	simm.s32 $0x2A00;
	[sflag:s11] =	ssyncadd.s32 $0xFFFFFE00  }
0x318: {  	[tilespmem:s3], [sflag:$0x3] =	stream.indirect.gather [hbm4b:s16+s2], $0x10, s0, s2, $0xb8;
	[tilespmem:$0x7400] =	vst v63  }
0x319: {  	_ =	swait.ge [sflag:s10], $0x2000  }
0x31a: {  	s0 =	sld [smem:$0x7F4]  }
0x31b: {  	[sflag:s10] =	ssyncset.done $0x0  }
0x31c: {  	[sflag:s10] =	ssyncadd.s32 $0xFFFFE000  }
0x31d: {  	[hbm4b:s0+s5] =	stream.strided.scatter [tilespmem:s8], [sflag:$0x4], $0x2000, s6, s5, $0x38;
	[tilespmem:$0x7400] =	vst v63  }
0x31e: {  	_ =	swait.ge [sflag:s4], $0x2000  }
0x31f: {  	[sflag:s4] =	ssyncset.done $0x0  }
0x320: {  	[sflag:s4] =	ssyncadd.s32 $0xFFFFE000  }
0x321: {  	_ =	swait.ge [sflag:s11], $0x200  }
0x322: {  	s16 =	sld [smem:$0x7F5]  }
0x323: {  	[sflag:s11] =	ssyncset.done $0x0  }
0x324: {  	s0 =	simm.s32 $0x2C00;
	[sflag:s11] =	ssyncadd.s32 $0xFFFFFE00  }
0x325: {  	[tilespmem:s8], [sflag:$0x2] =	stream.indirect.gather [hbm4b:s16+s2], $0x10, s0, s2, $0xb8;
	[tilespmem:$0x7400] =	vst v63  }
0x326: {  	_ =	swait.ge [sflag:s7], $0x2000  }
0x327: {  	s0 =	sld [smem:$0x7F6]  }
0x328: {  	[sflag:s7] =	ssyncset.done $0x0  }
0x329: {  	[sflag:s7] =	ssyncadd.s32 $0xFFFFE000  }
0x32a: {  	[hbm4b:s0+s5] =	stream.strided.scatter [tilespmem:s3], [sflag:$0x4], $0x2000, s6, s5, $0x38;
	[tilespmem:$0x7400] =	vst v63  }
0x32b: {  	_ =	swait.ge [sflag:s4], $0x2000  }
0x32c: {  	[sflag:s4] =	ssyncset.done $0x0  }
0x32d: {  	[sflag:s4] =	ssyncadd.s32 $0xFFFFE000  }
0x32e: {  	_ =	swait.ge [sflag:s11], $0x200  }
0x32f: {  	s16 =	sld [smem:$0x7F7]  }
0x330: {  	[sflag:s11] =	ssyncset.done $0x0  }
0x331: {  	s0 =	simm.s32 $0x2E00;
	[sflag:s11] =	ssyncadd.s32 $0xFFFFFE00  }
0x332: {  	[tilespmem:s3], [sflag:$0x3] =	stream.indirect.gather [hbm4b:s16+s2], $0x10, s0, s2, $0xb8;
	[tilespmem:$0x7400] =	vst v63  }
0x333: {  	_ =	swait.ge [sflag:s10], $0x2000  }
0x334: {  	s0 =	sld [smem:$0x7F8]  }
0x335: {  	[sflag:s10] =	ssyncset.done $0x0  }
0x336: {  	[sflag:s10] =	ssyncadd.s32 $0xFFFFE000  }
0x337: {  	[hbm4b:s0+s5] =	stream.strided.scatter [tilespmem:s8], [sflag:$0x4], $0x2000, s6, s5, $0x38;
	[tilespmem:$0x7400] =	vst v63  }
0x338: {  	_ =	swait.ge [sflag:s4], $0x2000  }
0x339: {  	[sflag:s4] =	ssyncset.done $0x0  }
0x33a: {  	[sflag:s4] =	ssyncadd.s32 $0xFFFFE000  }
0x33b: {  	_ =	swait.ge [sflag:s11], $0x200  }
0x33c: {  	s0 =	sld [smem:$0x7F9]  }
0x33d: {  	[sflag:s11] =	ssyncset.done $0x0  }
0x33e: {  	s18 =	simm.s32 $0x3000;
	[sflag:s11] =	ssyncadd.s32 $0xFFFFFE00  }
0x33f: {  	[tilespmem:s8], [sflag:$0x2] =	stream.indirect.gather [hbm4b:s0+s2], $0x10, s18, s2, $0xb8;
	[tilespmem:$0x7400] =	vst v63  }
0x340: {  	_ =	swait.ge [sflag:s7], $0x2000  }
0x341: {  	s18 =	sld [smem:$0x7FA]  }
0x342: {  	[sflag:s7] =	ssyncset.done $0x0  }
0x343: {  	[sflag:s7] =	ssyncadd.s32 $0xFFFFE000  }
0x344: {  	[hbm4b:s18+s5] =	stream.strided.scatter [tilespmem:s3], [sflag:$0x4], $0x2000, s6, s5, $0x38;
	[tilespmem:$0x7400] =	vst v63  }
0x345: {  	_ =	swait.ge [sflag:s4], $0x2000  }
0x346: {  	[sflag:s4] =	ssyncset.done $0x0  }
0x347: {  	[sflag:s4] =	ssyncadd.s32 $0xFFFFE000  }
0x348: {  	_ =	swait.ge [sflag:s11], $0x200  }
0x349: {  	s0 =	sld [smem:$0x7FB]  }
0x34a: {  	[sflag:s11] =	ssyncset.done $0x0  }
0x34b: {  	s18 =	simm.s32 $0x3200;
	[sflag:s11] =	ssyncadd.s32 $0xFFFFFE00  }
0x34c: {  	[tilespmem:s3], [sflag:$0x3] =	stream.indirect.gather [hbm4b:s0+s2], $0x10, s18, s2, $0xb8;
	[tilespmem:$0x7400] =	vst v63  }
0x34d: {  	_ =	swait.ge [sflag:s10], $0x2000  }
0x34e: {  	s0 =	sld [smem:$0x7FC]  }
0x34f: {  	[sflag:s10] =	ssyncset.done $0x0  }
0x350: {  	[sflag:s10] =	ssyncadd.s32 $0xFFFFE000  }
0x351: {  	[hbm4b:s0+s5] =	stream.strided.scatter [tilespmem:s8], [sflag:$0x4], $0x2000, s6, s5, $0x38;
	[tilespmem:$0x7400] =	vst v63  }
0x352: {  	_ =	swait.ge [sflag:s4], $0x2000  }
0x353: {  	[sflag:s4] =	ssyncset.done $0x0  }
0x354: {  	[sflag:s4] =	ssyncadd.s32 $0xFFFFE000  }
0x355: {  	_ =	swait.ge [sflag:s7], $0x2000  }
0x356: {  	p1 =	sne.s32 s15, $0x1;
	s18 =	sld [smem:$0x7FD]  }
.Ltmp2:
0x357: {  	[sflag:s7] =	ssyncset.done $0x0;
	(pc) =	sbr.rel @p1 .LBB2_4-.Ltmp2, $4  }
0x358: {  	[sflag:s7] =	ssyncadd.s32 $0xFFFFE000  }
0x359: {  	[hbm4b:s18+s5] =	stream.strided.scatter [tilespmem:s3], [sflag:$0x4], $0x2000, s6, s5, $0x38;
	[tilespmem:$0x7400] =	vst v63  }
0x35a: {  	s15 =	sadd.s32 $0xFFFFFFFF, s15;
	_ =	swait.ge [sflag:s4], $0x2000  }
0x35b: {  	s17 =	smov.u32 s13;
	s16 =	rddreg [dreg:$0x4];
	[sflag:s4] =	ssyncset.done $0x0  }
0x35c: {  	s1 =	simm.s32 $0x1200;
	s0 =	simm.s32 $0x1000  }
0x35d: {  	s9 =	simm.s32 $0xE00;
	s23 =	simm.s32 $0xC00;
	s14 =	simm.s32 $0xA00  }
0x35e: {  	s24 =	simm.s32 $0x800;
	s31 =	simm.s32 $0x600;
	s25 =	simm.s32 $0x400  }
.LBB2_6:
0x35f: {  	[sflag:s4] =	ssyncadd.s32 @p0 $0xFFFFE000  }
0x360: {  	[tilespmem:s22], [sflag:$0x1] =	stream.linear.gather [hbm4b:s16+s22], $0x200, $0x38;
	[tilespmem:$0x7400] =	vst v63  }
0x361: {  	s15 =	rddreg [dreg:$0x5]  }
0x362: {  	[tilespmem:s2], [sflag:$0x1] =	stream.linear.gather [hbm4b:s15+s22], $0x200, $0x38;
	[tilespmem:$0x7400] =	vst v63  }
0x363: {  	s17 =	rddreg [dreg:$0x6]  }
0x364: {  	[tilespmem:s25], [sflag:$0x1] =	stream.linear.gather [hbm4b:s17+s22], $0x200, $0x38;
	[tilespmem:$0x7400] =	vst v63  }
0x365: {  	s18 =	rddreg [dreg:$0x7]  }
0x366: {  	[tilespmem:s31], [sflag:$0x1] =	stream.linear.gather [hbm4b:s18+s22], $0x200, $0x38;
	[tilespmem:$0x7400] =	vst v63  }
0x367: {  	s19 =	rddreg [dreg:$0x8]  }
0x368: {  	[tilespmem:s24], [sflag:$0x1] =	stream.linear.gather [hbm4b:s19+s22], $0x200, $0x38;
	[tilespmem:$0x7400] =	vst v63  }
0x369: {  	s20 =	rddreg [dreg:$0x9]  }
0x36a: {  	[tilespmem:s14], [sflag:$0x1] =	stream.linear.gather [hbm4b:s20+s22], $0x200, $0x38;
	[tilespmem:$0x7400] =	vst v63  }
0x36b: {  	s21 =	rddreg [dreg:$0xa]  }
0x36c: {  	[tilespmem:s23], [sflag:$0x1] =	stream.linear.gather [hbm4b:s21+s22], $0x200, $0x38;
	[tilespmem:$0x7400] =	vst v63  }
0x36d: {  	s24 =	rddreg [dreg:$0xb]  }
0x36e: {  	[tilespmem:s9], [sflag:$0x1] =	stream.linear.gather [hbm4b:s24+s22], $0x200, $0x38;
	[tilespmem:$0x7400] =	vst v63  }
0x36f: {  	s25 =	rddreg [dreg:$0xc]  }
0x370: {  	[tilespmem:s0], [sflag:$0x1] =	stream.linear.gather [hbm4b:s25+s22], $0x200, $0x38;
	[tilespmem:$0x7400] =	vst v63  }
0x371: {  	s26 =	rddreg [dreg:$0xd]  }
0x372: {  	[tilespmem:s1], [sflag:$0x1] =	stream.linear.gather [hbm4b:s26+s22], $0x200, $0x38;
	[tilespmem:$0x7400] =	vst v63  }
0x373: {  	s28 =	rddreg [dreg:$0xe];
	s17 =	simm.s32 $0x1400  }
0x374: {  	[tilespmem:s17], [sflag:$0x1] =	stream.linear.gather [hbm4b:s28+s22], $0x200, $0x38;
	[tilespmem:$0x7400] =	vst v63  }
0x375: {  	s29 =	rddreg [dreg:$0xf];
	s18 =	simm.s32 $0x1600  }
0x376: {  	[tilespmem:s18], [sflag:$0x1] =	stream.linear.gather [hbm4b:s29+s22], $0x200, $0x38;
	[tilespmem:$0x7400] =	vst v63  }
0x377: {  	s30 =	rddreg [dreg:$0x10];
	s31 =	simm.s32 $0x1800  }
0x378: {  	[tilespmem:s31], [sflag:$0x1] =	stream.linear.gather [hbm4b:s30+s22], $0x200, $0x38;
	[tilespmem:$0x7400] =	vst v63  }
0x379: {  	s19 =	simm.s32 $0x1A00;
	s0 =	rddreg [dreg:$0x11]  }
0x37a: {  	[tilespmem:s19], [sflag:$0x1] =	stream.linear.gather [hbm4b:s0+s22], $0x200, $0x38;
	[tilespmem:$0x7400] =	vst v63  }
0x37b: {  	s1 =	rddreg [dreg:$0x12];
	s28 =	simm.s32 $0x1C00  }
0x37c: {  	[tilespmem:s28], [sflag:$0x1] =	stream.linear.gather [hbm4b:s1+s22], $0x200, $0x38;
	[tilespmem:$0x7400] =	vst v63  }
0x37d: {  	s9 =	rddreg [dreg:$0x13];
	s30 =	simm.s32 $0x1E00  }
0x37e: {  	[tilespmem:s30], [sflag:$0x1] =	stream.linear.gather [hbm4b:s9+s22], $0x200, $0x38;
	[tilespmem:$0x7400] =	vst v63  }
0x37f: {  	s12 =	rddreg [dreg:$0x14];
	s29 =	simm.s32 $0x2000  }
0x380: {  	[tilespmem:s29], [sflag:$0x1] =	stream.linear.gather [hbm4b:s12+s22], $0x200, $0x38;
	[tilespmem:$0x7400] =	vst v63  }
0x381: {  	s14 =	rddreg [dreg:$0x15];
	s26 =	simm.s32 $0x2200  }
0x382: {  	[tilespmem:s26], [sflag:$0x1] =	stream.linear.gather [hbm4b:s14+s22], $0x200, $0x38;
	[tilespmem:$0x7400] =	vst v63  }
0x383: {  	s20 =	rddreg [dreg:$0x16];
	s25 =	simm.s32 $0x2400  }
0x384: {  	[tilespmem:s25], [sflag:$0x1] =	stream.linear.gather [hbm4b:s20+s22], $0x200, $0x38;
	[tilespmem:$0x7400] =	vst v63  }
0x385: {  	s21 =	rddreg [dreg:$0x17];
	s20 =	simm.s32 $0x2600  }
0x386: {  	[tilespmem:s20], [sflag:$0x1] =	stream.linear.gather [hbm4b:s21+s22], $0x200, $0x38;
	[tilespmem:$0x7400] =	vst v63  }
0x387: {  	s23 =	rddreg [dreg:$0x18];
	s24 =	simm.s32 $0x2800  }
0x388: {  	[tilespmem:s24], [sflag:$0x1] =	stream.linear.gather [hbm4b:s23+s22], $0x200, $0x38;
	[tilespmem:$0x7400] =	vst v63  }
0x389: {  	s9 =	rddreg [dreg:$0x19];
	s21 =	simm.s32 $0x2A00  }
0x38a: {  	[tilespmem:s21], [sflag:$0x1] =	stream.linear.gather [hbm4b:s9+s22], $0x200, $0x38;
	[tilespmem:$0x7400] =	vst v63  }
0x38b: {  	s14 =	rddreg [dreg:$0x1a];
	s23 =	simm.s32 $0x2C00  }
0x38c: {  	[tilespmem:s23], [sflag:$0x1] =	stream.linear.gather [hbm4b:s14+s22], $0x200, $0x38;
	[tilespmem:$0x7400] =	vst v63  }
0x38d: {  	s15 =	rddreg [dreg:$0x1b];
	s23 =	simm.s32 $0x2E00  }
0x38e: {  	[tilespmem:s23], [sflag:$0x1] =	stream.linear.gather [hbm4b:s15+s22], $0x200, $0x38;
	[tilespmem:$0x7400] =	vst v63  }
0x38f: {  	s14 =	rddreg [dreg:$0x1c];
	s23 =	simm.s32 $0x3000  }
0x390: {  	[tilespmem:s23], [sflag:$0x1] =	stream.linear.gather [hbm4b:s14+s22], $0x200, $0x38;
	[tilespmem:$0x7400] =	vst v63  }
0x391: {  	s16 =	simm.s32 $0x3200;
	s9 =	rddreg [dreg:$0x1d]  }
0x392: {  	[tilespmem:s16], [sflag:$0x1] =	stream.linear.gather [hbm4b:s9+s22], $0x200, $0x38;
	[tilespmem:$0x7400] =	vst v63  }
0x393: {  	_ =	swait.ge [sflag:s11], $0x200  }
0x394: {  	[sflag:s11] =	ssyncset.done $0x0  }
0x395: {  	s14 =	rddreg [dreg:$0x3];
	[sflag:s11] =	ssyncadd.s32 $0xFFFFFE00  }
0x396: {  	[tilespmem:s8], [sflag:$0x2] =	stream.indirect.gather [hbm4b:s14+s2], $0x10, s22, s2, $0xb8;
	[tilespmem:$0x7400] =	vst v63  }
0x397: {  	_ =	swait.ge [sflag:s11], $0x200  }
0x398: {  	[sflag:s11] =	ssyncset.done $0x0  }
0x399: {  	s22 =	rddreg [dreg:$0x1e];
	[sflag:s11] =	ssyncadd.s32 $0xFFFFFE00  }
0x39a: {  	[tilespmem:s3], [sflag:$0x3] =	stream.indirect.gather [hbm4b:s22+s2], $0x10, s2, s2, $0xb8;
	[tilespmem:$0x7400] =	vst v63  }
0x39b: {  	_ =	swait.ge [sflag:s10], $0x2000  }
0x39c: {  	[sflag:s10] =	ssyncset.done $0x0  }
0x39d: {  	[sflag:s10] =	ssyncadd.s32 $0xFFFFE000  }
0x39e: {  	[hbm4b:s13+s5] =	stream.strided.scatter [tilespmem:s8], [sflag:$0x4], $0x2000, s6, s5, $0x38;
	[tilespmem:$0x7400] =	vst v63  }
0x39f: {  	_ =	swait.ge [sflag:s4], $0x2000  }
0x3a0: {  	[sflag:s4] =	ssyncset.done $0x0  }
0x3a1: {  	[sflag:s4] =	ssyncadd.s32 $0xFFFFE000  }
0x3a2: {  	_ =	swait.ge [sflag:s11], $0x200  }
0x3a3: {  	[sflag:s11] =	ssyncset.done $0x0  }
0x3a4: {  	s0 =	simm.s32 $0x400;
	s9 =	rddreg [dreg:$0x1f];
	[sflag:s11] =	ssyncadd.s32 $0xFFFFFE00  }
0x3a5: {  	[tilespmem:s8], [sflag:$0x2] =	stream.indirect.gather [hbm4b:s9+s2], $0x10, s0, s2, $0xb8;
	[tilespmem:$0x7400] =	vst v63  }
0x3a6: {  	_ =	swait.ge [sflag:s7], $0x2000  }
0x3a7: {  	s13 =	sld [smem:$0x7CE]  }
0x3a8: {  	[sflag:s7] =	ssyncset.done $0x0  }
0x3a9: {  	[sflag:s7] =	ssyncadd.s32 $0xFFFFE000  }
0x3aa: {  	[hbm4b:s13+s5] =	stream.strided.scatter [tilespmem:s3], [sflag:$0x4], $0x2000, s6, s5, $0x38;
	[tilespmem:$0x7400] =	vst v63  }
0x3ab: {  	_ =	swait.ge [sflag:s4], $0x2000  }
0x3ac: {  	[sflag:s4] =	ssyncset.done $0x0  }
0x3ad: {  	[sflag:s4] =	ssyncadd.s32 $0xFFFFE000  }
0x3ae: {  	_ =	swait.ge [sflag:s11], $0x200  }
0x3af: {  	s13 =	sld [smem:$0x7CF]  }
0x3b0: {  	[sflag:s11] =	ssyncset.done $0x0  }
0x3b1: {  	s1 =	simm.s32 $0x600;
	[sflag:s11] =	ssyncadd.s32 $0xFFFFFE00  }
0x3b2: {  	[tilespmem:s3], [sflag:$0x3] =	stream.indirect.gather [hbm4b:s13+s2], $0x10, s1, s2, $0xb8;
	[tilespmem:$0x7400] =	vst v63  }
0x3b3: {  	_ =	swait.ge [sflag:s10], $0x2000  }
0x3b4: {  	s1 =	sld [smem:$0x7D0]  }
0x3b5: {  	[sflag:s10] =	ssyncset.done $0x0  }
0x3b6: {  	[sflag:s10] =	ssyncadd.s32 $0xFFFFE000  }
0x3b7: {  	[hbm4b:s1+s5] =	stream.strided.scatter [tilespmem:s8], [sflag:$0x4], $0x2000, s6, s5, $0x38;
	[tilespmem:$0x7400] =	vst v63  }
0x3b8: {  	_ =	swait.ge [sflag:s4], $0x2000  }
0x3b9: {  	[sflag:s4] =	ssyncset.done $0x0  }
0x3ba: {  	[sflag:s4] =	ssyncadd.s32 $0xFFFFE000  }
0x3bb: {  	_ =	swait.ge [sflag:s11], $0x200  }
0x3bc: {  	s1 =	sld [smem:$0x7D1]  }
0x3bd: {  	[sflag:s11] =	ssyncset.done $0x0  }
0x3be: {  	s12 =	simm.s32 $0x800;
	[sflag:s11] =	ssyncadd.s32 $0xFFFFFE00  }
0x3bf: {  	[tilespmem:s8], [sflag:$0x2] =	stream.indirect.gather [hbm4b:s1+s2], $0x10, s12, s2, $0xb8;
	[tilespmem:$0x7400] =	vst v63  }
0x3c0: {  	_ =	swait.ge [sflag:s7], $0x2000  }
0x3c1: {  	s13 =	sld [smem:$0x7D2]  }
0x3c2: {  	[sflag:s7] =	ssyncset.done $0x0  }
0x3c3: {  	[sflag:s7] =	ssyncadd.s32 $0xFFFFE000  }
0x3c4: {  	[hbm4b:s13+s5] =	stream.strided.scatter [tilespmem:s3], [sflag:$0x4], $0x2000, s6, s5, $0x38;
	[tilespmem:$0x7400] =	vst v63  }
0x3c5: {  	_ =	swait.ge [sflag:s4], $0x2000  }
0x3c6: {  	[sflag:s4] =	ssyncset.done $0x0  }
0x3c7: {  	[sflag:s4] =	ssyncadd.s32 $0xFFFFE000  }
0x3c8: {  	_ =	swait.ge [sflag:s11], $0x200  }
0x3c9: {  	s1 =	sld [smem:$0x7D3]  }
0x3ca: {  	[sflag:s11] =	ssyncset.done $0x0  }
0x3cb: {  	s9 =	simm.s32 $0xA00;
	[sflag:s11] =	ssyncadd.s32 $0xFFFFFE00  }
0x3cc: {  	[tilespmem:s3], [sflag:$0x3] =	stream.indirect.gather [hbm4b:s1+s2], $0x10, s9, s2, $0xb8;
	[tilespmem:$0x7400] =	vst v63  }
0x3cd: {  	_ =	swait.ge [sflag:s10], $0x2000  }
0x3ce: {  	s13 =	sld [smem:$0x7D4]  }
0x3cf: {  	[sflag:s10] =	ssyncset.done $0x0  }
0x3d0: {  	[sflag:s10] =	ssyncadd.s32 $0xFFFFE000  }
0x3d1: {  	[hbm4b:s13+s5] =	stream.strided.scatter [tilespmem:s8], [sflag:$0x4], $0x2000, s6, s5, $0x38;
	[tilespmem:$0x7400] =	vst v63  }
0x3d2: {  	_ =	swait.ge [sflag:s4], $0x2000  }
0x3d3: {  	[sflag:s4] =	ssyncset.done $0x0  }
0x3d4: {  	[sflag:s4] =	ssyncadd.s32 $0xFFFFE000  }
0x3d5: {  	_ =	swait.ge [sflag:s11], $0x200  }
0x3d6: {  	s1 =	sld [smem:$0x7D5]  }
0x3d7: {  	[sflag:s11] =	ssyncset.done $0x0  }
0x3d8: {  	s0 =	simm.s32 $0xC00;
	[sflag:s11] =	ssyncadd.s32 $0xFFFFFE00  }
0x3d9: {  	[tilespmem:s8], [sflag:$0x2] =	stream.indirect.gather [hbm4b:s1+s2], $0x10, s0, s2, $0xb8;
	[tilespmem:$0x7400] =	vst v63  }
0x3da: {  	_ =	swait.ge [sflag:s7], $0x2000  }
0x3db: {  	s12 =	sld [smem:$0x7D6]  }
0x3dc: {  	[sflag:s7] =	ssyncset.done $0x0  }
0x3dd: {  	[sflag:s7] =	ssyncadd.s32 $0xFFFFE000  }
0x3de: {  	[hbm4b:s12+s5] =	stream.strided.scatter [tilespmem:s3], [sflag:$0x4], $0x2000, s6, s5, $0x38;
	[tilespmem:$0x7400] =	vst v63  }
0x3df: {  	_ =	swait.ge [sflag:s4], $0x2000  }
0x3e0: {  	[sflag:s4] =	ssyncset.done $0x0  }
0x3e1: {  	[sflag:s4] =	ssyncadd.s32 $0xFFFFE000  }
0x3e2: {  	_ =	swait.ge [sflag:s11], $0x200  }
0x3e3: {  	s13 =	sld [smem:$0x7D7]  }
0x3e4: {  	[sflag:s11] =	ssyncset.done $0x0  }
0x3e5: {  	s22 =	simm.s32 $0xE00;
	[sflag:s11] =	ssyncadd.s32 $0xFFFFFE00  }
0x3e6: {  	[tilespmem:s3], [sflag:$0x3] =	stream.indirect.gather [hbm4b:s13+s2], $0x10, s22, s2, $0xb8;
	[tilespmem:$0x7400] =	vst v63  }
0x3e7: {  	_ =	swait.ge [sflag:s10], $0x2000  }
0x3e8: {  	s1 =	sld [smem:$0x7D8]  }
0x3e9: {  	[sflag:s10] =	ssyncset.done $0x0  }
0x3ea: {  	[sflag:s10] =	ssyncadd.s32 $0xFFFFE000  }
0x3eb: {  	[hbm4b:s1+s5] =	stream.strided.scatter [tilespmem:s8], [sflag:$0x4], $0x2000, s6, s5, $0x38;
	[tilespmem:$0x7400] =	vst v63  }
0x3ec: {  	_ =	swait.ge [sflag:s4], $0x2000  }
0x3ed: {  	[sflag:s4] =	ssyncset.done $0x0  }
0x3ee: {  	[sflag:s4] =	ssyncadd.s32 $0xFFFFE000  }
0x3ef: {  	_ =	swait.ge [sflag:s11], $0x200  }
0x3f0: {  	s9 =	sld [smem:$0x7D9]  }
0x3f1: {  	[sflag:s11] =	ssyncset.done $0x0  }
0x3f2: {  	s15 =	simm.s32 $0x1000;
	[sflag:s11] =	ssyncadd.s32 $0xFFFFFE00  }
0x3f3: {  	[tilespmem:s8], [sflag:$0x2] =	stream.indirect.gather [hbm4b:s9+s2], $0x10, s15, s2, $0xb8;
	[tilespmem:$0x7400] =	vst v63  }
0x3f4: {  	_ =	swait.ge [sflag:s7], $0x2000  }
0x3f5: {  	s12 =	sld [smem:$0x7DA]  }
0x3f6: {  	[sflag:s7] =	ssyncset.done $0x0  }
0x3f7: {  	[sflag:s7] =	ssyncadd.s32 $0xFFFFE000  }
0x3f8: {  	[hbm4b:s12+s5] =	stream.strided.scatter [tilespmem:s3], [sflag:$0x4], $0x2000, s6, s5, $0x38;
	[tilespmem:$0x7400] =	vst v63  }
0x3f9: {  	_ =	swait.ge [sflag:s4], $0x2000  }
0x3fa: {  	[sflag:s4] =	ssyncset.done $0x0  }
0x3fb: {  	[sflag:s4] =	ssyncadd.s32 $0xFFFFE000  }
0x3fc: {  	_ =	swait.ge [sflag:s11], $0x200  }
0x3fd: {  	s13 =	sld [smem:$0x7DB]  }
0x3fe: {  	[sflag:s11] =	ssyncset.done $0x0  }
0x3ff: {  	s14 =	simm.s32 $0x1200;
	[sflag:s11] =	ssyncadd.s32 $0xFFFFFE00  }
0x400: {  	[tilespmem:s3], [sflag:$0x3] =	stream.indirect.gather [hbm4b:s13+s2], $0x10, s14, s2, $0xb8;
	[tilespmem:$0x7400] =	vst v63  }
0x401: {  	_ =	swait.ge [sflag:s10], $0x2000  }
0x402: {  	s14 =	sld [smem:$0x7DC]  }
0x403: {  	[sflag:s10] =	ssyncset.done $0x0  }
0x404: {  	[sflag:s10] =	ssyncadd.s32 $0xFFFFE000  }
0x405: {  	[hbm4b:s14+s5] =	stream.strided.scatter [tilespmem:s8], [sflag:$0x4], $0x2000, s6, s5, $0x38;
	[tilespmem:$0x7400] =	vst v63  }
0x406: {  	_ =	swait.ge [sflag:s4], $0x2000  }
0x407: {  	[sflag:s4] =	ssyncset.done $0x0  }
0x408: {  	[sflag:s4] =	ssyncadd.s32 $0xFFFFE000  }
0x409: {  	_ =	swait.ge [sflag:s11], $0x200  }
0x40a: {  	s15 =	sld [smem:$0x7DD]  }
0x40b: {  	[sflag:s11] =	ssyncset.done $0x0  }
0x40c: {  	[sflag:s11] =	ssyncadd.s32 $0xFFFFFE00  }
0x40d: {  	[tilespmem:s8], [sflag:$0x2] =	stream.indirect.gather [hbm4b:s15+s2], $0x10, s17, s2, $0xb8;
	[tilespmem:$0x7400] =	vst v63  }
0x40e: {  	_ =	swait.ge [sflag:s7], $0x2000  }
0x40f: {  	s17 =	sld [smem:$0x7DE]  }
0x410: {  	[sflag:s7] =	ssyncset.done $0x0  }
0x411: {  	[sflag:s7] =	ssyncadd.s32 $0xFFFFE000  }
0x412: {  	[hbm4b:s17+s5] =	stream.strided.scatter [tilespmem:s3], [sflag:$0x4], $0x2000, s6, s5, $0x38;
	[tilespmem:$0x7400] =	vst v63  }
0x413: {  	_ =	swait.ge [sflag:s4], $0x2000  }
0x414: {  	[sflag:s4] =	ssyncset.done $0x0  }
0x415: {  	[sflag:s4] =	ssyncadd.s32 $0xFFFFE000  }
0x416: {  	_ =	swait.ge [sflag:s11], $0x200  }
0x417: {  	s22 =	sld [smem:$0x7DF]  }
0x418: {  	[sflag:s11] =	ssyncset.done $0x0  }
0x419: {  	[sflag:s11] =	ssyncadd.s32 $0xFFFFFE00  }
0x41a: {  	[tilespmem:s3], [sflag:$0x3] =	stream.indirect.gather [hbm4b:s22+s2], $0x10, s18, s2, $0xb8;
	[tilespmem:$0x7400] =	vst v63  }
0x41b: {  	_ =	swait.ge [sflag:s10], $0x2000  }
0x41c: {  	s1 =	sld [smem:$0x7E0]  }
0x41d: {  	[sflag:s10] =	ssyncset.done $0x0  }
0x41e: {  	[sflag:s10] =	ssyncadd.s32 $0xFFFFE000  }
0x41f: {  	[hbm4b:s1+s5] =	stream.strided.scatter [tilespmem:s8], [sflag:$0x4], $0x2000, s6, s5, $0x38;
	[tilespmem:$0x7400] =	vst v63  }
0x420: {  	_ =	swait.ge [sflag:s4], $0x2000  }
0x421: {  	[sflag:s4] =	ssyncset.done $0x0  }
0x422: {  	[sflag:s4] =	ssyncadd.s32 $0xFFFFE000  }
0x423: {  	_ =	swait.ge [sflag:s11], $0x200  }
0x424: {  	s9 =	sld [smem:$0x7E1]  }
0x425: {  	[sflag:s11] =	ssyncset.done $0x0  }
0x426: {  	[sflag:s11] =	ssyncadd.s32 $0xFFFFFE00  }
0x427: {  	[tilespmem:s8], [sflag:$0x2] =	stream.indirect.gather [hbm4b:s9+s2], $0x10, s31, s2, $0xb8;
	[tilespmem:$0x7400] =	vst v63  }
0x428: {  	_ =	swait.ge [sflag:s7], $0x2000  }
0x429: {  	s12 =	sld [smem:$0x7E2]  }
0x42a: {  	[sflag:s7] =	ssyncset.done $0x0  }
0x42b: {  	[sflag:s7] =	ssyncadd.s32 $0xFFFFE000  }
0x42c: {  	[hbm4b:s12+s5] =	stream.strided.scatter [tilespmem:s3], [sflag:$0x4], $0x2000, s6, s5, $0x38;
	[tilespmem:$0x7400] =	vst v63  }
0x42d: {  	_ =	swait.ge [sflag:s4], $0x2000  }
0x42e: {  	[sflag:s4] =	ssyncset.done $0x0  }
0x42f: {  	[sflag:s4] =	ssyncadd.s32 $0xFFFFE000  }
0x430: {  	_ =	swait.ge [sflag:s11], $0x200  }
0x431: {  	s13 =	sld [smem:$0x7E3]  }
0x432: {  	[sflag:s11] =	ssyncset.done $0x0  }
0x433: {  	[sflag:s11] =	ssyncadd.s32 $0xFFFFFE00  }
0x434: {  	[tilespmem:s3], [sflag:$0x3] =	stream.indirect.gather [hbm4b:s13+s2], $0x10, s19, s2, $0xb8;
	[tilespmem:$0x7400] =	vst v63  }
0x435: {  	_ =	swait.ge [sflag:s10], $0x2000  }
0x436: {  	s14 =	sld [smem:$0x7E4]  }
0x437: {  	[sflag:s10] =	ssyncset.done $0x0  }
0x438: {  	[sflag:s10] =	ssyncadd.s32 $0xFFFFE000  }
0x439: {  	[hbm4b:s14+s5] =	stream.strided.scatter [tilespmem:s8], [sflag:$0x4], $0x2000, s6, s5, $0x38;
	[tilespmem:$0x7400] =	vst v63  }
0x43a: {  	_ =	swait.ge [sflag:s4], $0x2000  }
0x43b: {  	[sflag:s4] =	ssyncset.done $0x0  }
0x43c: {  	[sflag:s4] =	ssyncadd.s32 $0xFFFFE000  }
0x43d: {  	_ =	swait.ge [sflag:s11], $0x200  }
0x43e: {  	s15 =	sld [smem:$0x7E5]  }
0x43f: {  	[sflag:s11] =	ssyncset.done $0x0  }
0x440: {  	[sflag:s11] =	ssyncadd.s32 $0xFFFFFE00  }
0x441: {  	[tilespmem:s8], [sflag:$0x2] =	stream.indirect.gather [hbm4b:s15+s2], $0x10, s28, s2, $0xb8;
	[tilespmem:$0x7400] =	vst v63  }
0x442: {  	_ =	swait.ge [sflag:s7], $0x2000  }
0x443: {  	s17 =	sld [smem:$0x7E6]  }
0x444: {  	[sflag:s7] =	ssyncset.done $0x0  }
0x445: {  	[sflag:s7] =	ssyncadd.s32 $0xFFFFE000  }
0x446: {  	[hbm4b:s17+s5] =	stream.strided.scatter [tilespmem:s3], [sflag:$0x4], $0x2000, s6, s5, $0x38;
	[tilespmem:$0x7400] =	vst v63  }
0x447: {  	_ =	swait.ge [sflag:s4], $0x2000  }
0x448: {  	[sflag:s4] =	ssyncset.done $0x0  }
0x449: {  	[sflag:s4] =	ssyncadd.s32 $0xFFFFE000  }
0x44a: {  	_ =	swait.ge [sflag:s11], $0x200  }
0x44b: {  	s18 =	sld [smem:$0x7E7]  }
0x44c: {  	[sflag:s11] =	ssyncset.done $0x0  }
0x44d: {  	[sflag:s11] =	ssyncadd.s32 $0xFFFFFE00  }
0x44e: {  	[tilespmem:s3], [sflag:$0x3] =	stream.indirect.gather [hbm4b:s18+s2], $0x10, s30, s2, $0xb8;
	[tilespmem:$0x7400] =	vst v63  }
0x44f: {  	_ =	swait.ge [sflag:s10], $0x2000  }
0x450: {  	s19 =	sld [smem:$0x7E8]  }
0x451: {  	[sflag:s10] =	ssyncset.done $0x0  }
0x452: {  	[sflag:s10] =	ssyncadd.s32 $0xFFFFE000  }
0x453: {  	[hbm4b:s19+s5] =	stream.strided.scatter [tilespmem:s8], [sflag:$0x4], $0x2000, s6, s5, $0x38;
	[tilespmem:$0x7400] =	vst v63  }
0x454: {  	_ =	swait.ge [sflag:s4], $0x2000  }
0x455: {  	[sflag:s4] =	ssyncset.done $0x0  }
0x456: {  	[sflag:s4] =	ssyncadd.s32 $0xFFFFE000  }
0x457: {  	_ =	swait.ge [sflag:s11], $0x200  }
0x458: {  	s22 =	sld [smem:$0x7E9]  }
0x459: {  	[sflag:s11] =	ssyncset.done $0x0  }
0x45a: {  	[sflag:s11] =	ssyncadd.s32 $0xFFFFFE00  }
0x45b: {  	[tilespmem:s8], [sflag:$0x2] =	stream.indirect.gather [hbm4b:s22+s2], $0x10, s29, s2, $0xb8;
	[tilespmem:$0x7400] =	vst v63  }
0x45c: {  	_ =	swait.ge [sflag:s7], $0x2000  }
0x45d: {  	s28 =	sld [smem:$0x7EA]  }
0x45e: {  	[sflag:s7] =	ssyncset.done $0x0  }
0x45f: {  	[sflag:s7] =	ssyncadd.s32 $0xFFFFE000  }
0x460: {  	[hbm4b:s28+s5] =	stream.strided.scatter [tilespmem:s3], [sflag:$0x4], $0x2000, s6, s5, $0x38;
	[tilespmem:$0x7400] =	vst v63  }
0x461: {  	_ =	swait.ge [sflag:s4], $0x2000  }
0x462: {  	[sflag:s4] =	ssyncset.done $0x0  }
0x463: {  	[sflag:s4] =	ssyncadd.s32 $0xFFFFE000  }
0x464: {  	_ =	swait.ge [sflag:s11], $0x200  }
0x465: {  	s29 =	sld [smem:$0x7EB]  }
0x466: {  	[sflag:s11] =	ssyncset.done $0x0  }
0x467: {  	[sflag:s11] =	ssyncadd.s32 $0xFFFFFE00  }
0x468: {  	[tilespmem:s3], [sflag:$0x3] =	stream.indirect.gather [hbm4b:s29+s2], $0x10, s26, s2, $0xb8;
	[tilespmem:$0x7400] =	vst v63  }
0x469: {  	_ =	swait.ge [sflag:s10], $0x2000  }
0x46a: {  	s30 =	sld [smem:$0x7EC]  }
0x46b: {  	[sflag:s10] =	ssyncset.done $0x0  }
0x46c: {  	[sflag:s10] =	ssyncadd.s32 $0xFFFFE000  }
0x46d: {  	[hbm4b:s30+s5] =	stream.strided.scatter [tilespmem:s8], [sflag:$0x4], $0x2000, s6, s5, $0x38;
	[tilespmem:$0x7400] =	vst v63  }
0x46e: {  	_ =	swait.ge [sflag:s4], $0x2000  }
0x46f: {  	[sflag:s4] =	ssyncset.done $0x0  }
0x470: {  	[sflag:s4] =	ssyncadd.s32 $0xFFFFE000  }
0x471: {  	_ =	swait.ge [sflag:s11], $0x200  }
0x472: {  	s31 =	sld [smem:$0x7ED]  }
0x473: {  	[sflag:s11] =	ssyncset.done $0x0  }
0x474: {  	[sflag:s11] =	ssyncadd.s32 $0xFFFFFE00  }
0x475: {  	[tilespmem:s8], [sflag:$0x2] =	stream.indirect.gather [hbm4b:s31+s2], $0x10, s25, s2, $0xb8;
	[tilespmem:$0x7400] =	vst v63  }
0x476: {  	_ =	swait.ge [sflag:s7], $0x2000  }
0x477: {  	s1 =	sld [smem:$0x7EE]  }
0x478: {  	[sflag:s7] =	ssyncset.done $0x0  }
0x479: {  	[sflag:s7] =	ssyncadd.s32 $0xFFFFE000  }
0x47a: {  	[hbm4b:s1+s5] =	stream.strided.scatter [tilespmem:s3], [sflag:$0x4], $0x2000, s6, s5, $0x38;
	[tilespmem:$0x7400] =	vst v63  }
0x47b: {  	_ =	swait.ge [sflag:s4], $0x2000  }
0x47c: {  	[sflag:s4] =	ssyncset.done $0x0  }
0x47d: {  	[sflag:s4] =	ssyncadd.s32 $0xFFFFE000  }
0x47e: {  	_ =	swait.ge [sflag:s11], $0x200  }
0x47f: {  	s9 =	sld [smem:$0x7EF]  }
0x480: {  	[sflag:s11] =	ssyncset.done $0x0  }
0x481: {  	[sflag:s11] =	ssyncadd.s32 $0xFFFFFE00  }
0x482: {  	[tilespmem:s3], [sflag:$0x3] =	stream.indirect.gather [hbm4b:s9+s2], $0x10, s20, s2, $0xb8;
	[tilespmem:$0x7400] =	vst v63  }
0x483: {  	_ =	swait.ge [sflag:s10], $0x2000  }
0x484: {  	s12 =	sld [smem:$0x7F0]  }
0x485: {  	[sflag:s10] =	ssyncset.done $0x0  }
0x486: {  	[sflag:s10] =	ssyncadd.s32 $0xFFFFE000  }
0x487: {  	[hbm4b:s12+s5] =	stream.strided.scatter [tilespmem:s8], [sflag:$0x4], $0x2000, s6, s5, $0x38;
	[tilespmem:$0x7400] =	vst v63  }
0x488: {  	_ =	swait.ge [sflag:s4], $0x2000  }
0x489: {  	[sflag:s4] =	ssyncset.done $0x0  }
0x48a: {  	[sflag:s4] =	ssyncadd.s32 $0xFFFFE000  }
0x48b: {  	_ =	swait.ge [sflag:s11], $0x200  }
0x48c: {  	s13 =	sld [smem:$0x7F1]  }
0x48d: {  	[sflag:s11] =	ssyncset.done $0x0  }
0x48e: {  	[sflag:s11] =	ssyncadd.s32 $0xFFFFFE00  }
0x48f: {  	[tilespmem:s8], [sflag:$0x2] =	stream.indirect.gather [hbm4b:s13+s2], $0x10, s24, s2, $0xb8;
	[tilespmem:$0x7400] =	vst v63  }
0x490: {  	_ =	swait.ge [sflag:s7], $0x2000  }
0x491: {  	s14 =	sld [smem:$0x7F2]  }
0x492: {  	[sflag:s7] =	ssyncset.done $0x0  }
0x493: {  	[sflag:s7] =	ssyncadd.s32 $0xFFFFE000  }
0x494: {  	[hbm4b:s14+s5] =	stream.strided.scatter [tilespmem:s3], [sflag:$0x4], $0x2000, s6, s5, $0x38;
	[tilespmem:$0x7400] =	vst v63  }
0x495: {  	_ =	swait.ge [sflag:s4], $0x2000  }
0x496: {  	[sflag:s4] =	ssyncset.done $0x0  }
0x497: {  	[sflag:s4] =	ssyncadd.s32 $0xFFFFE000  }
0x498: {  	_ =	swait.ge [sflag:s11], $0x200  }
0x499: {  	s15 =	sld [smem:$0x7F3]  }
0x49a: {  	[sflag:s11] =	ssyncset.done $0x0  }
0x49b: {  	[sflag:s11] =	ssyncadd.s32 $0xFFFFFE00  }
0x49c: {  	[tilespmem:s3], [sflag:$0x3] =	stream.indirect.gather [hbm4b:s15+s2], $0x10, s21, s2, $0xb8;
	[tilespmem:$0x7400] =	vst v63  }
0x49d: {  	_ =	swait.ge [sflag:s10], $0x2000  }
0x49e: {  	s17 =	sld [smem:$0x7F4]  }
0x49f: {  	[sflag:s10] =	ssyncset.done $0x0  }
0x4a0: {  	[sflag:s10] =	ssyncadd.s32 $0xFFFFE000  }
0x4a1: {  	[hbm4b:s17+s5] =	stream.strided.scatter [tilespmem:s8], [sflag:$0x4], $0x2000, s6, s5, $0x38;
	[tilespmem:$0x7400] =	vst v63  }
0x4a2: {  	_ =	swait.ge [sflag:s4], $0x2000  }
0x4a3: {  	[sflag:s4] =	ssyncset.done $0x0  }
0x4a4: {  	[sflag:s4] =	ssyncadd.s32 $0xFFFFE000  }
0x4a5: {  	_ =	swait.ge [sflag:s11], $0x200  }
0x4a6: {  	s18 =	sld [smem:$0x7F5]  }
0x4a7: {  	[sflag:s11] =	ssyncset.done $0x0  }
0x4a8: {  	s19 =	simm.s32 $0x2C00;
	[sflag:s11] =	ssyncadd.s32 $0xFFFFFE00  }
0x4a9: {  	[tilespmem:s8], [sflag:$0x2] =	stream.indirect.gather [hbm4b:s18+s2], $0x10, s19, s2, $0xb8;
	[tilespmem:$0x7400] =	vst v63  }
0x4aa: {  	_ =	swait.ge [sflag:s7], $0x2000  }
0x4ab: {  	s20 =	sld [smem:$0x7F6]  }
0x4ac: {  	[sflag:s7] =	ssyncset.done $0x0  }
0x4ad: {  	[sflag:s7] =	ssyncadd.s32 $0xFFFFE000  }
0x4ae: {  	[hbm4b:s20+s5] =	stream.strided.scatter [tilespmem:s3], [sflag:$0x4], $0x2000, s6, s5, $0x38;
	[tilespmem:$0x7400] =	vst v63  }
0x4af: {  	_ =	swait.ge [sflag:s4], $0x2000  }
0x4b0: {  	[sflag:s4] =	ssyncset.done $0x0  }
0x4b1: {  	[sflag:s4] =	ssyncadd.s32 $0xFFFFE000  }
0x4b2: {  	_ =	swait.ge [sflag:s11], $0x200  }
0x4b3: {  	s21 =	sld [smem:$0x7F7]  }
0x4b4: {  	[sflag:s11] =	ssyncset.done $0x0  }
0x4b5: {  	s22 =	simm.s32 $0x2E00;
	[sflag:s11] =	ssyncadd.s32 $0xFFFFFE00  }
0x4b6: {  	[tilespmem:s3], [sflag:$0x3] =	stream.indirect.gather [hbm4b:s21+s2], $0x10, s22, s2, $0xb8;
	[tilespmem:$0x7400] =	vst v63  }
0x4b7: {  	_ =	swait.ge [sflag:s10], $0x2000  }
0x4b8: {  	s24 =	sld [smem:$0x7F8]  }
0x4b9: {  	[sflag:s10] =	ssyncset.done $0x0  }
0x4ba: {  	[sflag:s10] =	ssyncadd.s32 $0xFFFFE000  }
0x4bb: {  	[hbm4b:s24+s5] =	stream.strided.scatter [tilespmem:s8], [sflag:$0x4], $0x2000, s6, s5, $0x38;
	[tilespmem:$0x7400] =	vst v63  }
0x4bc: {  	_ =	swait.ge [sflag:s4], $0x2000  }
0x4bd: {  	[sflag:s4] =	ssyncset.done $0x0  }
0x4be: {  	[sflag:s4] =	ssyncadd.s32 $0xFFFFE000  }
0x4bf: {  	_ =	swait.ge [sflag:s11], $0x200  }
0x4c0: {  	s25 =	sld [smem:$0x7F9]  }
0x4c1: {  	[sflag:s11] =	ssyncset.done $0x0  }
0x4c2: {  	[sflag:s11] =	ssyncadd.s32 $0xFFFFFE00  }
0x4c3: {  	[tilespmem:s8], [sflag:$0x2] =	stream.indirect.gather [hbm4b:s25+s2], $0x10, s23, s2, $0xb8;
	[tilespmem:$0x7400] =	vst v63  }
0x4c4: {  	_ =	swait.ge [sflag:s7], $0x2000  }
0x4c5: {  	s26 =	sld [smem:$0x7FA]  }
0x4c6: {  	[sflag:s7] =	ssyncset.done $0x0  }
0x4c7: {  	[sflag:s7] =	ssyncadd.s32 $0xFFFFE000  }
0x4c8: {  	[hbm4b:s26+s5] =	stream.strided.scatter [tilespmem:s3], [sflag:$0x4], $0x2000, s6, s5, $0x38;
	[tilespmem:$0x7400] =	vst v63  }
0x4c9: {  	_ =	swait.ge [sflag:s4], $0x2000  }
0x4ca: {  	[sflag:s4] =	ssyncset.done $0x0  }
0x4cb: {  	[sflag:s4] =	ssyncadd.s32 $0xFFFFE000  }
0x4cc: {  	_ =	swait.ge [sflag:s11], $0x200  }
0x4cd: {  	s28 =	sld [smem:$0x7FB]  }
0x4ce: {  	[sflag:s11] =	ssyncset.done $0x0  }
0x4cf: {  	[sflag:s11] =	ssyncadd.s32 $0xFFFFFE00  }
0x4d0: {  	[tilespmem:s3], [sflag:$0x3] =	stream.indirect.gather [hbm4b:s28+s2], $0x10, s16, s2, $0xb8;
	[tilespmem:$0x7400] =	vst v63  }
0x4d1: {  	_ =	swait.ge [sflag:s10], $0x2000  }
0x4d2: {  	s29 =	sld [smem:$0x7FC]  }
0x4d3: {  	[sflag:s10] =	ssyncset.done $0x0  }
0x4d4: {  	[sflag:s10] =	ssyncadd.s32 $0xFFFFE000  }
0x4d5: {  	[hbm4b:s29+s5] =	stream.strided.scatter [tilespmem:s8], [sflag:$0x4], $0x2000, s6, s5, $0x38;
	[tilespmem:$0x7400] =	vst v63  }
0x4d6: {  	_ =	swait.ge [sflag:s4], $0x2000  }
0x4d7: {  	[sflag:s4] =	ssyncset.done $0x0  }
0x4d8: {  	[sflag:s4] =	ssyncadd.s32 $0xFFFFE000  }
0x4d9: {  	_ =	swait.ge [sflag:s7], $0x2000  }
0x4da: {  	s30 =	sld [smem:$0x7FD]  }
0x4db: {  	[sflag:s7] =	ssyncset.done $0x0  }
0x4dc: {  	[sflag:s7] =	ssyncadd.s32 $0xFFFFE000  }
0x4dd: {  	[hbm4b:s30+s5] =	stream.strided.scatter [tilespmem:s3], [sflag:$0x4], $0x2000, s6, s5, $0x38;
	[tilespmem:$0x7400] =	vst v63  }
0x4de: {  	_ =	swait.ge [sflag:s4], $0x2000  }
0x4df: {  	[sflag:s4] =	ssyncset.done $0x0  }
0x4e0: {  	[sflag:s4] =	ssyncadd.s32 $0xFFFFE000  }
0x4e1: {  	_ =	sfence.sel $0x180000  }
0x4e2: {  	[bflag:$0x0] =	sbarrier.arrive $0xFFFF  }
0x4e3: {  	_ =	strace $0x90000047  }
0x4e4: {  	s31 =	stileid.u32;
	[bflag:$0x2] =	sbarrier.arrive $0xFFFF  }
0x4e5: {  	p0 =	sne.s32 s31, $0x0;
	s0 =	rddreg [dreg:$0x2]  }
0x4e6: {  	s0 =	sadd.s32 @!p0 $0x100000, s0  }
0x4e7: {  	[sflag:s0] =	ssyncadd.tile.s32 @!p0 $0x1;
	_ =	shalt  }
.LBB2_1:
.Ltmp3:
0x4e8: {  	(pc) =	sbr.rel .LBB2_6-.Ltmp3, $2  }
0x4e9: {  	_ =	sdelay $0x2  }
0x4ea: {  	s13 =	smov.u32 s17  }
.LBB2_7:
.Ltmp4:
0x4eb: {  	(pc) =	sbr.rel .LBB2_6-.Ltmp4, $4  }
0x4ec: {  	_ = 	snop  }
0x4ed: {  	s13 =	smov.u32 s17;
	s1 =	simm.s32 $0x1200;
	s0 =	simm.s32 $0x1000  }
0x4ee: {  	s9 =	simm.s32 $0xE00;
	s23 =	simm.s32 $0xC00;
	s14 =	simm.s32 $0xA00  }
0x4ef: {  	s24 =	simm.s32 $0x800;
	s31 =	simm.s32 $0x600;
	s25 =	simm.s32 $0x400  }
.Lfunc_end2:
_tile_overlayer_lowered:
.L_overlay_start_2:
0x4f0: {  	(tag) =	ssettag $0x2  }
0x4f1: {  	s0 =	rddreg [dreg:$0x0];
	s2 =	stileid.u32  }
0x4f2: {  	s1 =	rddreg [dreg:$0x1];
	p0 =	sne.s32 s2, $0x0  }
0x4f3: {  	s3 =	rddreg [dreg:$0x2];
	[bflag:$0x3] =	sbarrier.arrive $0xFFFF;
	s2 =	simm.s32 @!p0 $0x1C04  }
0x4f4: {  	[timem:s3], [sflag:s2] =	dma.local @!p0 [hbm:s0], s1  }
0x4f5: {  	s0 =	simm.s32 @!p0 $0x4  }
0x4f6: {  	_ =	swait.ge @!p0 [sflag:s0], s1  }
0x4f7: {  	s1 =	ssub.s32 @!p0 $0x0, s1;
	[sflag:s0] =	ssyncset.done @!p0 $0x0  }
0x4f8: {  	[sflag:s0] =	ssyncadd.s32 @!p0 s1  }
0x4f9: {  	[bflag:$0x3] =	sbarrier.arrive $0xFFFF  }
0x4fa: {  	_ =	shalt  }

</sc_bundles>
